<compile_context>
chip_gen: v7x
topology: tpu7x:2x2x1
jax: 0.10.2.dev20260603
libtpu: 0.0.44.dev20260713+nightly
codegen_flags: <defaults>
</compile_context>

<pallas_src>
import jax
import jax.numpy as jnp
from jax import lax
from jax.experimental import pallas as pl
from jax.experimental.pallas import tpu as pltpu
from jax.experimental.pallas import tpu_sc as plsc
from jax._src.pallas import mpmd as _mpmd

N = 10000
E = 320000
D = 128
H = 128
NC = 2
NS = 16
NW = NC * NS
CHUNK = E // NW
VECS = CHUNK // 16
RB = 200
GB = 128
NEG = -1.0e38
S = 10112
FLAT = N * S



def _fc_body(feat_ref, w_ref, out_ref):
    out_ref[...] = lax.dot_general(
        feat_ref[...], w_ref[...], (((1,), (1,)), ((), ())),
        preferred_element_type=jnp.float32).astype(jnp.bfloat16)


def _big_body(v_ref, fcc_ref, w2_ref, bg_ref, cp_ref, s2_ref):
    v = v_ref[...]
    pad = jnp.concatenate([v, jnp.zeros((RB, S - N), jnp.float32)], axis=1)
    t4 = pad.reshape(RB // 8, 8, S // 128, 128).transpose(0, 2, 1, 3)
    cp_ref[...] = t4.reshape(RB * S)
    acc = jnp.dot(v.astype(jnp.bfloat16), fcc_ref[...],
                  preferred_element_type=jnp.float32)
    emb = jnp.maximum(acc + bg_ref[0:1, :], 0.0)
    s2_ref[0, 0, :] = jnp.sum(emb * w2_ref[0:1, :], axis=1)


def _unflatten_body(f_ref, o_ref):
    x = f_ref[...].reshape(RB // 8, S // 128, 8, 128).transpose(0, 2, 1, 3)
    o_ref[...] = x.reshape(RB, S)[:, :N]


def _stat_comb_body(m_ref, d_ref, mo_ref, io_ref):
    m = m_ref[...]
    d = d_ref[...]
    big = jnp.max(m, axis=0, keepdims=True)
    den = jnp.sum(d * jnp.exp(m - big), axis=0, keepdims=True)
    mo_ref[...] = jnp.broadcast_to(big, (8, N))
    io_ref[...] = jnp.broadcast_to(0.5 / den, (8, N))



_GDN = lax.GatherDimensionNumbers(
    offset_dims=(), collapsed_slice_dims=(0,), start_index_map=(0,))


def _perm(x, idx):
    return lax.gather(x, idx[:, None], _GDN, slice_sizes=(1,),
                      mode=lax.GatherScatterMode.PROMISE_IN_BOUNDS)


def _seg_softmax_rmw(mref, dref, keys, t):
    io = lax.iota(jnp.int32, 16)
    k, m = plsc.sort_key_val(keys, t)
    d = jnp.full((16,), 1.0, jnp.float32)
    for s in (1, 2, 4, 8):
        pidx = jnp.maximum(io - s, 0)
        pk = _perm(k, pidx)
        pm = _perm(m, pidx)
        pd = _perm(d, pidx)
        ok = (pk == k) & (io >= s)
        big = jnp.maximum(m, pm)
        nd = d * jnp.exp(m - big) + pd * jnp.exp(pm - big)
        m = jnp.where(ok, big, m)
        d = jnp.where(ok, nd, d)
    nk = _perm(k, jnp.minimum(io + 1, 15))
    last = (nk != k) | (io == 15)
    mo = plsc.load_gather(mref, [k])
    do = plsc.load_gather(dref, [k])
    big = jnp.maximum(mo, m)
    dn = do * jnp.exp(mo - big) + d * jnp.exp(m - big)
    plsc.store_scatter(mref, [k], big, mask=last)
    plsc.store_scatter(dref, [k], dn, mask=last)


def _wid():
    return lax.axis_index("s") * NC + lax.axis_index("c")


def _mesh():
    return plsc.VectorSubcoreMesh(core_axis_name="c", subcore_axis_name="s")



def _sc_stat_body(row_hbm, col_hbm, s2_hbm, rpart_hbm, dpart_hbm,
                  rowv, colv, s2v, mv, dv):
    base = _wid() * CHUNK
    pltpu.sync_copy(row_hbm.at[pl.ds(base, CHUNK)], rowv)
    pltpu.sync_copy(col_hbm.at[pl.ds(base, CHUNK)], colv)
    pltpu.sync_copy(s2_hbm, s2v)

    def init(i, _):
        mv[pl.ds(i * 16, 16)] = jnp.full((16,), NEG, jnp.float32)
        dv[pl.ds(i * 16, 16)] = jnp.zeros((16,), jnp.float32)
        return _
    lax.fori_loop(0, N // 16, init, None)

    def step(i, _):
        r = rowv[pl.ds(i * 16, 16)]
        c = colv[pl.ds(i * 16, 16)]
        t = plsc.load_gather(s2v, [c])
        _seg_softmax_rmw(mv, dv, r, t)
        return _
    lax.fori_loop(0, VECS, step, None)
    pltpu.sync_copy(mv, rpart_hbm.at[_wid()])
    pltpu.sync_copy(dv, dpart_hbm.at[_wid()])


RING = 6
NGRP = 13
UB = GB // 16
TAIL = RING * NGRP * GB


def _sc_rmw_body(outflat_in, row_hbm, col_hbm, s2_hbm, rmax_hbm, inv_hbm,
                 out_hbm, rowv, colv, s2v, rmv, invv, flv, valv, *slots):
    del outflat_in
    idxg = slots[0:RING]
    idxs = slots[RING:2 * RING]
    curg = slots[2 * RING:3 * RING]
    curs = slots[3 * RING:4 * RING]
    semg = slots[4 * RING:5 * RING]
    sems = slots[5 * RING:6 * RING]

    base = _wid() * CHUNK
    pltpu.sync_copy(row_hbm.at[pl.ds(base, CHUNK)], rowv)
    pltpu.sync_copy(col_hbm.at[pl.ds(base, CHUNK)], colv)
    pltpu.sync_copy(s2_hbm, s2v)
    pltpu.sync_copy(rmax_hbm, rmv)
    pltpu.sync_copy(inv_hbm, invv)

    def prep(i, _):
        sl = pl.ds(i * 16, 16)
        r = rowv[sl]
        c = colv[sl]
        t = plsc.load_gather(s2v, [c])
        m = plsc.load_gather(rmv, [r])
        iv = plsc.load_gather(invv, [r])
        valv[sl] = jnp.exp(t - m) * iv
        tile = (r >> 3) * (S // 128) + (c >> 7)
        flv[sl] = (tile << 10) + ((r & 7) << 7) + (c & 127)
        return _
    lax.fori_loop(0, VECS, prep, None)

    for k in range(RING):
        for u in range(UB):
            idxg[k][pl.ds(u * 16, 16)] = flv[pl.ds((k * GB + u * 16), 16)]
        pltpu.async_copy(out_hbm.at[idxg[k]], curg[k], semg[k])

    def group(g, _):
        for k in range(RING):
            j = g * RING + k
            pltpu.make_async_copy(out_hbm.at[idxg[k]], curg[k],
                                  semg[k]).wait()

            @pl.when(g > 0)
            def _wait_prev_scatter():
                pltpu.make_async_copy(curs[k], out_hbm.at[idxs[k]],
                                      sems[k]).wait()

            for u in range(UB):
                sl = pl.ds(u * 16, 16)
                curs[k][sl] = curg[k][sl] + valv[pl.ds(j * GB + u * 16, 16)]
                idxs[k][sl] = idxg[k][sl]
            pltpu.async_copy(curs[k], out_hbm.at[idxs[k]], sems[k])

            @pl.when(g < NGRP - 1)
            def _prefetch_next():
                for u in range(UB):
                    sl = pl.ds(u * 16, 16)
                    idxg[k][sl] = flv[pl.ds((j + RING) * GB + u * 16, 16)]
                pltpu.async_copy(out_hbm.at[idxg[k]], curg[k], semg[k])
        return _
    lax.fori_loop(0, NGRP, group, None)
    for k in range(RING):
        pltpu.make_async_copy(curs[k], out_hbm.at[idxs[k]], sems[k]).wait()
    idxt = slots[6 * RING]
    curt = slots[6 * RING + 1]
    idxt[...] = flv[pl.ds(TAIL, 16)]
    pltpu.async_copy(out_hbm.at[idxt], curt, semg[0]).wait()
    curt[...] = curt[...] + valv[pl.ds(TAIL, 16)]
    pltpu.async_copy(curt, out_hbm.at[idxt], semg[0]).wait()



def kernel(v_ori, feat, v_indices, num_node, W_gcn, b_gcn, W_mlp, b_mlp):
    del num_node, b_mlp
    row = v_indices[0].astype(jnp.int32)
    col = v_indices[1].astype(jnp.int32)
    w2 = W_mlp[0, H:]

    feat_fc = pl.pallas_call(
        _fc_body,
        out_shape=jax.ShapeDtypeStruct((N, H), jnp.bfloat16),
    )(feat, W_gcn)

    w2b = jnp.broadcast_to(w2[None, :], (8, H))
    bgb = jnp.broadcast_to(b_gcn[None, :], (8, H))
    copy_buf, s2_3d = pl.pallas_call(
        _big_body,
        grid=(N // RB,),
        in_specs=[
            pl.BlockSpec((RB, N), lambda i: (i, 0)),
            pl.BlockSpec((N, H), lambda i: (0, 0)),
            pl.BlockSpec((8, H), lambda i: (0, 0)),
            pl.BlockSpec((8, H), lambda i: (0, 0)),
        ],
        out_specs=[
            pl.BlockSpec((RB * S,), lambda i: (i,)),
            pl.BlockSpec((1, 1, RB), lambda i: (i, 0, 0)),
        ],
        out_shape=[
            jax.ShapeDtypeStruct((FLAT,), jnp.float32),
            jax.ShapeDtypeStruct((N // RB, 1, RB), jnp.float32),
        ],
    )(v_ori, feat_fc, w2b, bgb)
    s2 = s2_3d.reshape(N)

    rpart, dpart = pl.kernel(
        _sc_stat_body,
        out_type=(jax.ShapeDtypeStruct((NW, N), jnp.float32),
                  jax.ShapeDtypeStruct((NW, N), jnp.float32)),
        mesh=_mesh(),
        compiler_params=pltpu.CompilerParams(needs_layout_passes=False),
        scratch_types=[
            pltpu.VMEM((CHUNK,), jnp.int32),
            pltpu.VMEM((CHUNK,), jnp.int32),
            pltpu.VMEM((N,), jnp.float32),
            pltpu.VMEM((N,), jnp.float32),
            pltpu.VMEM((N,), jnp.float32),
        ],
    )(row, col, s2)

    rmax8, inv8 = pl.pallas_call(
        _stat_comb_body,
        out_shape=[jax.ShapeDtypeStruct((8, N), jnp.float32),
                   jax.ShapeDtypeStruct((8, N), jnp.float32)],
    )(rpart, dpart)
    rmax = rmax8[0]
    inv = inv8[0]

    rmw = _mpmd._mpmd_map(
        [(_mesh(), _sc_rmw_body)],
        jax.ShapeDtypeStruct((FLAT,), jnp.float32),
        input_output_aliases={0: 0},
        compiler_params=pltpu.CompilerParams(needs_layout_passes=False),
        scratch_types=[
            pltpu.VMEM((CHUNK,), jnp.int32),
            pltpu.VMEM((CHUNK,), jnp.int32),
            pltpu.VMEM((N,), jnp.float32),
            pltpu.VMEM((N,), jnp.float32),
            pltpu.VMEM((N,), jnp.float32),
            pltpu.VMEM((CHUNK,), jnp.int32),
            pltpu.VMEM((CHUNK,), jnp.float32),
        ] + [pltpu.VMEM((GB,), jnp.int32) for _ in range(2 * RING)]
          + [pltpu.VMEM((GB,), jnp.float32) for _ in range(2 * RING)]
          + [pltpu.SemaphoreType.DMA for _ in range(2 * RING)]
          + [pltpu.VMEM((16,), jnp.int32), pltpu.VMEM((16,), jnp.float32)],
        name="sc_rmw",
    )
    out_flat = rmw(copy_buf, row, col, s2, rmax, inv)

    return pl.pallas_call(
        _unflatten_body,
        grid=(N // RB,),
        in_specs=[pl.BlockSpec((RB * S,), lambda i: (i,))],
        out_specs=pl.BlockSpec((RB, N), lambda i: (i, 0)),
        out_shape=jax.ShapeDtypeStruct((N, N), jnp.float32),
    )(out_flat)

# --- scband reference (transcript-rebuilt; emitter-appended) ---
"""Pipeline reference for scband-gen-view-44452911513923 (READ-ONLY COPY).

The authoritative reference and input builder live on the scoring server;
editing this copy changes nothing except your own understanding.
"""

import jax, jax.numpy as jnp
import numpy as np

N = 10000
E = 320000
D = 128
H = 128
COM_LAMBDA = 0.5


def setup_inputs(seed: int = 0) -> dict:
    key = jax.random.key(seed)
    k1, k2, k3, k4, k5 = jax.random.split(key, 5)
    # v_ori is the (dense-materialized) adjacency matrix; torch module calls adj.to_dense()
    v_ori = jax.random.uniform(k1, (N, N), dtype=jnp.float32)
    feat = jax.random.normal(k2, (N, D), dtype=jnp.float32)
    v_indices = jax.random.randint(k3, (2, E), 0, N, dtype=jnp.int64)
    # GCN_one linear: nn.Linear(num_feature, hid, bias=False), xavier init; bias param filled 0
    W_gcn = jax.random.normal(k4, (H, D), dtype=jnp.float32) * (np.sqrt(6.0 / (D + H)) / np.sqrt(3.0))
    b_gcn = jnp.zeros((H,), dtype=jnp.float32)
    # gen_mlp: nn.Linear(2*hid, 1), xavier_normal gain=1.414
    W_mlp = jax.random.normal(k5, (1, 2 * H), dtype=jnp.float32) * (1.414 * np.sqrt(2.0 / (2 * H + 1)))
    b_mlp = jnp.zeros((1,), dtype=jnp.float32)
    return {
        "v_ori": v_ori,
        "feat": feat,
        "v_indices": v_indices,
        "num_node": N,
        "W_gcn": W_gcn,
        "b_gcn": b_gcn,
        "W_mlp": W_mlp,
        "b_mlp": b_mlp,
    }


def reference(v_ori, feat, v_indices, num_node, W_gcn, b_gcn, W_mlp, b_mlp):
    # GCN_one forward: fc(feat) -> spmm(adj, .) -> + bias -> ReLU
    feat_fc = feat @ W_gcn.T
    emb = jax.nn.relu(v_ori @ feat_fc + b_gcn)
    # gather endpoint embeddings
    f1 = emb[v_indices[0]]
    f2 = emb[v_indices[1]]
    ff = jnp.concatenate([f1, f2], axis=-1)
    # dropout p=0.0 -> identity
    temp = (ff @ W_mlp.T + b_mlp).reshape(-1)
    # sparse softmax over dim=1 (per source row)
    row = v_indices[0]
    num_segments = v_ori.shape[0]
    row_max = jax.ops.segment_max(temp, row, num_segments=num_segments)
    row_max = jnp.where(jnp.isfinite(row_max), row_max, 0.0)
    ex = jnp.exp(temp - row_max[row])
    ex = jnp.where(row < num_node, ex, 0.0)
    denom = jax.ops.segment_sum(ex, row, num_segments=num_segments)
    pi_vals = ex / denom[row]
    # densify pi and combine
    pi_dense = jnp.zeros((num_segments, num_segments), dtype=jnp.float32).at[v_indices[0], v_indices[1]].add(pi_vals)
    gen_v = v_ori + COM_LAMBDA * pi_dense
    return gen_v

if __name__ == "__main__":
    import jax
    _d = setup_inputs()
    print(jax.jit(kernel)(*tuple(_d.values())))

</pallas_src>

<mosaic_0001>
#map = affine_map<(d0, d1) -> (0)>
#map1 = affine_map<(d0, d1) -> (0, 0)>
module attributes {stable_mosaic.version = 14 : i64} {
  func.func @_sc_stat_body(%arg0: i32, %arg1: i32, %arg2: memref<320000xi32, #tpu.memory_space<hbm>>, %arg3: memref<320000xi32, #tpu.memory_space<hbm>>, %arg4: memref<10000xf32, #tpu.memory_space<hbm>>, %arg5: memref<32x10000xf32, #tpu.memory_space<hbm>>, %arg6: memref<32x10000xf32, #tpu.memory_space<hbm>>, %arg7: memref<10000xi32, #tpu.memory_space<vmem>>, %arg8: memref<10000xi32, #tpu.memory_space<vmem>>, %arg9: memref<10000xf32, #tpu.memory_space<vmem>>, %arg10: memref<10000xf32, #tpu.memory_space<vmem>>, %arg11: memref<10000xf32, #tpu.memory_space<vmem>>) attributes {dimension_semantics = [#tpu.dimension_semantics<core_parallel>, #tpu.dimension_semantics<subcore_parallel>], iteration_bounds = array<i64: 2, 16>, scalar_prefetch = 0 : i64, scratch_operands = 5 : i64, tpu.core_type = #tpu.core_type<sc_vector_subcore>, window_params = [{transform_indices = #map}, {transform_indices = #map}, {transform_indices = #map}, {transform_indices = #map1}, {transform_indices = #map1}]} {
    %mul3A = arith.constant 2 : i32
    %mul3A_0 = arith.muli %arg1, %mul3A : i32
    %add3A = arith.addi %mul3A_0, %arg0 : i32
    %mul3A_1 = arith.constant 10000 : i32
    %mul3A_2 = arith.muli %add3A, %mul3A_1 : i32
    "tpu.region"() ({
      %run_scoped3A = tpu.sem_alloc : memref<!tpu.dma_semaphore, #tpu.memory_space<semaphore_mem>>
      %dma_start3A = tpu.memref_slice %arg2[%mul3A_2] : memref<320000xi32, #tpu.memory_space<hbm>> -> memref<10000xi32, #tpu.memory_space<hbm>>
      %dma_start3A_18 = tpu.memref_slice %arg2[%mul3A_2] : memref<320000xi32, #tpu.memory_space<hbm>> -> memref<10000xi32, #tpu.memory_space<hbm>>
      tpu.enqueue_dma source(%dma_start3A_18 : memref<10000xi32, #tpu.memory_space<hbm>>) target(%arg7 : memref<10000xi32, #tpu.memory_space<vmem>>) target_semaphore(%run_scoped3A : memref<!tpu.dma_semaphore, #tpu.memory_space<semaphore_mem>>)
      %dma_wait3A = tpu.memref_slice %arg2[%mul3A_2] : memref<320000xi32, #tpu.memory_space<hbm>> -> memref<10000xi32, #tpu.memory_space<hbm>>
      %dma_wait3A_19 = tpu.memref_slice %arg2[%mul3A_2] : memref<320000xi32, #tpu.memory_space<hbm>> -> memref<10000xi32, #tpu.memory_space<hbm>>
      tpu.wait_dma2 semaphore(%run_scoped3A : memref<!tpu.dma_semaphore, #tpu.memory_space<semaphore_mem>>) src(%dma_wait3A_19 : memref<10000xi32, #tpu.memory_space<hbm>>) dst(%arg7 : memref<10000xi32, #tpu.memory_space<vmem>>)
      tpu.yield
    }) : () -> ()
    "tpu.region"() ({
      %run_scoped3A = tpu.sem_alloc : memref<!tpu.dma_semaphore, #tpu.memory_space<semaphore_mem>>
      %dma_start3A = tpu.memref_slice %arg3[%mul3A_2] : memref<320000xi32, #tpu.memory_space<hbm>> -> memref<10000xi32, #tpu.memory_space<hbm>>
      %dma_start3A_18 = tpu.memref_slice %arg3[%mul3A_2] : memref<320000xi32, #tpu.memory_space<hbm>> -> memref<10000xi32, #tpu.memory_space<hbm>>
      tpu.enqueue_dma source(%dma_start3A_18 : memref<10000xi32, #tpu.memory_space<hbm>>) target(%arg8 : memref<10000xi32, #tpu.memory_space<vmem>>) target_semaphore(%run_scoped3A : memref<!tpu.dma_semaphore, #tpu.memory_space<semaphore_mem>>)
      %dma_wait3A = tpu.memref_slice %arg3[%mul3A_2] : memref<320000xi32, #tpu.memory_space<hbm>> -> memref<10000xi32, #tpu.memory_space<hbm>>
      %dma_wait3A_19 = tpu.memref_slice %arg3[%mul3A_2] : memref<320000xi32, #tpu.memory_space<hbm>> -> memref<10000xi32, #tpu.memory_space<hbm>>
      tpu.wait_dma2 semaphore(%run_scoped3A : memref<!tpu.dma_semaphore, #tpu.memory_space<semaphore_mem>>) src(%dma_wait3A_19 : memref<10000xi32, #tpu.memory_space<hbm>>) dst(%arg8 : memref<10000xi32, #tpu.memory_space<vmem>>)
      tpu.yield
    }) : () -> ()
    "tpu.region"() ({
      %run_scoped3A = tpu.sem_alloc : memref<!tpu.dma_semaphore, #tpu.memory_space<semaphore_mem>>
      tpu.enqueue_dma source(%arg4 : memref<10000xf32, #tpu.memory_space<hbm>>) target(%arg9 : memref<10000xf32, #tpu.memory_space<vmem>>) target_semaphore(%run_scoped3A : memref<!tpu.dma_semaphore, #tpu.memory_space<semaphore_mem>>)
      tpu.wait_dma2 semaphore(%run_scoped3A : memref<!tpu.dma_semaphore, #tpu.memory_space<semaphore_mem>>) src(%arg4 : memref<10000xf32, #tpu.memory_space<hbm>>) dst(%arg9 : memref<10000xf32, #tpu.memory_space<vmem>>)
      tpu.yield
    }) : () -> ()
    %scan3A = arith.constant 0 : i32
    %scan3A_3 = arith.constant 625 : i32
    %scan3A_4 = arith.addi %scan3A, %scan3A_3 : i32
    %scan3A_5 = arith.constant 1 : i32
    scf.for %scan3A_18 = %scan3A to %scan3A_4 step %scan3A_5  : i32 {
      %broadcast_in_dim3A = arith.constant -9.99999968E+37 : f32
      %broadcast_in_dim3A_19 = vector.broadcast %broadcast_in_dim3A : f32 to vector<16xf32>
      %mul3A_20 = arith.constant 16 : i32
      %mul3A_21 = arith.muli %scan3A_18, %mul3A_20 : i32
      %swap3A = arith.index_cast %mul3A_21 : i32 to index
      %swap3A_22 = tpu.vector_load %arg10[%swap3A] {strides = array<i32>} : memref<10000xf32, #tpu.memory_space<vmem>>, vector<16xf32>,
      tpu.vector_store %arg10[%swap3A], %broadcast_in_dim3A_19 {strides = array<i32>} : memref<10000xf32, #tpu.memory_space<vmem>>, vector<16xf32>,
      %broadcast_in_dim3A_23 = arith.constant 0.000000e+00 : f32
      %broadcast_in_dim3A_24 = vector.broadcast %broadcast_in_dim3A_23 : f32 to vector<16xf32>
      %mul3A_25 = arith.constant 16 : i32
      %mul3A_26 = arith.muli %scan3A_18, %mul3A_25 : i32
      %swap3A_27 = arith.index_cast %mul3A_26 : i32 to index
      %swap3A_28 = tpu.vector_load %arg11[%swap3A_27] {strides = array<i32>} : memref<10000xf32, #tpu.memory_space<vmem>>, vector<16xf32>,
      tpu.vector_store %arg11[%swap3A_27], %broadcast_in_dim3A_24 {strides = array<i32>} : memref<10000xf32, #tpu.memory_space<vmem>>, vector<16xf32>,
    }
    %scan3A_6 = arith.constant 625 : i32
    %scan3A_7 = arith.constant 0 : i32
    %scan3A_8 = arith.constant 625 : i32
    %scan3A_9 = arith.addi %scan3A_7, %scan3A_8 : i32
    %scan3A_10 = arith.constant 1 : i32
    scf.for %scan3A_18 = %scan3A_7 to %scan3A_9 step %scan3A_10  : i32 {
      %mul3A_19 = arith.constant 16 : i32
      %mul3A_20 = arith.muli %scan3A_18, %mul3A_19 : i32
      %get3A = arith.index_cast %mul3A_20 : i32 to index
      %get3A_21 = tpu.vector_load %arg7[%get3A] {strides = array<i32>} : memref<10000xi32, #tpu.memory_space<vmem>>, vector<16xi32>,
      %mul3A_22 = arith.constant 16 : i32
      %mul3A_23 = arith.muli %scan3A_18, %mul3A_22 : i32
      %get3A_24 = arith.index_cast %mul3A_23 : i32 to index
      %get3A_25 = tpu.vector_load %arg8[%get3A_24] {strides = array<i32>} : memref<10000xi32, #tpu.memory_space<vmem>>, vector<16xi32>,
      %gather3A = tpu.vector_load_idx %arg9[%get3A_25] : memref<10000xf32, #tpu.memory_space<vmem>>[vector<16xi32>], vector<16xf32>,
      %iota3A = tpu.iota {dimensions = array<i32: 0>} : vector<16xi32>
      %masked_sort3A = arith.constant dense<true> : vector<16xi1>
      %masked_sort3A_26 = arith.constant -2147483648 : i32
      %masked_sort3A_27 = vector.broadcast %masked_sort3A_26 : i32 to vector<16xi32>
      %masked_sort3A_28 = arith.xori %get3A_21, %masked_sort3A_27 : vector<16xi32>
      %masked_sort3A_29, %masked_sort3A_30, %masked_sort3A_31 = tpu.sort %masked_sort3A_28, %gather3A masked %masked_sort3A : (vector<16xi32>, vector<16xf32>, vector<16xi1>) -> (vector<16xi1>, vector<16xi32>, vector<16xf32>)
      %masked_sort3A_32 = arith.xori %masked_sort3A_30, %masked_sort3A_27 : vector<16xi32>
      %broadcast_in_dim3A = arith.constant 1.000000e+00 : f32
      %broadcast_in_dim3A_33 = vector.broadcast %broadcast_in_dim3A : f32 to vector<16xf32>
      %sub3A = arith.constant 1 : i32
      %sub3A_34 = vector.broadcast %sub3A : i32 to vector<16xi32>
      %sub3A_35 = arith.subi %iota3A, %sub3A_34 : vector<16xi32>
      %max3A = arith.constant 0 : i32
      %max3A_36 = vector.broadcast %max3A : i32 to vector<16xi32>
      %max3A_37 = arith.maxsi %sub3A_35, %max3A_36 : vector<16xi32>
      %broadcast_in_dim3A_38 = vector.shape_cast %max3A_37 : vector<16xi32> to vector<16x1xi32>
      %gather3A_39 = vector.shape_cast %broadcast_in_dim3A_38 : vector<16x1xi32> to vector<16xi32>
      %gather3A_40 = tpu.dynamic_gather %masked_sort3A_32[%gather3A_39] in [0] : vector<16xi32>, vector<16xi32> -> vector<16xi32>
      %broadcast_in_dim3A_41 = vector.shape_cast %max3A_37 : vector<16xi32> to vector<16x1xi32>
      %gather3A_42 = vector.shape_cast %broadcast_in_dim3A_41 : vector<16x1xi32> to vector<16xi32>
      %gather3A_43 = tpu.dynamic_gather %masked_sort3A_31[%gather3A_42] in [0] : vector<16xf32>, vector<16xi32> -> vector<16xf32>
      %broadcast_in_dim3A_44 = vector.shape_cast %max3A_37 : vector<16xi32> to vector<16x1xi32>
      %gather3A_45 = vector.shape_cast %broadcast_in_dim3A_44 : vector<16x1xi32> to vector<16xi32>
      %gather3A_46 = tpu.dynamic_gather %broadcast_in_dim3A_33[%gather3A_45] in [0] : vector<16xf32>, vector<16xi32> -> vector<16xf32>
      %eq3A = arith.cmpi eq, %gather3A_40, %masked_sort3A_32 : vector<16xi32>
      %ge3A = arith.constant 1 : i32
      %ge3A_47 = vector.broadcast %ge3A : i32 to vector<16xi32>
      %ge3A_48 = arith.cmpi sge, %iota3A, %ge3A_47 : vector<16xi32>
      %and3A = arith.andi %eq3A, %ge3A_48 : vector<16xi1>
      %max3A_49 = arith.maximumf %masked_sort3A_31, %gather3A_43 : vector<16xf32>
      %sub3A_50 = arith.subf %masked_sort3A_31, %max3A_49 : vector<16xf32>
      %exp3A = math.exp %sub3A_50 : vector<16xf32>
      %mul3A_51 = arith.mulf %broadcast_in_dim3A_33, %exp3A : vector<16xf32>
      %sub3A_52 = arith.subf %gather3A_43, %max3A_49 : vector<16xf32>
      %exp3A_53 = math.exp %sub3A_52 : vector<16xf32>
      %mul3A_54 = arith.mulf %gather3A_46, %exp3A_53 : vector<16xf32>
      %add3A_55 = arith.addf %mul3A_51, %mul3A_54 : vector<16xf32>
      %select_n3A = arith.select %and3A, %max3A_49, %masked_sort3A_31 : vector<16xi1>, vector<16xf32>
      %select_n3A_56 = arith.select %and3A, %add3A_55, %broadcast_in_dim3A_33 : vector<16xi1>, vector<16xf32>
      %sub3A_57 = arith.constant 2 : i32
      %sub3A_58 = vector.broadcast %sub3A_57 : i32 to vector<16xi32>
      %sub3A_59 = arith.subi %iota3A, %sub3A_58 : vector<16xi32>
      %max3A_60 = arith.constant 0 : i32
      %max3A_61 = vector.broadcast %max3A_60 : i32 to vector<16xi32>
      %max3A_62 = arith.maxsi %sub3A_59, %max3A_61 : vector<16xi32>
      %broadcast_in_dim3A_63 = vector.shape_cast %max3A_62 : vector<16xi32> to vector<16x1xi32>
      %gather3A_64 = vector.shape_cast %broadcast_in_dim3A_63 : vector<16x1xi32> to vector<16xi32>
      %gather3A_65 = tpu.dynamic_gather %masked_sort3A_32[%gather3A_64] in [0] : vector<16xi32>, vector<16xi32> -> vector<16xi32>
      %broadcast_in_dim3A_66 = vector.shape_cast %max3A_62 : vector<16xi32> to vector<16x1xi32>
      %gather3A_67 = vector.shape_cast %broadcast_in_dim3A_66 : vector<16x1xi32> to vector<16xi32>
      %gather3A_68 = tpu.dynamic_gather %select_n3A[%gather3A_67] in [0] : vector<16xf32>, vector<16xi32> -> vector<16xf32>
      %broadcast_in_dim3A_69 = vector.shape_cast %max3A_62 : vector<16xi32> to vector<16x1xi32>
      %gather3A_70 = vector.shape_cast %broadcast_in_dim3A_69 : vector<16x1xi32> to vector<16xi32>
      %gather3A_71 = tpu.dynamic_gather %select_n3A_56[%gather3A_70] in [0] : vector<16xf32>, vector<16xi32> -> vector<16xf32>
      %eq3A_72 = arith.cmpi eq, %gather3A_65, %masked_sort3A_32 : vector<16xi32>
      %ge3A_73 = arith.constant 2 : i32
      %ge3A_74 = vector.broadcast %ge3A_73 : i32 to vector<16xi32>
      %ge3A_75 = arith.cmpi sge, %iota3A, %ge3A_74 : vector<16xi32>
      %and3A_76 = arith.andi %eq3A_72, %ge3A_75 : vector<16xi1>
      %max3A_77 = arith.maximumf %select_n3A, %gather3A_68 : vector<16xf32>
      %sub3A_78 = arith.subf %select_n3A, %max3A_77 : vector<16xf32>
      %exp3A_79 = math.exp %sub3A_78 : vector<16xf32>
      %mul3A_80 = arith.mulf %select_n3A_56, %exp3A_79 : vector<16xf32>
      %sub3A_81 = arith.subf %gather3A_68, %max3A_77 : vector<16xf32>
      %exp3A_82 = math.exp %sub3A_81 : vector<16xf32>
      %mul3A_83 = arith.mulf %gather3A_71, %exp3A_82 : vector<16xf32>
      %add3A_84 = arith.addf %mul3A_80, %mul3A_83 : vector<16xf32>
      %select_n3A_85 = arith.select %and3A_76, %max3A_77, %select_n3A : vector<16xi1>, vector<16xf32>
      %select_n3A_86 = arith.select %and3A_76, %add3A_84, %select_n3A_56 : vector<16xi1>, vector<16xf32>
      %sub3A_87 = arith.constant 4 : i32
      %sub3A_88 = vector.broadcast %sub3A_87 : i32 to vector<16xi32>
      %sub3A_89 = arith.subi %iota3A, %sub3A_88 : vector<16xi32>
      %max3A_90 = arith.constant 0 : i32
      %max3A_91 = vector.broadcast %max3A_90 : i32 to vector<16xi32>
      %max3A_92 = arith.maxsi %sub3A_89, %max3A_91 : vector<16xi32>
      %broadcast_in_dim3A_93 = vector.shape_cast %max3A_92 : vector<16xi32> to vector<16x1xi32>
      %gather3A_94 = vector.shape_cast %broadcast_in_dim3A_93 : vector<16x1xi32> to vector<16xi32>
      %gather3A_95 = tpu.dynamic_gather %masked_sort3A_32[%gather3A_94] in [0] : vector<16xi32>, vector<16xi32> -> vector<16xi32>
      %broadcast_in_dim3A_96 = vector.shape_cast %max3A_92 : vector<16xi32> to vector<16x1xi32>
      %gather3A_97 = vector.shape_cast %broadcast_in_dim3A_96 : vector<16x1xi32> to vector<16xi32>
      %gather3A_98 = tpu.dynamic_gather %select_n3A_85[%gather3A_97] in [0] : vector<16xf32>, vector<16xi32> -> vector<16xf32>
      %broadcast_in_dim3A_99 = vector.shape_cast %max3A_92 : vector<16xi32> to vector<16x1xi32>
      %gather3A_100 = vector.shape_cast %broadcast_in_dim3A_99 : vector<16x1xi32> to vector<16xi32>
      %gather3A_101 = tpu.dynamic_gather %select_n3A_86[%gather3A_100] in [0] : vector<16xf32>, vector<16xi32> -> vector<16xf32>
      %eq3A_102 = arith.cmpi eq, %gather3A_95, %masked_sort3A_32 : vector<16xi32>
      %ge3A_103 = arith.constant 4 : i32
      %ge3A_104 = vector.broadcast %ge3A_103 : i32 to vector<16xi32>
      %ge3A_105 = arith.cmpi sge, %iota3A, %ge3A_104 : vector<16xi32>
      %and3A_106 = arith.andi %eq3A_102, %ge3A_105 : vector<16xi1>
      %max3A_107 = arith.maximumf %select_n3A_85, %gather3A_98 : vector<16xf32>
      %sub3A_108 = arith.subf %select_n3A_85, %max3A_107 : vector<16xf32>
      %exp3A_109 = math.exp %sub3A_108 : vector<16xf32>
      %mul3A_110 = arith.mulf %select_n3A_86, %exp3A_109 : vector<16xf32>
      %sub3A_111 = arith.subf %gather3A_98, %max3A_107 : vector<16xf32>
      %exp3A_112 = math.exp %sub3A_111 : vector<16xf32>
      %mul3A_113 = arith.mulf %gather3A_101, %exp3A_112 : vector<16xf32>
      %add3A_114 = arith.addf %mul3A_110, %mul3A_113 : vector<16xf32>
      %select_n3A_115 = arith.select %and3A_106, %max3A_107, %select_n3A_85 : vector<16xi1>, vector<16xf32>
      %select_n3A_116 = arith.select %and3A_106, %add3A_114, %select_n3A_86 : vector<16xi1>, vector<16xf32>
      %sub3A_117 = arith.constant 8 : i32
      %sub3A_118 = vector.broadcast %sub3A_117 : i32 to vector<16xi32>
      %sub3A_119 = arith.subi %iota3A, %sub3A_118 : vector<16xi32>
      %max3A_120 = arith.constant 0 : i32
      %max3A_121 = vector.broadcast %max3A_120 : i32 to vector<16xi32>
      %max3A_122 = arith.maxsi %sub3A_119, %max3A_121 : vector<16xi32>
      %broadcast_in_dim3A_123 = vector.shape_cast %max3A_122 : vector<16xi32> to vector<16x1xi32>
      %gather3A_124 = vector.shape_cast %broadcast_in_dim3A_123 : vector<16x1xi32> to vector<16xi32>
      %gather3A_125 = tpu.dynamic_gather %masked_sort3A_32[%gather3A_124] in [0] : vector<16xi32>, vector<16xi32> -> vector<16xi32>
      %broadcast_in_dim3A_126 = vector.shape_cast %max3A_122 : vector<16xi32> to vector<16x1xi32>
      %gather3A_127 = vector.shape_cast %broadcast_in_dim3A_126 : vector<16x1xi32> to vector<16xi32>
      %gather3A_128 = tpu.dynamic_gather %select_n3A_115[%gather3A_127] in [0] : vector<16xf32>, vector<16xi32> -> vector<16xf32>
      %broadcast_in_dim3A_129 = vector.shape_cast %max3A_122 : vector<16xi32> to vector<16x1xi32>
      %gather3A_130 = vector.shape_cast %broadcast_in_dim3A_129 : vector<16x1xi32> to vector<16xi32>
      %gather3A_131 = tpu.dynamic_gather %select_n3A_116[%gather3A_130] in [0] : vector<16xf32>, vector<16xi32> -> vector<16xf32>
      %eq3A_132 = arith.cmpi eq, %gather3A_125, %masked_sort3A_32 : vector<16xi32>
      %ge3A_133 = arith.constant 8 : i32
      %ge3A_134 = vector.broadcast %ge3A_133 : i32 to vector<16xi32>
      %ge3A_135 = arith.cmpi sge, %iota3A, %ge3A_134 : vector<16xi32>
      %and3A_136 = arith.andi %eq3A_132, %ge3A_135 : vector<16xi1>
      %max3A_137 = arith.maximumf %select_n3A_115, %gather3A_128 : vector<16xf32>
      %sub3A_138 = arith.subf %select_n3A_115, %max3A_137 : vector<16xf32>
      %exp3A_139 = math.exp %sub3A_138 : vector<16xf32>
      %mul3A_140 = arith.mulf %select_n3A_116, %exp3A_139 : vector<16xf32>
      %sub3A_141 = arith.subf %gather3A_128, %max3A_137 : vector<16xf32>
      %exp3A_142 = math.exp %sub3A_141 : vector<16xf32>
      %mul3A_143 = arith.mulf %gather3A_131, %exp3A_142 : vector<16xf32>
      %add3A_144 = arith.addf %mul3A_140, %mul3A_143 : vector<16xf32>
      %select_n3A_145 = arith.select %and3A_136, %max3A_137, %select_n3A_115 : vector<16xi1>, vector<16xf32>
      %select_n3A_146 = arith.select %and3A_136, %add3A_144, %select_n3A_116 : vector<16xi1>, vector<16xf32>
      %add3A_147 = arith.constant 1 : i32
      %add3A_148 = vector.broadcast %add3A_147 : i32 to vector<16xi32>
      %add3A_149 = arith.addi %iota3A, %add3A_148 : vector<16xi32>
      %min3A = arith.constant 15 : i32
      %min3A_150 = vector.broadcast %min3A : i32 to vector<16xi32>
      %min3A_151 = arith.minsi %add3A_149, %min3A_150 : vector<16xi32>
      %broadcast_in_dim3A_152 = vector.shape_cast %min3A_151 : vector<16xi32> to vector<16x1xi32>
      %gather3A_153 = vector.shape_cast %broadcast_in_dim3A_152 : vector<16x1xi32> to vector<16xi32>
      %gather3A_154 = tpu.dynamic_gather %masked_sort3A_32[%gather3A_153] in [0] : vector<16xi32>, vector<16xi32> -> vector<16xi32>
      %ne3A = arith.cmpi ne, %gather3A_154, %masked_sort3A_32 : vector<16xi32>
      %eq3A_155 = arith.constant 15 : i32
      %eq3A_156 = vector.broadcast %eq3A_155 : i32 to vector<16xi32>
      %eq3A_157 = arith.cmpi eq, %iota3A, %eq3A_156 : vector<16xi32>
      %or3A = arith.ori %ne3A, %eq3A_157 : vector<16xi1>
      %gather3A_158 = tpu.vector_load_idx %arg10[%masked_sort3A_32] : memref<10000xf32, #tpu.memory_space<vmem>>[vector<16xi32>], vector<16xf32>,
      %gather3A_159 = tpu.vector_load_idx %arg11[%masked_sort3A_32] : memref<10000xf32, #tpu.memory_space<vmem>>[vector<16xi32>], vector<16xf32>,
      %max3A_160 = arith.maximumf %gather3A_158, %select_n3A_145 : vector<16xf32>
      %sub3A_161 = arith.subf %gather3A_158, %max3A_160 : vector<16xf32>
      %exp3A_162 = math.exp %sub3A_161 : vector<16xf32>
      %mul3A_163 = arith.mulf %gather3A_159, %exp3A_162 : vector<16xf32>
      %sub3A_164 = arith.subf %select_n3A_145, %max3A_160 : vector<16xf32>
      %exp3A_165 = math.exp %sub3A_164 : vector<16xf32>
      %mul3A_166 = arith.mulf %select_n3A_146, %exp3A_165 : vector<16xf32>
      %add3A_167 = arith.addf %mul3A_163, %mul3A_166 : vector<16xf32>
      tpu.vector_store_idx %arg10[%masked_sort3A_32], %max3A_160 masked %or3A : memref<10000xf32, #tpu.memory_space<vmem>>[vector<16xi32>], vector<16xf32>, vector<16xi1>
      tpu.vector_store_idx %arg11[%masked_sort3A_32], %add3A_167 masked %or3A : memref<10000xf32, #tpu.memory_space<vmem>>[vector<16xi32>], vector<16xf32>, vector<16xi1>
    }
    %scan3A_11 = arith.constant 625 : i32
    %mul3A_12 = arith.constant 2 : i32
    %mul3A_13 = arith.muli %arg1, %mul3A_12 : i32
    %add3A_14 = arith.addi %mul3A_13, %arg0 : i32
    "tpu.region"() ({
      %run_scoped3A = tpu.sem_alloc : memref<!tpu.dma_semaphore, #tpu.memory_space<semaphore_mem>>
      %dma_start3A = arith.constant 0 : i32
      %dma_start3A_18 = tpu.memref_slice %arg5[%add3A_14, %dma_start3A] : memref<32x10000xf32, #tpu.memory_space<hbm>> -> memref<1x10000xf32, #tpu.memory_space<hbm>>
      %dma_start3A_19 = tpu.memref_squeeze %dma_start3A_18 : memref<1x10000xf32, #tpu.memory_space<hbm>> -> memref<10000xf32, #tpu.memory_space<hbm>>
      %dma_start3A_20 = arith.constant 0 : i32
      %dma_start3A_21 = tpu.memref_slice %arg5[%add3A_14, %dma_start3A_20] : memref<32x10000xf32, #tpu.memory_space<hbm>> -> memref<1x10000xf32, #tpu.memory_space<hbm>>
      %dma_start3A_22 = tpu.memref_squeeze %dma_start3A_21 : memref<1x10000xf32, #tpu.memory_space<hbm>> -> memref<10000xf32, #tpu.memory_space<hbm>>
      tpu.enqueue_dma source(%arg10 : memref<10000xf32, #tpu.memory_space<vmem>>) target(%dma_start3A_22 : memref<10000xf32, #tpu.memory_space<hbm>>) target_semaphore(%run_scoped3A : memref<!tpu.dma_semaphore, #tpu.memory_space<semaphore_mem>>)
      %dma_wait3A = arith.constant 0 : i32
      %dma_wait3A_23 = tpu.memref_slice %arg5[%add3A_14, %dma_wait3A] : memref<32x10000xf32, #tpu.memory_space<hbm>> -> memref<1x10000xf32, #tpu.memory_space<hbm>>
      %dma_wait3A_24 = tpu.memref_squeeze %dma_wait3A_23 : memref<1x10000xf32, #tpu.memory_space<hbm>> -> memref<10000xf32, #tpu.memory_space<hbm>>
      %dma_wait3A_25 = arith.constant 0 : i32
      %dma_wait3A_26 = tpu.memref_slice %arg5[%add3A_14, %dma_wait3A_25] : memref<32x10000xf32, #tpu.memory_space<hbm>> -> memref<1x10000xf32, #tpu.memory_space<hbm>>
      %dma_wait3A_27 = tpu.memref_squeeze %dma_wait3A_26 : memref<1x10000xf32, #tpu.memory_space<hbm>> -> memref<10000xf32, #tpu.memory_space<hbm>>
      tpu.wait_dma2 semaphore(%run_scoped3A : memref<!tpu.dma_semaphore, #tpu.memory_space<semaphore_mem>>) src(%arg10 : memref<10000xf32, #tpu.memory_space<vmem>>) dst(%dma_wait3A_27 : memref<10000xf32, #tpu.memory_space<hbm>>)
      tpu.yield
    }) : () -> ()
    %mul3A_15 = arith.constant 2 : i32
    %mul3A_16 = arith.muli %arg1, %mul3A_15 : i32
    %add3A_17 = arith.addi %mul3A_16, %arg0 : i32
    "tpu.region"() ({
      %run_scoped3A = tpu.sem_alloc : memref<!tpu.dma_semaphore, #tpu.memory_space<semaphore_mem>>
      %dma_start3A = arith.constant 0 : i32
      %dma_start3A_18 = tpu.memref_slice %arg6[%add3A_17, %dma_start3A] : memref<32x10000xf32, #tpu.memory_space<hbm>> -> memref<1x10000xf32, #tpu.memory_space<hbm>>
      %dma_start3A_19 = tpu.memref_squeeze %dma_start3A_18 : memref<1x10000xf32, #tpu.memory_space<hbm>> -> memref<10000xf32, #tpu.memory_space<hbm>>
      %dma_start3A_20 = arith.constant 0 : i32
      %dma_start3A_21 = tpu.memref_slice %arg6[%add3A_17, %dma_start3A_20] : memref<32x10000xf32, #tpu.memory_space<hbm>> -> memref<1x10000xf32, #tpu.memory_space<hbm>>
      %dma_start3A_22 = tpu.memref_squeeze %dma_start3A_21 : memref<1x10000xf32, #tpu.memory_space<hbm>> -> memref<10000xf32, #tpu.memory_space<hbm>>
      tpu.enqueue_dma source(%arg11 : memref<10000xf32, #tpu.memory_space<vmem>>) target(%dma_start3A_22 : memref<10000xf32, #tpu.memory_space<hbm>>) target_semaphore(%run_scoped3A : memref<!tpu.dma_semaphore, #tpu.memory_space<semaphore_mem>>)
      %dma_wait3A = arith.constant 0 : i32
      %dma_wait3A_23 = tpu.memref_slice %arg6[%add3A_17, %dma_wait3A] : memref<32x10000xf32, #tpu.memory_space<hbm>> -> memref<1x10000xf32, #tpu.memory_space<hbm>>
      %dma_wait3A_24 = tpu.memref_squeeze %dma_wait3A_23 : memref<1x10000xf32, #tpu.memory_space<hbm>> -> memref<10000xf32, #tpu.memory_space<hbm>>
      %dma_wait3A_25 = arith.constant 0 : i32
      %dma_wait3A_26 = tpu.memref_slice %arg6[%add3A_17, %dma_wait3A_25] : memref<32x10000xf32, #tpu.memory_space<hbm>> -> memref<1x10000xf32, #tpu.memory_space<hbm>>
      %dma_wait3A_27 = tpu.memref_squeeze %dma_wait3A_26 : memref<1x10000xf32, #tpu.memory_space<hbm>> -> memref<10000xf32, #tpu.memory_space<hbm>>
      tpu.wait_dma2 semaphore(%run_scoped3A : memref<!tpu.dma_semaphore, #tpu.memory_space<semaphore_mem>>) src(%arg11 : memref<10000xf32, #tpu.memory_space<vmem>>) dst(%dma_wait3A_27 : memref<10000xf32, #tpu.memory_space<hbm>>)
      tpu.yield
    }) : () -> ()
    return
  }
}

#map = affine_map<(d0, d1) -> (0)>
module attributes {stable_mosaic.version = 14 : i64} {
  func.func @sc_rmw(%arg0: i32, %arg1: i32, %arg2: memref<101120000xf32, #tpu.memory_space<hbm>>, %arg3: memref<320000xi32, #tpu.memory_space<hbm>>, %arg4: memref<320000xi32, #tpu.memory_space<hbm>>, %arg5: memref<10000xf32, #tpu.memory_space<hbm>>, %arg6: memref<10000xf32, #tpu.memory_space<hbm>>, %arg7: memref<10000xf32, #tpu.memory_space<hbm>>, %arg8: memref<101120000xf32, #tpu.memory_space<hbm>>, %arg9: memref<10000xi32, #tpu.memory_space<vmem>>, %arg10: memref<10000xi32, #tpu.memory_space<vmem>>, %arg11: memref<10000xf32, #tpu.memory_space<vmem>>, %arg12: memref<10000xf32, #tpu.memory_space<vmem>>, %arg13: memref<10000xf32, #tpu.memory_space<vmem>>, %arg14: memref<10000xi32, #tpu.memory_space<vmem>>, %arg15: memref<10000xf32, #tpu.memory_space<vmem>>, %arg16: memref<128xi32, #tpu.memory_space<vmem>>, %arg17: memref<128xi32, #tpu.memory_space<vmem>>, %arg18: memref<128xi32, #tpu.memory_space<vmem>>, %arg19: memref<128xi32, #tpu.memory_space<vmem>>, %arg20: memref<128xi32, #tpu.memory_space<vmem>>, %arg21: memref<128xi32, #tpu.memory_space<vmem>>, %arg22: memref<128xi32, #tpu.memory_space<vmem>>, %arg23: memref<128xi32, #tpu.memory_space<vmem>>, %arg24: memref<128xi32, #tpu.memory_space<vmem>>, %arg25: memref<128xi32, #tpu.memory_space<vmem>>, %arg26: memref<128xi32, #tpu.memory_space<vmem>>, %arg27: memref<128xi32, #tpu.memory_space<vmem>>, %arg28: memref<128xf32, #tpu.memory_space<vmem>>, %arg29: memref<128xf32, #tpu.memory_space<vmem>>, %arg30: memref<128xf32, #tpu.memory_space<vmem>>, %arg31: memref<128xf32, #tpu.memory_space<vmem>>, %arg32: memref<128xf32, #tpu.memory_space<vmem>>, %arg33: memref<128xf32, #tpu.memory_space<vmem>>, %arg34: memref<128xf32, #tpu.memory_space<vmem>>, %arg35: memref<128xf32, #tpu.memory_space<vmem>>, %arg36: memref<128xf32, #tpu.memory_space<vmem>>, %arg37: memref<128xf32, #tpu.memory_space<vmem>>, %arg38: memref<128xf32, #tpu.memory_space<vmem>>, %arg39: memref<128xf32, #tpu.memory_space<vmem>>, %arg40: memref<!tpu.dma_semaphore, #tpu.memory_space<semaphore_mem>>, %arg41: memref<!tpu.dma_semaphore, #tpu.memory_space<semaphore_mem>>, %arg42: memref<!tpu.dma_semaphore, #tpu.memory_space<semaphore_mem>>, %arg43: memref<!tpu.dma_semaphore, #tpu.memory_space<semaphore_mem>>, %arg44: memref<!tpu.dma_semaphore, #tpu.memory_space<semaphore_mem>>, %arg45: memref<!tpu.dma_semaphore, #tpu.memory_space<semaphore_mem>>, %arg46: memref<!tpu.dma_semaphore, #tpu.memory_space<semaphore_mem>>, %arg47: memref<!tpu.dma_semaphore, #tpu.memory_space<semaphore_mem>>, %arg48: memref<!tpu.dma_semaphore, #tpu.memory_space<semaphore_mem>>, %arg49: memref<!tpu.dma_semaphore, #tpu.memory_space<semaphore_mem>>, %arg50: memref<!tpu.dma_semaphore, #tpu.memory_space<semaphore_mem>>, %arg51: memref<!tpu.dma_semaphore, #tpu.memory_space<semaphore_mem>>, %arg52: memref<16xi32, #tpu.memory_space<vmem>>, %arg53: memref<16xf32, #tpu.memory_space<vmem>>) attributes {dimension_semantics = [#tpu.dimension_semantics<core_parallel>, #tpu.dimension_semantics<subcore_parallel>], iteration_bounds = array<i64: 2, 16>, scalar_prefetch = 0 : i64, scratch_operands = 45 : i64, tpu.core_type = #tpu.core_type<sc_vector_subcore>, window_params = [{transform_indices = #map}, {transform_indices = #map}, {transform_indices = #map}, {transform_indices = #map}, {transform_indices = #map}, {transform_indices = #map}, {transform_indices = #map}]} {
    %mul3A = arith.constant 2 : i32
    %mul3A_0 = arith.muli %arg1, %mul3A : i32
    %add3A = arith.addi %mul3A_0, %arg0 : i32
    %mul3A_1 = arith.constant 10000 : i32
    %mul3A_2 = arith.muli %add3A, %mul3A_1 : i32
    "tpu.region"() ({
      %run_scoped3A = tpu.sem_alloc : memref<!tpu.dma_semaphore, #tpu.memory_space<semaphore_mem>>
      %dma_start3A_243 = tpu.memref_slice %arg3[%mul3A_2] : memref<320000xi32, #tpu.memory_space<hbm>> -> memref<10000xi32, #tpu.memory_space<hbm>>
      %dma_start3A_244 = tpu.memref_slice %arg3[%mul3A_2] : memref<320000xi32, #tpu.memory_space<hbm>> -> memref<10000xi32, #tpu.memory_space<hbm>>
      tpu.enqueue_dma source(%dma_start3A_244 : memref<10000xi32, #tpu.memory_space<hbm>>) target(%arg9 : memref<10000xi32, #tpu.memory_space<vmem>>) target_semaphore(%run_scoped3A : memref<!tpu.dma_semaphore, #tpu.memory_space<semaphore_mem>>)
      %dma_wait3A_245 = tpu.memref_slice %arg3[%mul3A_2] : memref<320000xi32, #tpu.memory_space<hbm>> -> memref<10000xi32, #tpu.memory_space<hbm>>
      %dma_wait3A_246 = tpu.memref_slice %arg3[%mul3A_2] : memref<320000xi32, #tpu.memory_space<hbm>> -> memref<10000xi32, #tpu.memory_space<hbm>>
      tpu.wait_dma2 semaphore(%run_scoped3A : memref<!tpu.dma_semaphore, #tpu.memory_space<semaphore_mem>>) src(%dma_wait3A_246 : memref<10000xi32, #tpu.memory_space<hbm>>) dst(%arg9 : memref<10000xi32, #tpu.memory_space<vmem>>)
      tpu.yield
    }) : () -> ()
    "tpu.region"() ({
      %run_scoped3A = tpu.sem_alloc : memref<!tpu.dma_semaphore, #tpu.memory_space<semaphore_mem>>
      %dma_start3A_243 = tpu.memref_slice %arg4[%mul3A_2] : memref<320000xi32, #tpu.memory_space<hbm>> -> memref<10000xi32, #tpu.memory_space<hbm>>
      %dma_start3A_244 = tpu.memref_slice %arg4[%mul3A_2] : memref<320000xi32, #tpu.memory_space<hbm>> -> memref<10000xi32, #tpu.memory_space<hbm>>
      tpu.enqueue_dma source(%dma_start3A_244 : memref<10000xi32, #tpu.memory_space<hbm>>) target(%arg10 : memref<10000xi32, #tpu.memory_space<vmem>>) target_semaphore(%run_scoped3A : memref<!tpu.dma_semaphore, #tpu.memory_space<semaphore_mem>>)
      %dma_wait3A_245 = tpu.memref_slice %arg4[%mul3A_2] : memref<320000xi32, #tpu.memory_space<hbm>> -> memref<10000xi32, #tpu.memory_space<hbm>>
      %dma_wait3A_246 = tpu.memref_slice %arg4[%mul3A_2] : memref<320000xi32, #tpu.memory_space<hbm>> -> memref<10000xi32, #tpu.memory_space<hbm>>
      tpu.wait_dma2 semaphore(%run_scoped3A : memref<!tpu.dma_semaphore, #tpu.memory_space<semaphore_mem>>) src(%dma_wait3A_246 : memref<10000xi32, #tpu.memory_space<hbm>>) dst(%arg10 : memref<10000xi32, #tpu.memory_space<vmem>>)
      tpu.yield
    }) : () -> ()
    "tpu.region"() ({
      %run_scoped3A = tpu.sem_alloc : memref<!tpu.dma_semaphore, #tpu.memory_space<semaphore_mem>>
      tpu.enqueue_dma source(%arg5 : memref<10000xf32, #tpu.memory_space<hbm>>) target(%arg11 : memref<10000xf32, #tpu.memory_space<vmem>>) target_semaphore(%run_scoped3A : memref<!tpu.dma_semaphore, #tpu.memory_space<semaphore_mem>>)
      tpu.wait_dma2 semaphore(%run_scoped3A : memref<!tpu.dma_semaphore, #tpu.memory_space<semaphore_mem>>) src(%arg5 : memref<10000xf32, #tpu.memory_space<hbm>>) dst(%arg11 : memref<10000xf32, #tpu.memory_space<vmem>>)
      tpu.yield
    }) : () -> ()
    "tpu.region"() ({
      %run_scoped3A = tpu.sem_alloc : memref<!tpu.dma_semaphore, #tpu.memory_space<semaphore_mem>>
      tpu.enqueue_dma source(%arg6 : memref<10000xf32, #tpu.memory_space<hbm>>) target(%arg12 : memref<10000xf32, #tpu.memory_space<vmem>>) target_semaphore(%run_scoped3A : memref<!tpu.dma_semaphore, #tpu.memory_space<semaphore_mem>>)
      tpu.wait_dma2 semaphore(%run_scoped3A : memref<!tpu.dma_semaphore, #tpu.memory_space<semaphore_mem>>) src(%arg6 : memref<10000xf32, #tpu.memory_space<hbm>>) dst(%arg12 : memref<10000xf32, #tpu.memory_space<vmem>>)
      tpu.yield
    }) : () -> ()
    "tpu.region"() ({
      %run_scoped3A = tpu.sem_alloc : memref<!tpu.dma_semaphore, #tpu.memory_space<semaphore_mem>>
      tpu.enqueue_dma source(%arg7 : memref<10000xf32, #tpu.memory_space<hbm>>) target(%arg13 : memref<10000xf32, #tpu.memory_space<vmem>>) target_semaphore(%run_scoped3A : memref<!tpu.dma_semaphore, #tpu.memory_space<semaphore_mem>>)
      tpu.wait_dma2 semaphore(%run_scoped3A : memref<!tpu.dma_semaphore, #tpu.memory_space<semaphore_mem>>) src(%arg7 : memref<10000xf32, #tpu.memory_space<hbm>>) dst(%arg13 : memref<10000xf32, #tpu.memory_space<vmem>>)
      tpu.yield
    }) : () -> ()
    %scan3A = arith.constant 0 : i32
    %scan3A_3 = arith.constant 625 : i32
    %scan3A_4 = arith.addi %scan3A, %scan3A_3 : i32
    %scan3A_5 = arith.constant 1 : i32
    scf.for %scan3A_243 = %scan3A to %scan3A_4 step %scan3A_5  : i32 {
      %mul3A_244 = arith.constant 16 : i32
      %mul3A_245 = arith.muli %scan3A_243, %mul3A_244 : i32
      %get3A_246 = arith.index_cast %mul3A_245 : i32 to index
      %get3A_247 = tpu.vector_load %arg9[%get3A_246] {strides = array<i32>} : memref<10000xi32, #tpu.memory_space<vmem>>, vector<16xi32>,
      %get3A_248 = arith.index_cast %mul3A_245 : i32 to index
      %get3A_249 = tpu.vector_load %arg10[%get3A_248] {strides = array<i32>} : memref<10000xi32, #tpu.memory_space<vmem>>, vector<16xi32>,
      %gather3A = tpu.vector_load_idx %arg11[%get3A_249] : memref<10000xf32, #tpu.memory_space<vmem>>[vector<16xi32>], vector<16xf32>,
      %gather3A_250 = tpu.vector_load_idx %arg12[%get3A_247] : memref<10000xf32, #tpu.memory_space<vmem>>[vector<16xi32>], vector<16xf32>,
      %gather3A_251 = tpu.vector_load_idx %arg13[%get3A_247] : memref<10000xf32, #tpu.memory_space<vmem>>[vector<16xi32>], vector<16xf32>,
      %sub3A = arith.subf %gather3A, %gather3A_250 : vector<16xf32>
      %exp3A = math.exp %sub3A : vector<16xf32>
      %mul3A_252 = arith.mulf %exp3A, %gather3A_251 : vector<16xf32>
      %swap3A_253 = arith.index_cast %mul3A_245 : i32 to index
      %swap3A_254 = tpu.vector_load %arg15[%swap3A_253] {strides = array<i32>} : memref<10000xf32, #tpu.memory_space<vmem>>, vector<16xf32>,
      tpu.vector_store %arg15[%swap3A_253], %mul3A_252 {strides = array<i32>} : memref<10000xf32, #tpu.memory_space<vmem>>, vector<16xf32>,
      %shift_right_arithmetic3A = arith.constant 3 : i32
      %shift_right_arithmetic3A_255 = vector.broadcast %shift_right_arithmetic3A : i32 to vector<16xi32>
      %shift_right_arithmetic3A_256 = arith.shrsi %get3A_247, %shift_right_arithmetic3A_255 : vector<16xi32>
      %mul3A_257 = arith.constant 79 : i32
      %mul3A_258 = vector.broadcast %mul3A_257 : i32 to vector<16xi32>
      %mul3A_259 = arith.muli %shift_right_arithmetic3A_256, %mul3A_258 : vector<16xi32>
      %shift_right_arithmetic3A_260 = arith.constant 7 : i32
      %shift_right_arithmetic3A_261 = vector.broadcast %shift_right_arithmetic3A_260 : i32 to vector<16xi32>
      %shift_right_arithmetic3A_262 = arith.shrsi %get3A_249, %shift_right_arithmetic3A_261 : vector<16xi32>
      %add3A_263 = arith.addi %mul3A_259, %shift_right_arithmetic3A_262 : vector<16xi32>
      %shift_left3A = arith.constant 10 : i32
      %shift_left3A_264 = vector.broadcast %shift_left3A : i32 to vector<16xi32>
      %shift_left3A_265 = arith.shli %add3A_263, %shift_left3A_264 : vector<16xi32>
      %and3A = arith.constant 7 : i32
      %and3A_266 = vector.broadcast %and3A : i32 to vector<16xi32>
      %and3A_267 = arith.andi %get3A_247, %and3A_266 : vector<16xi32>
      %shift_left3A_268 = arith.constant 7 : i32
      %shift_left3A_269 = vector.broadcast %shift_left3A_268 : i32 to vector<16xi32>
      %shift_left3A_270 = arith.shli %and3A_267, %shift_left3A_269 : vector<16xi32>
      %add3A_271 = arith.addi %shift_left3A_265, %shift_left3A_270 : vector<16xi32>
      %and3A_272 = arith.constant 127 : i32
      %and3A_273 = vector.broadcast %and3A_272 : i32 to vector<16xi32>
      %and3A_274 = arith.andi %get3A_249, %and3A_273 : vector<16xi32>
      %add3A_275 = arith.addi %add3A_271, %and3A_274 : vector<16xi32>
      %swap3A_276 = arith.index_cast %mul3A_245 : i32 to index
      %swap3A_277 = tpu.vector_load %arg14[%swap3A_276] {strides = array<i32>} : memref<10000xi32, #tpu.memory_space<vmem>>, vector<16xi32>,
      tpu.vector_store %arg14[%swap3A_276], %add3A_275 {strides = array<i32>} : memref<10000xi32, #tpu.memory_space<vmem>>, vector<16xi32>,
    }
    %scan3A_6 = arith.constant 625 : i32
    %get3A = arith.constant 0 : index
    %get3A_7 = tpu.vector_load %arg14[%get3A] {strides = array<i32>} : memref<10000xi32, #tpu.memory_space<vmem>>, vector<16xi32>,
    %swap3A = arith.constant 0 : index
    %swap3A_8 = tpu.vector_load %arg16[%swap3A] {strides = array<i32>} : memref<128xi32, #tpu.memory_space<vmem>>, vector<16xi32>,
    tpu.vector_store %arg16[%swap3A], %get3A_7 {strides = array<i32>} : memref<128xi32, #tpu.memory_space<vmem>>, vector<16xi32>,
    %get3A_9 = arith.constant 16 : index
    %get3A_10 = tpu.vector_load %arg14[%get3A_9] {strides = array<i32>} : memref<10000xi32, #tpu.memory_space<vmem>>, vector<16xi32>,
    %swap3A_11 = arith.constant 16 : index
    %swap3A_12 = tpu.vector_load %arg16[%swap3A_11] {strides = array<i32>} : memref<128xi32, #tpu.memory_space<vmem>>, vector<16xi32>,
    tpu.vector_store %arg16[%swap3A_11], %get3A_10 {strides = array<i32>} : memref<128xi32, #tpu.memory_space<vmem>>, vector<16xi32>,
    %get3A_13 = arith.constant 32 : index
    %get3A_14 = tpu.vector_load %arg14[%get3A_13] {strides = array<i32>} : memref<10000xi32, #tpu.memory_space<vmem>>, vector<16xi32>,
    %swap3A_15 = arith.constant 32 : index
    %swap3A_16 = tpu.vector_load %arg16[%swap3A_15] {strides = array<i32>} : memref<128xi32, #tpu.memory_space<vmem>>, vector<16xi32>,
    tpu.vector_store %arg16[%swap3A_15], %get3A_14 {strides = array<i32>} : memref<128xi32, #tpu.memory_space<vmem>>, vector<16xi32>,
    %get3A_17 = arith.constant 48 : index
    %get3A_18 = tpu.vector_load %arg14[%get3A_17] {strides = array<i32>} : memref<10000xi32, #tpu.memory_space<vmem>>, vector<16xi32>,
    %swap3A_19 = arith.constant 48 : index
    %swap3A_20 = tpu.vector_load %arg16[%swap3A_19] {strides = array<i32>} : memref<128xi32, #tpu.memory_space<vmem>>, vector<16xi32>,
    tpu.vector_store %arg16[%swap3A_19], %get3A_18 {strides = array<i32>} : memref<128xi32, #tpu.memory_space<vmem>>, vector<16xi32>,
    %get3A_21 = arith.constant 64 : index
    %get3A_22 = tpu.vector_load %arg14[%get3A_21] {strides = array<i32>} : memref<10000xi32, #tpu.memory_space<vmem>>, vector<16xi32>,
    %swap3A_23 = arith.constant 64 : index
    %swap3A_24 = tpu.vector_load %arg16[%swap3A_23] {strides = array<i32>} : memref<128xi32, #tpu.memory_space<vmem>>, vector<16xi32>,
    tpu.vector_store %arg16[%swap3A_23], %get3A_22 {strides = array<i32>} : memref<128xi32, #tpu.memory_space<vmem>>, vector<16xi32>,
    %get3A_25 = arith.constant 80 : index
    %get3A_26 = tpu.vector_load %arg14[%get3A_25] {strides = array<i32>} : memref<10000xi32, #tpu.memory_space<vmem>>, vector<16xi32>,
    %swap3A_27 = arith.constant 80 : index
    %swap3A_28 = tpu.vector_load %arg16[%swap3A_27] {strides = array<i32>} : memref<128xi32, #tpu.memory_space<vmem>>, vector<16xi32>,
    tpu.vector_store %arg16[%swap3A_27], %get3A_26 {strides = array<i32>} : memref<128xi32, #tpu.memory_space<vmem>>, vector<16xi32>,
    %get3A_29 = arith.constant 96 : index
    %get3A_30 = tpu.vector_load %arg14[%get3A_29] {strides = array<i32>} : memref<10000xi32, #tpu.memory_space<vmem>>, vector<16xi32>,
    %swap3A_31 = arith.constant 96 : index
    %swap3A_32 = tpu.vector_load %arg16[%swap3A_31] {strides = array<i32>} : memref<128xi32, #tpu.memory_space<vmem>>, vector<16xi32>,
    tpu.vector_store %arg16[%swap3A_31], %get3A_30 {strides = array<i32>} : memref<128xi32, #tpu.memory_space<vmem>>, vector<16xi32>,
    %get3A_33 = arith.constant 112 : index
    %get3A_34 = tpu.vector_load %arg14[%get3A_33] {strides = array<i32>} : memref<10000xi32, #tpu.memory_space<vmem>>, vector<16xi32>,
    %swap3A_35 = arith.constant 112 : index
    %swap3A_36 = tpu.vector_load %arg16[%swap3A_35] {strides = array<i32>} : memref<128xi32, #tpu.memory_space<vmem>>, vector<16xi32>,
    tpu.vector_store %arg16[%swap3A_35], %get3A_34 {strides = array<i32>} : memref<128xi32, #tpu.memory_space<vmem>>, vector<16xi32>,
    %dma_start3A = arith.constant 0 : i32
    %dma_start3A_37 = tpu.memref_slice %arg8[%dma_start3A] : memref<101120000xf32, #tpu.memory_space<hbm>> -> memref<101120000xf32, #tpu.memory_space<hbm>>
    tpu.enqueue_indirect_dma source(%dma_start3A_37 : memref<101120000xf32, #tpu.memory_space<hbm>>) target(%arg28 : memref<128xf32, #tpu.memory_space<vmem>>) offsets(%arg16 : memref<128xi32, #tpu.memory_space<vmem>>) semaphore(%arg40 : memref<!tpu.dma_semaphore, #tpu.memory_space<semaphore_mem>>)
    %get3A_38 = arith.constant 128 : index
    %get3A_39 = tpu.vector_load %arg14[%get3A_38] {strides = array<i32>} : memref<10000xi32, #tpu.memory_space<vmem>>, vector<16xi32>,
    %swap3A_40 = arith.constant 0 : index
    %swap3A_41 = tpu.vector_load %arg17[%swap3A_40] {strides = array<i32>} : memref<128xi32, #tpu.memory_space<vmem>>, vector<16xi32>,
    tpu.vector_store %arg17[%swap3A_40], %get3A_39 {strides = array<i32>} : memref<128xi32, #tpu.memory_space<vmem>>, vector<16xi32>,
    %get3A_42 = arith.constant 144 : index
    %get3A_43 = tpu.vector_load %arg14[%get3A_42] {strides = array<i32>} : memref<10000xi32, #tpu.memory_space<vmem>>, vector<16xi32>,
    %swap3A_44 = arith.constant 16 : index
    %swap3A_45 = tpu.vector_load %arg17[%swap3A_44] {strides = array<i32>} : memref<128xi32, #tpu.memory_space<vmem>>, vector<16xi32>,
    tpu.vector_store %arg17[%swap3A_44], %get3A_43 {strides = array<i32>} : memref<128xi32, #tpu.memory_space<vmem>>, vector<16xi32>,
    %get3A_46 = arith.constant 160 : index
    %get3A_47 = tpu.vector_load %arg14[%get3A_46] {strides = array<i32>} : memref<10000xi32, #tpu.memory_space<vmem>>, vector<16xi32>,
    %swap3A_48 = arith.constant 32 : index
    %swap3A_49 = tpu.vector_load %arg17[%swap3A_48] {strides = array<i32>} : memref<128xi32, #tpu.memory_space<vmem>>, vector<16xi32>,
    tpu.vector_store %arg17[%swap3A_48], %get3A_47 {strides = array<i32>} : memref<128xi32, #tpu.memory_space<vmem>>, vector<16xi32>,
    %get3A_50 = arith.constant 176 : index
    %get3A_51 = tpu.vector_load %arg14[%get3A_50] {strides = array<i32>} : memref<10000xi32, #tpu.memory_space<vmem>>, vector<16xi32>,
    %swap3A_52 = arith.constant 48 : index
    %swap3A_53 = tpu.vector_load %arg17[%swap3A_52] {strides = array<i32>} : memref<128xi32, #tpu.memory_space<vmem>>, vector<16xi32>,
    tpu.vector_store %arg17[%swap3A_52], %get3A_51 {strides = array<i32>} : memref<128xi32, #tpu.memory_space<vmem>>, vector<16xi32>,
    %get3A_54 = arith.constant 192 : index
    %get3A_55 = tpu.vector_load %arg14[%get3A_54] {strides = array<i32>} : memref<10000xi32, #tpu.memory_space<vmem>>, vector<16xi32>,
    %swap3A_56 = arith.constant 64 : index
    %swap3A_57 = tpu.vector_load %arg17[%swap3A_56] {strides = array<i32>} : memref<128xi32, #tpu.memory_space<vmem>>, vector<16xi32>,
    tpu.vector_store %arg17[%swap3A_56], %get3A_55 {strides = array<i32>} : memref<128xi32, #tpu.memory_space<vmem>>, vector<16xi32>,
    %get3A_58 = arith.constant 208 : index
    %get3A_59 = tpu.vector_load %arg14[%get3A_58] {strides = array<i32>} : memref<10000xi32, #tpu.memory_space<vmem>>, vector<16xi32>,
    %swap3A_60 = arith.constant 80 : index
    %swap3A_61 = tpu.vector_load %arg17[%swap3A_60] {strides = array<i32>} : memref<128xi32, #tpu.memory_space<vmem>>, vector<16xi32>,
    tpu.vector_store %arg17[%swap3A_60], %get3A_59 {strides = array<i32>} : memref<128xi32, #tpu.memory_space<vmem>>, vector<16xi32>,
    %get3A_62 = arith.constant 224 : index
    %get3A_63 = tpu.vector_load %arg14[%get3A_62] {strides = array<i32>} : memref<10000xi32, #tpu.memory_space<vmem>>, vector<16xi32>,
    %swap3A_64 = arith.constant 96 : index
    %swap3A_65 = tpu.vector_load %arg17[%swap3A_64] {strides = array<i32>} : memref<128xi32, #tpu.memory_space<vmem>>, vector<16xi32>,
    tpu.vector_store %arg17[%swap3A_64], %get3A_63 {strides = array<i32>} : memref<128xi32, #tpu.memory_space<vmem>>, vector<16xi32>,
    %get3A_66 = arith.constant 240 : index
    %get3A_67 = tpu.vector_load %arg14[%get3A_66] {strides = array<i32>} : memref<10000xi32, #tpu.memory_space<vmem>>, vector<16xi32>,
    %swap3A_68 = arith.constant 112 : index
    %swap3A_69 = tpu.vector_load %arg17[%swap3A_68] {strides = array<i32>} : memref<128xi32, #tpu.memory_space<vmem>>, vector<16xi32>,
    tpu.vector_store %arg17[%swap3A_68], %get3A_67 {strides = array<i32>} : memref<128xi32, #tpu.memory_space<vmem>>, vector<16xi32>,
    %dma_start3A_70 = arith.constant 0 : i32
    %dma_start3A_71 = tpu.memref_slice %arg8[%dma_start3A_70] : memref<101120000xf32, #tpu.memory_space<hbm>> -> memref<101120000xf32, #tpu.memory_space<hbm>>
    tpu.enqueue_indirect_dma source(%dma_start3A_71 : memref<101120000xf32, #tpu.memory_space<hbm>>) target(%arg29 : memref<128xf32, #tpu.memory_space<vmem>>) offsets(%arg17 : memref<128xi32, #tpu.memory_space<vmem>>) semaphore(%arg41 : memref<!tpu.dma_semaphore, #tpu.memory_space<semaphore_mem>>)
    %get3A_72 = arith.constant 256 : index
    %get3A_73 = tpu.vector_load %arg14[%get3A_72] {strides = array<i32>} : memref<10000xi32, #tpu.memory_space<vmem>>, vector<16xi32>,
    %swap3A_74 = arith.constant 0 : index
    %swap3A_75 = tpu.vector_load %arg18[%swap3A_74] {strides = array<i32>} : memref<128xi32, #tpu.memory_space<vmem>>, vector<16xi32>,
    tpu.vector_store %arg18[%swap3A_74], %get3A_73 {strides = array<i32>} : memref<128xi32, #tpu.memory_space<vmem>>, vector<16xi32>,
    %get3A_76 = arith.constant 272 : index
    %get3A_77 = tpu.vector_load %arg14[%get3A_76] {strides = array<i32>} : memref<10000xi32, #tpu.memory_space<vmem>>, vector<16xi32>,
    %swap3A_78 = arith.constant 16 : index
    %swap3A_79 = tpu.vector_load %arg18[%swap3A_78] {strides = array<i32>} : memref<128xi32, #tpu.memory_space<vmem>>, vector<16xi32>,
    tpu.vector_store %arg18[%swap3A_78], %get3A_77 {strides = array<i32>} : memref<128xi32, #tpu.memory_space<vmem>>, vector<16xi32>,
    %get3A_80 = arith.constant 288 : index
    %get3A_81 = tpu.vector_load %arg14[%get3A_80] {strides = array<i32>} : memref<10000xi32, #tpu.memory_space<vmem>>, vector<16xi32>,
    %swap3A_82 = arith.constant 32 : index
    %swap3A_83 = tpu.vector_load %arg18[%swap3A_82] {strides = array<i32>} : memref<128xi32, #tpu.memory_space<vmem>>, vector<16xi32>,
    tpu.vector_store %arg18[%swap3A_82], %get3A_81 {strides = array<i32>} : memref<128xi32, #tpu.memory_space<vmem>>, vector<16xi32>,
    %get3A_84 = arith.constant 304 : index
    %get3A_85 = tpu.vector_load %arg14[%get3A_84] {strides = array<i32>} : memref<10000xi32, #tpu.memory_space<vmem>>, vector<16xi32>,
    %swap3A_86 = arith.constant 48 : index
    %swap3A_87 = tpu.vector_load %arg18[%swap3A_86] {strides = array<i32>} : memref<128xi32, #tpu.memory_space<vmem>>, vector<16xi32>,
    tpu.vector_store %arg18[%swap3A_86], %get3A_85 {strides = array<i32>} : memref<128xi32, #tpu.memory_space<vmem>>, vector<16xi32>,
    %get3A_88 = arith.constant 320 : index
    %get3A_89 = tpu.vector_load %arg14[%get3A_88] {strides = array<i32>} : memref<10000xi32, #tpu.memory_space<vmem>>, vector<16xi32>,
    %swap3A_90 = arith.constant 64 : index
    %swap3A_91 = tpu.vector_load %arg18[%swap3A_90] {strides = array<i32>} : memref<128xi32, #tpu.memory_space<vmem>>, vector<16xi32>,
    tpu.vector_store %arg18[%swap3A_90], %get3A_89 {strides = array<i32>} : memref<128xi32, #tpu.memory_space<vmem>>, vector<16xi32>,
    %get3A_92 = arith.constant 336 : index
    %get3A_93 = tpu.vector_load %arg14[%get3A_92] {strides = array<i32>} : memref<10000xi32, #tpu.memory_space<vmem>>, vector<16xi32>,
    %swap3A_94 = arith.constant 80 : index
    %swap3A_95 = tpu.vector_load %arg18[%swap3A_94] {strides = array<i32>} : memref<128xi32, #tpu.memory_space<vmem>>, vector<16xi32>,
    tpu.vector_store %arg18[%swap3A_94], %get3A_93 {strides = array<i32>} : memref<128xi32, #tpu.memory_space<vmem>>, vector<16xi32>,
    %get3A_96 = arith.constant 352 : index
    %get3A_97 = tpu.vector_load %arg14[%get3A_96] {strides = array<i32>} : memref<10000xi32, #tpu.memory_space<vmem>>, vector<16xi32>,
    %swap3A_98 = arith.constant 96 : index
    %swap3A_99 = tpu.vector_load %arg18[%swap3A_98] {strides = array<i32>} : memref<128xi32, #tpu.memory_space<vmem>>, vector<16xi32>,
    tpu.vector_store %arg18[%swap3A_98], %get3A_97 {strides = array<i32>} : memref<128xi32, #tpu.memory_space<vmem>>, vector<16xi32>,
    %get3A_100 = arith.constant 368 : index
    %get3A_101 = tpu.vector_load %arg14[%get3A_100] {strides = array<i32>} : memref<10000xi32, #tpu.memory_space<vmem>>, vector<16xi32>,
    %swap3A_102 = arith.constant 112 : index
    %swap3A_103 = tpu.vector_load %arg18[%swap3A_102] {strides = array<i32>} : memref<128xi32, #tpu.memory_space<vmem>>, vector<16xi32>,
    tpu.vector_store %arg18[%swap3A_102], %get3A_101 {strides = array<i32>} : memref<128xi32, #tpu.memory_space<vmem>>, vector<16xi32>,
    %dma_start3A_104 = arith.constant 0 : i32
    %dma_start3A_105 = tpu.memref_slice %arg8[%dma_start3A_104] : memref<101120000xf32, #tpu.memory_space<hbm>> -> memref<101120000xf32, #tpu.memory_space<hbm>>
    tpu.enqueue_indirect_dma source(%dma_start3A_105 : memref<101120000xf32, #tpu.memory_space<hbm>>) target(%arg30 : memref<128xf32, #tpu.memory_space<vmem>>) offsets(%arg18 : memref<128xi32, #tpu.memory_space<vmem>>) semaphore(%arg42 : memref<!tpu.dma_semaphore, #tpu.memory_space<semaphore_mem>>)
    %get3A_106 = arith.constant 384 : index
    %get3A_107 = tpu.vector_load %arg14[%get3A_106] {strides = array<i32>} : memref<10000xi32, #tpu.memory_space<vmem>>, vector<16xi32>,
    %swap3A_108 = arith.constant 0 : index
    %swap3A_109 = tpu.vector_load %arg19[%swap3A_108] {strides = array<i32>} : memref<128xi32, #tpu.memory_space<vmem>>, vector<16xi32>,
    tpu.vector_store %arg19[%swap3A_108], %get3A_107 {strides = array<i32>} : memref<128xi32, #tpu.memory_space<vmem>>, vector<16xi32>,
    %get3A_110 = arith.constant 400 : index
    %get3A_111 = tpu.vector_load %arg14[%get3A_110] {strides = array<i32>} : memref<10000xi32, #tpu.memory_space<vmem>>, vector<16xi32>,
    %swap3A_112 = arith.constant 16 : index
    %swap3A_113 = tpu.vector_load %arg19[%swap3A_112] {strides = array<i32>} : memref<128xi32, #tpu.memory_space<vmem>>, vector<16xi32>,
    tpu.vector_store %arg19[%swap3A_112], %get3A_111 {strides = array<i32>} : memref<128xi32, #tpu.memory_space<vmem>>, vector<16xi32>,
    %get3A_114 = arith.constant 416 : index
    %get3A_115 = tpu.vector_load %arg14[%get3A_114] {strides = array<i32>} : memref<10000xi32, #tpu.memory_space<vmem>>, vector<16xi32>,
    %swap3A_116 = arith.constant 32 : index
    %swap3A_117 = tpu.vector_load %arg19[%swap3A_116] {strides = array<i32>} : memref<128xi32, #tpu.memory_space<vmem>>, vector<16xi32>,
    tpu.vector_store %arg19[%swap3A_116], %get3A_115 {strides = array<i32>} : memref<128xi32, #tpu.memory_space<vmem>>, vector<16xi32>,
    %get3A_118 = arith.constant 432 : index
    %get3A_119 = tpu.vector_load %arg14[%get3A_118] {strides = array<i32>} : memref<10000xi32, #tpu.memory_space<vmem>>, vector<16xi32>,
    %swap3A_120 = arith.constant 48 : index
    %swap3A_121 = tpu.vector_load %arg19[%swap3A_120] {strides = array<i32>} : memref<128xi32, #tpu.memory_space<vmem>>, vector<16xi32>,
    tpu.vector_store %arg19[%swap3A_120], %get3A_119 {strides = array<i32>} : memref<128xi32, #tpu.memory_space<vmem>>, vector<16xi32>,
    %get3A_122 = arith.constant 448 : index
    %get3A_123 = tpu.vector_load %arg14[%get3A_122] {strides = array<i32>} : memref<10000xi32, #tpu.memory_space<vmem>>, vector<16xi32>,
    %swap3A_124 = arith.constant 64 : index
    %swap3A_125 = tpu.vector_load %arg19[%swap3A_124] {strides = array<i32>} : memref<128xi32, #tpu.memory_space<vmem>>, vector<16xi32>,
    tpu.vector_store %arg19[%swap3A_124], %get3A_123 {strides = array<i32>} : memref<128xi32, #tpu.memory_space<vmem>>, vector<16xi32>,
    %get3A_126 = arith.constant 464 : index
    %get3A_127 = tpu.vector_load %arg14[%get3A_126] {strides = array<i32>} : memref<10000xi32, #tpu.memory_space<vmem>>, vector<16xi32>,
    %swap3A_128 = arith.constant 80 : index
    %swap3A_129 = tpu.vector_load %arg19[%swap3A_128] {strides = array<i32>} : memref<128xi32, #tpu.memory_space<vmem>>, vector<16xi32>,
    tpu.vector_store %arg19[%swap3A_128], %get3A_127 {strides = array<i32>} : memref<128xi32, #tpu.memory_space<vmem>>, vector<16xi32>,
    %get3A_130 = arith.constant 480 : index
    %get3A_131 = tpu.vector_load %arg14[%get3A_130] {strides = array<i32>} : memref<10000xi32, #tpu.memory_space<vmem>>, vector<16xi32>,
    %swap3A_132 = arith.constant 96 : index
    %swap3A_133 = tpu.vector_load %arg19[%swap3A_132] {strides = array<i32>} : memref<128xi32, #tpu.memory_space<vmem>>, vector<16xi32>,
    tpu.vector_store %arg19[%swap3A_132], %get3A_131 {strides = array<i32>} : memref<128xi32, #tpu.memory_space<vmem>>, vector<16xi32>,
    %get3A_134 = arith.constant 496 : index
    %get3A_135 = tpu.vector_load %arg14[%get3A_134] {strides = array<i32>} : memref<10000xi32, #tpu.memory_space<vmem>>, vector<16xi32>,
    %swap3A_136 = arith.constant 112 : index
    %swap3A_137 = tpu.vector_load %arg19[%swap3A_136] {strides = array<i32>} : memref<128xi32, #tpu.memory_space<vmem>>, vector<16xi32>,
    tpu.vector_store %arg19[%swap3A_136], %get3A_135 {strides = array<i32>} : memref<128xi32, #tpu.memory_space<vmem>>, vector<16xi32>,
    %dma_start3A_138 = arith.constant 0 : i32
    %dma_start3A_139 = tpu.memref_slice %arg8[%dma_start3A_138] : memref<101120000xf32, #tpu.memory_space<hbm>> -> memref<101120000xf32, #tpu.memory_space<hbm>>
    tpu.enqueue_indirect_dma source(%dma_start3A_139 : memref<101120000xf32, #tpu.memory_space<hbm>>) target(%arg31 : memref<128xf32, #tpu.memory_space<vmem>>) offsets(%arg19 : memref<128xi32, #tpu.memory_space<vmem>>) semaphore(%arg43 : memref<!tpu.dma_semaphore, #tpu.memory_space<semaphore_mem>>)
    %get3A_140 = arith.constant 512 : index
    %get3A_141 = tpu.vector_load %arg14[%get3A_140] {strides = array<i32>} : memref<10000xi32, #tpu.memory_space<vmem>>, vector<16xi32>,
    %swap3A_142 = arith.constant 0 : index
    %swap3A_143 = tpu.vector_load %arg20[%swap3A_142] {strides = array<i32>} : memref<128xi32, #tpu.memory_space<vmem>>, vector<16xi32>,
    tpu.vector_store %arg20[%swap3A_142], %get3A_141 {strides = array<i32>} : memref<128xi32, #tpu.memory_space<vmem>>, vector<16xi32>,
    %get3A_144 = arith.constant 528 : index
    %get3A_145 = tpu.vector_load %arg14[%get3A_144] {strides = array<i32>} : memref<10000xi32, #tpu.memory_space<vmem>>, vector<16xi32>,
    %swap3A_146 = arith.constant 16 : index
    %swap3A_147 = tpu.vector_load %arg20[%swap3A_146] {strides = array<i32>} : memref<128xi32, #tpu.memory_space<vmem>>, vector<16xi32>,
    tpu.vector_store %arg20[%swap3A_146], %get3A_145 {strides = array<i32>} : memref<128xi32, #tpu.memory_space<vmem>>, vector<16xi32>,
    %get3A_148 = arith.constant 544 : index
    %get3A_149 = tpu.vector_load %arg14[%get3A_148] {strides = array<i32>} : memref<10000xi32, #tpu.memory_space<vmem>>, vector<16xi32>,
    %swap3A_150 = arith.constant 32 : index
    %swap3A_151 = tpu.vector_load %arg20[%swap3A_150] {strides = array<i32>} : memref<128xi32, #tpu.memory_space<vmem>>, vector<16xi32>,
    tpu.vector_store %arg20[%swap3A_150], %get3A_149 {strides = array<i32>} : memref<128xi32, #tpu.memory_space<vmem>>, vector<16xi32>,
    %get3A_152 = arith.constant 560 : index
    %get3A_153 = tpu.vector_load %arg14[%get3A_152] {strides = array<i32>} : memref<10000xi32, #tpu.memory_space<vmem>>, vector<16xi32>,
    %swap3A_154 = arith.constant 48 : index
    %swap3A_155 = tpu.vector_load %arg20[%swap3A_154] {strides = array<i32>} : memref<128xi32, #tpu.memory_space<vmem>>, vector<16xi32>,
    tpu.vector_store %arg20[%swap3A_154], %get3A_153 {strides = array<i32>} : memref<128xi32, #tpu.memory_space<vmem>>, vector<16xi32>,
    %get3A_156 = arith.constant 576 : index
    %get3A_157 = tpu.vector_load %arg14[%get3A_156] {strides = array<i32>} : memref<10000xi32, #tpu.memory_space<vmem>>, vector<16xi32>,
    %swap3A_158 = arith.constant 64 : index
    %swap3A_159 = tpu.vector_load %arg20[%swap3A_158] {strides = array<i32>} : memref<128xi32, #tpu.memory_space<vmem>>, vector<16xi32>,
    tpu.vector_store %arg20[%swap3A_158], %get3A_157 {strides = array<i32>} : memref<128xi32, #tpu.memory_space<vmem>>, vector<16xi32>,
    %get3A_160 = arith.constant 592 : index
    %get3A_161 = tpu.vector_load %arg14[%get3A_160] {strides = array<i32>} : memref<10000xi32, #tpu.memory_space<vmem>>, vector<16xi32>,
    %swap3A_162 = arith.constant 80 : index
    %swap3A_163 = tpu.vector_load %arg20[%swap3A_162] {strides = array<i32>} : memref<128xi32, #tpu.memory_space<vmem>>, vector<16xi32>,
    tpu.vector_store %arg20[%swap3A_162], %get3A_161 {strides = array<i32>} : memref<128xi32, #tpu.memory_space<vmem>>, vector<16xi32>,
    %get3A_164 = arith.constant 608 : index
    %get3A_165 = tpu.vector_load %arg14[%get3A_164] {strides = array<i32>} : memref<10000xi32, #tpu.memory_space<vmem>>, vector<16xi32>,
    %swap3A_166 = arith.constant 96 : index
    %swap3A_167 = tpu.vector_load %arg20[%swap3A_166] {strides = array<i32>} : memref<128xi32, #tpu.memory_space<vmem>>, vector<16xi32>,
    tpu.vector_store %arg20[%swap3A_166], %get3A_165 {strides = array<i32>} : memref<128xi32, #tpu.memory_space<vmem>>, vector<16xi32>,
    %get3A_168 = arith.constant 624 : index
    %get3A_169 = tpu.vector_load %arg14[%get3A_168] {strides = array<i32>} : memref<10000xi32, #tpu.memory_space<vmem>>, vector<16xi32>,
    %swap3A_170 = arith.constant 112 : index
    %swap3A_171 = tpu.vector_load %arg20[%swap3A_170] {strides = array<i32>} : memref<128xi32, #tpu.memory_space<vmem>>, vector<16xi32>,
    tpu.vector_store %arg20[%swap3A_170], %get3A_169 {strides = array<i32>} : memref<128xi32, #tpu.memory_space<vmem>>, vector<16xi32>,
    %dma_start3A_172 = arith.constant 0 : i32
    %dma_start3A_173 = tpu.memref_slice %arg8[%dma_start3A_172] : memref<101120000xf32, #tpu.memory_space<hbm>> -> memref<101120000xf32, #tpu.memory_space<hbm>>
    tpu.enqueue_indirect_dma source(%dma_start3A_173 : memref<101120000xf32, #tpu.memory_space<hbm>>) target(%arg32 : memref<128xf32, #tpu.memory_space<vmem>>) offsets(%arg20 : memref<128xi32, #tpu.memory_space<vmem>>) semaphore(%arg44 : memref<!tpu.dma_semaphore, #tpu.memory_space<semaphore_mem>>)
    %get3A_174 = arith.constant 640 : index
    %get3A_175 = tpu.vector_load %arg14[%get3A_174] {strides = array<i32>} : memref<10000xi32, #tpu.memory_space<vmem>>, vector<16xi32>,
    %swap3A_176 = arith.constant 0 : index
    %swap3A_177 = tpu.vector_load %arg21[%swap3A_176] {strides = array<i32>} : memref<128xi32, #tpu.memory_space<vmem>>, vector<16xi32>,
    tpu.vector_store %arg21[%swap3A_176], %get3A_175 {strides = array<i32>} : memref<128xi32, #tpu.memory_space<vmem>>, vector<16xi32>,
    %get3A_178 = arith.constant 656 : index
    %get3A_179 = tpu.vector_load %arg14[%get3A_178] {strides = array<i32>} : memref<10000xi32, #tpu.memory_space<vmem>>, vector<16xi32>,
    %swap3A_180 = arith.constant 16 : index
    %swap3A_181 = tpu.vector_load %arg21[%swap3A_180] {strides = array<i32>} : memref<128xi32, #tpu.memory_space<vmem>>, vector<16xi32>,
    tpu.vector_store %arg21[%swap3A_180], %get3A_179 {strides = array<i32>} : memref<128xi32, #tpu.memory_space<vmem>>, vector<16xi32>,
    %get3A_182 = arith.constant 672 : index
    %get3A_183 = tpu.vector_load %arg14[%get3A_182] {strides = array<i32>} : memref<10000xi32, #tpu.memory_space<vmem>>, vector<16xi32>,
    %swap3A_184 = arith.constant 32 : index
    %swap3A_185 = tpu.vector_load %arg21[%swap3A_184] {strides = array<i32>} : memref<128xi32, #tpu.memory_space<vmem>>, vector<16xi32>,
    tpu.vector_store %arg21[%swap3A_184], %get3A_183 {strides = array<i32>} : memref<128xi32, #tpu.memory_space<vmem>>, vector<16xi32>,
    %get3A_186 = arith.constant 688 : index
    %get3A_187 = tpu.vector_load %arg14[%get3A_186] {strides = array<i32>} : memref<10000xi32, #tpu.memory_space<vmem>>, vector<16xi32>,
    %swap3A_188 = arith.constant 48 : index
    %swap3A_189 = tpu.vector_load %arg21[%swap3A_188] {strides = array<i32>} : memref<128xi32, #tpu.memory_space<vmem>>, vector<16xi32>,
    tpu.vector_store %arg21[%swap3A_188], %get3A_187 {strides = array<i32>} : memref<128xi32, #tpu.memory_space<vmem>>, vector<16xi32>,
    %get3A_190 = arith.constant 704 : index
    %get3A_191 = tpu.vector_load %arg14[%get3A_190] {strides = array<i32>} : memref<10000xi32, #tpu.memory_space<vmem>>, vector<16xi32>,
    %swap3A_192 = arith.constant 64 : index
    %swap3A_193 = tpu.vector_load %arg21[%swap3A_192] {strides = array<i32>} : memref<128xi32, #tpu.memory_space<vmem>>, vector<16xi32>,
    tpu.vector_store %arg21[%swap3A_192], %get3A_191 {strides = array<i32>} : memref<128xi32, #tpu.memory_space<vmem>>, vector<16xi32>,
    %get3A_194 = arith.constant 720 : index
    %get3A_195 = tpu.vector_load %arg14[%get3A_194] {strides = array<i32>} : memref<10000xi32, #tpu.memory_space<vmem>>, vector<16xi32>,
    %swap3A_196 = arith.constant 80 : index
    %swap3A_197 = tpu.vector_load %arg21[%swap3A_196] {strides = array<i32>} : memref<128xi32, #tpu.memory_space<vmem>>, vector<16xi32>,
    tpu.vector_store %arg21[%swap3A_196], %get3A_195 {strides = array<i32>} : memref<128xi32, #tpu.memory_space<vmem>>, vector<16xi32>,
    %get3A_198 = arith.constant 736 : index
    %get3A_199 = tpu.vector_load %arg14[%get3A_198] {strides = array<i32>} : memref<10000xi32, #tpu.memory_space<vmem>>, vector<16xi32>,
    %swap3A_200 = arith.constant 96 : index
    %swap3A_201 = tpu.vector_load %arg21[%swap3A_200] {strides = array<i32>} : memref<128xi32, #tpu.memory_space<vmem>>, vector<16xi32>,
    tpu.vector_store %arg21[%swap3A_200], %get3A_199 {strides = array<i32>} : memref<128xi32, #tpu.memory_space<vmem>>, vector<16xi32>,
    %get3A_202 = arith.constant 752 : index
    %get3A_203 = tpu.vector_load %arg14[%get3A_202] {strides = array<i32>} : memref<10000xi32, #tpu.memory_space<vmem>>, vector<16xi32>,
    %swap3A_204 = arith.constant 112 : index
    %swap3A_205 = tpu.vector_load %arg21[%swap3A_204] {strides = array<i32>} : memref<128xi32, #tpu.memory_space<vmem>>, vector<16xi32>,
    tpu.vector_store %arg21[%swap3A_204], %get3A_203 {strides = array<i32>} : memref<128xi32, #tpu.memory_space<vmem>>, vector<16xi32>,
    %dma_start3A_206 = arith.constant 0 : i32
    %dma_start3A_207 = tpu.memref_slice %arg8[%dma_start3A_206] : memref<101120000xf32, #tpu.memory_space<hbm>> -> memref<101120000xf32, #tpu.memory_space<hbm>>
    tpu.enqueue_indirect_dma source(%dma_start3A_207 : memref<101120000xf32, #tpu.memory_space<hbm>>) target(%arg33 : memref<128xf32, #tpu.memory_space<vmem>>) offsets(%arg21 : memref<128xi32, #tpu.memory_space<vmem>>) semaphore(%arg45 : memref<!tpu.dma_semaphore, #tpu.memory_space<semaphore_mem>>)
    %scan3A_208 = arith.constant 0 : i32
    %scan3A_209 = arith.constant 13 : i32
    %scan3A_210 = arith.addi %scan3A_208, %scan3A_209 : i32
    %scan3A_211 = arith.constant 1 : i32
    scf.for %scan3A_243 = %scan3A_208 to %scan3A_210 step %scan3A_211  : i32 {
      %mul3A_244 = arith.constant 6 : i32
      %mul3A_245 = arith.muli %scan3A_243, %mul3A_244 : i32
      %add3A_246 = arith.constant 0 : i32
      %add3A_247 = arith.addi %mul3A_245, %add3A_246 : i32
      %dma_wait3A_248 = arith.constant 0 : i32
      %dma_wait3A_249 = tpu.memref_slice %arg8[%dma_wait3A_248] : memref<101120000xf32, #tpu.memory_space<hbm>> -> memref<101120000xf32, #tpu.memory_space<hbm>>
      tpu.wait_indirect_dma semaphore(%arg40 : memref<!tpu.dma_semaphore, #tpu.memory_space<semaphore_mem>>) src(%dma_wait3A_249 : memref<101120000xf32, #tpu.memory_space<hbm>>) dst(%arg28 : memref<128xf32, #tpu.memory_space<vmem>>)
      %gt3A = arith.constant 0 : i32
      %gt3A_250 = arith.cmpi sgt, %scan3A_243, %gt3A : i32
      %convert_element_type3A = arith.extui %gt3A_250 : i1 to i32
      %cond3A = arith.constant 0 : i32
      %cond3A_251 = arith.cmpi ne, %convert_element_type3A, %cond3A : i32
      scf.if %cond3A_251 {
        %dma_wait3A_1068 = arith.constant 0 : i32
        %dma_wait3A_1069 = tpu.memref_slice %arg8[%dma_wait3A_1068] : memref<101120000xf32, #tpu.memory_space<hbm>> -> memref<101120000xf32, #tpu.memory_space<hbm>>
        tpu.wait_indirect_dma semaphore(%arg46 : memref<!tpu.dma_semaphore, #tpu.memory_space<semaphore_mem>>) src(%arg34 : memref<128xf32, #tpu.memory_space<vmem>>) dst(%dma_wait3A_1069 : memref<101120000xf32, #tpu.memory_space<hbm>>)
      } else {
      }
      %get3A_252 = arith.constant 0 : index
      %get3A_253 = tpu.vector_load %arg28[%get3A_252] {strides = array<i32>} : memref<128xf32, #tpu.memory_space<vmem>>, vector<16xf32>,
      %mul3A_254 = arith.constant 128 : i32
      %mul3A_255 = arith.muli %add3A_247, %mul3A_254 : i32
      %add3A_256 = arith.constant 0 : i32
      %add3A_257 = arith.addi %mul3A_255, %add3A_256 : i32
      %get3A_258 = arith.index_cast %add3A_257 : i32 to index
      %get3A_259 = tpu.vector_load %arg15[%get3A_258] {strides = array<i32>} : memref<10000xf32, #tpu.memory_space<vmem>>, vector<16xf32>,
      %add3A_260 = arith.addf %get3A_253, %get3A_259 : vector<16xf32>
      %swap3A_261 = arith.constant 0 : index
      %swap3A_262 = tpu.vector_load %arg34[%swap3A_261] {strides = array<i32>} : memref<128xf32, #tpu.memory_space<vmem>>, vector<16xf32>,
      tpu.vector_store %arg34[%swap3A_261], %add3A_260 {strides = array<i32>} : memref<128xf32, #tpu.memory_space<vmem>>, vector<16xf32>,
      %get3A_263 = arith.constant 0 : index
      %get3A_264 = tpu.vector_load %arg16[%get3A_263] {strides = array<i32>} : memref<128xi32, #tpu.memory_space<vmem>>, vector<16xi32>,
      %swap3A_265 = arith.constant 0 : index
      %swap3A_266 = tpu.vector_load %arg22[%swap3A_265] {strides = array<i32>} : memref<128xi32, #tpu.memory_space<vmem>>, vector<16xi32>,
      tpu.vector_store %arg22[%swap3A_265], %get3A_264 {strides = array<i32>} : memref<128xi32, #tpu.memory_space<vmem>>, vector<16xi32>,
      %get3A_267 = arith.constant 16 : index
      %get3A_268 = tpu.vector_load %arg28[%get3A_267] {strides = array<i32>} : memref<128xf32, #tpu.memory_space<vmem>>, vector<16xf32>,
      %mul3A_269 = arith.constant 128 : i32
      %mul3A_270 = arith.muli %add3A_247, %mul3A_269 : i32
      %add3A_271 = arith.constant 16 : i32
      %add3A_272 = arith.addi %mul3A_270, %add3A_271 : i32
      %get3A_273 = arith.index_cast %add3A_272 : i32 to index
      %get3A_274 = tpu.vector_load %arg15[%get3A_273] {strides = array<i32>} : memref<10000xf32, #tpu.memory_space<vmem>>, vector<16xf32>,
      %add3A_275 = arith.addf %get3A_268, %get3A_274 : vector<16xf32>
      %swap3A_276 = arith.constant 16 : index
      %swap3A_277 = tpu.vector_load %arg34[%swap3A_276] {strides = array<i32>} : memref<128xf32, #tpu.memory_space<vmem>>, vector<16xf32>,
      tpu.vector_store %arg34[%swap3A_276], %add3A_275 {strides = array<i32>} : memref<128xf32, #tpu.memory_space<vmem>>, vector<16xf32>,
      %get3A_278 = arith.constant 16 : index
      %get3A_279 = tpu.vector_load %arg16[%get3A_278] {strides = array<i32>} : memref<128xi32, #tpu.memory_space<vmem>>, vector<16xi32>,
      %swap3A_280 = arith.constant 16 : index
      %swap3A_281 = tpu.vector_load %arg22[%swap3A_280] {strides = array<i32>} : memref<128xi32, #tpu.memory_space<vmem>>, vector<16xi32>,
      tpu.vector_store %arg22[%swap3A_280], %get3A_279 {strides = array<i32>} : memref<128xi32, #tpu.memory_space<vmem>>, vector<16xi32>,
      %get3A_282 = arith.constant 32 : index
      %get3A_283 = tpu.vector_load %arg28[%get3A_282] {strides = array<i32>} : memref<128xf32, #tpu.memory_space<vmem>>, vector<16xf32>,
      %mul3A_284 = arith.constant 128 : i32
      %mul3A_285 = arith.muli %add3A_247, %mul3A_284 : i32
      %add3A_286 = arith.constant 32 : i32
      %add3A_287 = arith.addi %mul3A_285, %add3A_286 : i32
      %get3A_288 = arith.index_cast %add3A_287 : i32 to index
      %get3A_289 = tpu.vector_load %arg15[%get3A_288] {strides = array<i32>} : memref<10000xf32, #tpu.memory_space<vmem>>, vector<16xf32>,
      %add3A_290 = arith.addf %get3A_283, %get3A_289 : vector<16xf32>
      %swap3A_291 = arith.constant 32 : index
      %swap3A_292 = tpu.vector_load %arg34[%swap3A_291] {strides = array<i32>} : memref<128xf32, #tpu.memory_space<vmem>>, vector<16xf32>,
      tpu.vector_store %arg34[%swap3A_291], %add3A_290 {strides = array<i32>} : memref<128xf32, #tpu.memory_space<vmem>>, vector<16xf32>,
      %get3A_293 = arith.constant 32 : index
      %get3A_294 = tpu.vector_load %arg16[%get3A_293] {strides = array<i32>} : memref<128xi32, #tpu.memory_space<vmem>>, vector<16xi32>,
      %swap3A_295 = arith.constant 32 : index
      %swap3A_296 = tpu.vector_load %arg22[%swap3A_295] {strides = array<i32>} : memref<128xi32, #tpu.memory_space<vmem>>, vector<16xi32>,
      tpu.vector_store %arg22[%swap3A_295], %get3A_294 {strides = array<i32>} : memref<128xi32, #tpu.memory_space<vmem>>, vector<16xi32>,
      %get3A_297 = arith.constant 48 : index
      %get3A_298 = tpu.vector_load %arg28[%get3A_297] {strides = array<i32>} : memref<128xf32, #tpu.memory_space<vmem>>, vector<16xf32>,
      %mul3A_299 = arith.constant 128 : i32
      %mul3A_300 = arith.muli %add3A_247, %mul3A_299 : i32
      %add3A_301 = arith.constant 48 : i32
      %add3A_302 = arith.addi %mul3A_300, %add3A_301 : i32
      %get3A_303 = arith.index_cast %add3A_302 : i32 to index
      %get3A_304 = tpu.vector_load %arg15[%get3A_303] {strides = array<i32>} : memref<10000xf32, #tpu.memory_space<vmem>>, vector<16xf32>,
      %add3A_305 = arith.addf %get3A_298, %get3A_304 : vector<16xf32>
      %swap3A_306 = arith.constant 48 : index
      %swap3A_307 = tpu.vector_load %arg34[%swap3A_306] {strides = array<i32>} : memref<128xf32, #tpu.memory_space<vmem>>, vector<16xf32>,
      tpu.vector_store %arg34[%swap3A_306], %add3A_305 {strides = array<i32>} : memref<128xf32, #tpu.memory_space<vmem>>, vector<16xf32>,
      %get3A_308 = arith.constant 48 : index
      %get3A_309 = tpu.vector_load %arg16[%get3A_308] {strides = array<i32>} : memref<128xi32, #tpu.memory_space<vmem>>, vector<16xi32>,
      %swap3A_310 = arith.constant 48 : index
      %swap3A_311 = tpu.vector_load %arg22[%swap3A_310] {strides = array<i32>} : memref<128xi32, #tpu.memory_space<vmem>>, vector<16xi32>,
      tpu.vector_store %arg22[%swap3A_310], %get3A_309 {strides = array<i32>} : memref<128xi32, #tpu.memory_space<vmem>>, vector<16xi32>,
      %get3A_312 = arith.constant 64 : index
      %get3A_313 = tpu.vector_load %arg28[%get3A_312] {strides = array<i32>} : memref<128xf32, #tpu.memory_space<vmem>>, vector<16xf32>,
      %mul3A_314 = arith.constant 128 : i32
      %mul3A_315 = arith.muli %add3A_247, %mul3A_314 : i32
      %add3A_316 = arith.constant 64 : i32
      %add3A_317 = arith.addi %mul3A_315, %add3A_316 : i32
      %get3A_318 = arith.index_cast %add3A_317 : i32 to index
      %get3A_319 = tpu.vector_load %arg15[%get3A_318] {strides = array<i32>} : memref<10000xf32, #tpu.memory_space<vmem>>, vector<16xf32>,
      %add3A_320 = arith.addf %get3A_313, %get3A_319 : vector<16xf32>
      %swap3A_321 = arith.constant 64 : index
      %swap3A_322 = tpu.vector_load %arg34[%swap3A_321] {strides = array<i32>} : memref<128xf32, #tpu.memory_space<vmem>>, vector<16xf32>,
      tpu.vector_store %arg34[%swap3A_321], %add3A_320 {strides = array<i32>} : memref<128xf32, #tpu.memory_space<vmem>>, vector<16xf32>,
      %get3A_323 = arith.constant 64 : index
      %get3A_324 = tpu.vector_load %arg16[%get3A_323] {strides = array<i32>} : memref<128xi32, #tpu.memory_space<vmem>>, vector<16xi32>,
      %swap3A_325 = arith.constant 64 : index
      %swap3A_326 = tpu.vector_load %arg22[%swap3A_325] {strides = array<i32>} : memref<128xi32, #tpu.memory_space<vmem>>, vector<16xi32>,
      tpu.vector_store %arg22[%swap3A_325], %get3A_324 {strides = array<i32>} : memref<128xi32, #tpu.memory_space<vmem>>, vector<16xi32>,
      %get3A_327 = arith.constant 80 : index
      %get3A_328 = tpu.vector_load %arg28[%get3A_327] {strides = array<i32>} : memref<128xf32, #tpu.memory_space<vmem>>, vector<16xf32>,
      %mul3A_329 = arith.constant 128 : i32
      %mul3A_330 = arith.muli %add3A_247, %mul3A_329 : i32
      %add3A_331 = arith.constant 80 : i32
      %add3A_332 = arith.addi %mul3A_330, %add3A_331 : i32
      %get3A_333 = arith.index_cast %add3A_332 : i32 to index
      %get3A_334 = tpu.vector_load %arg15[%get3A_333] {strides = array<i32>} : memref<10000xf32, #tpu.memory_space<vmem>>, vector<16xf32>,
      %add3A_335 = arith.addf %get3A_328, %get3A_334 : vector<16xf32>
      %swap3A_336 = arith.constant 80 : index
      %swap3A_337 = tpu.vector_load %arg34[%swap3A_336] {strides = array<i32>} : memref<128xf32, #tpu.memory_space<vmem>>, vector<16xf32>,
      tpu.vector_store %arg34[%swap3A_336], %add3A_335 {strides = array<i32>} : memref<128xf32, #tpu.memory_space<vmem>>, vector<16xf32>,
      %get3A_338 = arith.constant 80 : index
      %get3A_339 = tpu.vector_load %arg16[%get3A_338] {strides = array<i32>} : memref<128xi32, #tpu.memory_space<vmem>>, vector<16xi32>,
      %swap3A_340 = arith.constant 80 : index
      %swap3A_341 = tpu.vector_load %arg22[%swap3A_340] {strides = array<i32>} : memref<128xi32, #tpu.memory_space<vmem>>, vector<16xi32>,
      tpu.vector_store %arg22[%swap3A_340], %get3A_339 {strides = array<i32>} : memref<128xi32, #tpu.memory_space<vmem>>, vector<16xi32>,
      %get3A_342 = arith.constant 96 : index
      %get3A_343 = tpu.vector_load %arg28[%get3A_342] {strides = array<i32>} : memref<128xf32, #tpu.memory_space<vmem>>, vector<16xf32>,
      %mul3A_344 = arith.constant 128 : i32
      %mul3A_345 = arith.muli %add3A_247, %mul3A_344 : i32
      %add3A_346 = arith.constant 96 : i32
      %add3A_347 = arith.addi %mul3A_345, %add3A_346 : i32
      %get3A_348 = arith.index_cast %add3A_347 : i32 to index
      %get3A_349 = tpu.vector_load %arg15[%get3A_348] {strides = array<i32>} : memref<10000xf32, #tpu.memory_space<vmem>>, vector<16xf32>,
      %add3A_350 = arith.addf %get3A_343, %get3A_349 : vector<16xf32>
      %swap3A_351 = arith.constant 96 : index
      %swap3A_352 = tpu.vector_load %arg34[%swap3A_351] {strides = array<i32>} : memref<128xf32, #tpu.memory_space<vmem>>, vector<16xf32>,
      tpu.vector_store %arg34[%swap3A_351], %add3A_350 {strides = array<i32>} : memref<128xf32, #tpu.memory_space<vmem>>, vector<16xf32>,
      %get3A_353 = arith.constant 96 : index
      %get3A_354 = tpu.vector_load %arg16[%get3A_353] {strides = array<i32>} : memref<128xi32, #tpu.memory_space<vmem>>, vector<16xi32>,
      %swap3A_355 = arith.constant 96 : index
      %swap3A_356 = tpu.vector_load %arg22[%swap3A_355] {strides = array<i32>} : memref<128xi32, #tpu.memory_space<vmem>>, vector<16xi32>,
      tpu.vector_store %arg22[%swap3A_355], %get3A_354 {strides = array<i32>} : memref<128xi32, #tpu.memory_space<vmem>>, vector<16xi32>,
      %get3A_357 = arith.constant 112 : index
      %get3A_358 = tpu.vector_load %arg28[%get3A_357] {strides = array<i32>} : memref<128xf32, #tpu.memory_space<vmem>>, vector<16xf32>,
      %mul3A_359 = arith.constant 128 : i32
      %mul3A_360 = arith.muli %add3A_247, %mul3A_359 : i32
      %add3A_361 = arith.constant 112 : i32
      %add3A_362 = arith.addi %mul3A_360, %add3A_361 : i32
      %get3A_363 = arith.index_cast %add3A_362 : i32 to index
      %get3A_364 = tpu.vector_load %arg15[%get3A_363] {strides = array<i32>} : memref<10000xf32, #tpu.memory_space<vmem>>, vector<16xf32>,
      %add3A_365 = arith.addf %get3A_358, %get3A_364 : vector<16xf32>
      %swap3A_366 = arith.constant 112 : index
      %swap3A_367 = tpu.vector_load %arg34[%swap3A_366] {strides = array<i32>} : memref<128xf32, #tpu.memory_space<vmem>>, vector<16xf32>,
      tpu.vector_store %arg34[%swap3A_366], %add3A_365 {strides = array<i32>} : memref<128xf32, #tpu.memory_space<vmem>>, vector<16xf32>,
      %get3A_368 = arith.constant 112 : index
      %get3A_369 = tpu.vector_load %arg16[%get3A_368] {strides = array<i32>} : memref<128xi32, #tpu.memory_space<vmem>>, vector<16xi32>,
      %swap3A_370 = arith.constant 112 : index
      %swap3A_371 = tpu.vector_load %arg22[%swap3A_370] {strides = array<i32>} : memref<128xi32, #tpu.memory_space<vmem>>, vector<16xi32>,
      tpu.vector_store %arg22[%swap3A_370], %get3A_369 {strides = array<i32>} : memref<128xi32, #tpu.memory_space<vmem>>, vector<16xi32>,
      %dma_start3A_372 = arith.constant 0 : i32
      %dma_start3A_373 = tpu.memref_slice %arg8[%dma_start3A_372] : memref<101120000xf32, #tpu.memory_space<hbm>> -> memref<101120000xf32, #tpu.memory_space<hbm>>
      tpu.enqueue_indirect_dma source(%arg34 : memref<128xf32, #tpu.memory_space<vmem>>) target(%dma_start3A_373 : memref<101120000xf32, #tpu.memory_space<hbm>>) offsets(%arg22 : memref<128xi32, #tpu.memory_space<vmem>>) semaphore(%arg46 : memref<!tpu.dma_semaphore, #tpu.memory_space<semaphore_mem>>)
      %lt3A = arith.constant 12 : i32
      %lt3A_374 = arith.cmpi slt, %scan3A_243, %lt3A : i32
      %convert_element_type3A_375 = arith.extui %lt3A_374 : i1 to i32
      %cond3A_376 = arith.constant 0 : i32
      %cond3A_377 = arith.cmpi ne, %convert_element_type3A_375, %cond3A_376 : i32
      scf.if %cond3A_377 {
        %add3A_1068 = arith.constant 6 : i32
        %add3A_1069 = arith.addi %add3A_247, %add3A_1068 : i32
        %mul3A_1070 = arith.constant 128 : i32
        %mul3A_1071 = arith.muli %add3A_1069, %mul3A_1070 : i32
        %add3A_1072 = arith.constant 0 : i32
        %add3A_1073 = arith.addi %mul3A_1071, %add3A_1072 : i32
        %get3A_1074 = arith.index_cast %add3A_1073 : i32 to index
        %get3A_1075 = tpu.vector_load %arg14[%get3A_1074] {strides = array<i32>} : memref<10000xi32, #tpu.memory_space<vmem>>, vector<16xi32>,
        %swap3A_1076 = arith.constant 0 : index
        %swap3A_1077 = tpu.vector_load %arg16[%swap3A_1076] {strides = array<i32>} : memref<128xi32, #tpu.memory_space<vmem>>, vector<16xi32>,
        tpu.vector_store %arg16[%swap3A_1076], %get3A_1075 {strides = array<i32>} : memref<128xi32, #tpu.memory_space<vmem>>, vector<16xi32>,
        %add3A_1078 = arith.constant 6 : i32
        %add3A_1079 = arith.addi %add3A_247, %add3A_1078 : i32
        %mul3A_1080 = arith.constant 128 : i32
        %mul3A_1081 = arith.muli %add3A_1079, %mul3A_1080 : i32
        %add3A_1082 = arith.constant 16 : i32
        %add3A_1083 = arith.addi %mul3A_1081, %add3A_1082 : i32
        %get3A_1084 = arith.index_cast %add3A_1083 : i32 to index
        %get3A_1085 = tpu.vector_load %arg14[%get3A_1084] {strides = array<i32>} : memref<10000xi32, #tpu.memory_space<vmem>>, vector<16xi32>,
        %swap3A_1086 = arith.constant 16 : index
        %swap3A_1087 = tpu.vector_load %arg16[%swap3A_1086] {strides = array<i32>} : memref<128xi32, #tpu.memory_space<vmem>>, vector<16xi32>,
        tpu.vector_store %arg16[%swap3A_1086], %get3A_1085 {strides = array<i32>} : memref<128xi32, #tpu.memory_space<vmem>>, vector<16xi32>,
        %add3A_1088 = arith.constant 6 : i32
        %add3A_1089 = arith.addi %add3A_247, %add3A_1088 : i32
        %mul3A_1090 = arith.constant 128 : i32
        %mul3A_1091 = arith.muli %add3A_1089, %mul3A_1090 : i32
        %add3A_1092 = arith.constant 32 : i32
        %add3A_1093 = arith.addi %mul3A_1091, %add3A_1092 : i32
        %get3A_1094 = arith.index_cast %add3A_1093 : i32 to index
        %get3A_1095 = tpu.vector_load %arg14[%get3A_1094] {strides = array<i32>} : memref<10000xi32, #tpu.memory_space<vmem>>, vector<16xi32>,
        %swap3A_1096 = arith.constant 32 : index
        %swap3A_1097 = tpu.vector_load %arg16[%swap3A_1096] {strides = array<i32>} : memref<128xi32, #tpu.memory_space<vmem>>, vector<16xi32>,
        tpu.vector_store %arg16[%swap3A_1096], %get3A_1095 {strides = array<i32>} : memref<128xi32, #tpu.memory_space<vmem>>, vector<16xi32>,
        %add3A_1098 = arith.constant 6 : i32
        %add3A_1099 = arith.addi %add3A_247, %add3A_1098 : i32
        %mul3A_1100 = arith.constant 128 : i32
        %mul3A_1101 = arith.muli %add3A_1099, %mul3A_1100 : i32
        %add3A_1102 = arith.constant 48 : i32
        %add3A_1103 = arith.addi %mul3A_1101, %add3A_1102 : i32
        %get3A_1104 = arith.index_cast %add3A_1103 : i32 to index
        %get3A_1105 = tpu.vector_load %arg14[%get3A_1104] {strides = array<i32>} : memref<10000xi32, #tpu.memory_space<vmem>>, vector<16xi32>,
        %swap3A_1106 = arith.constant 48 : index
        %swap3A_1107 = tpu.vector_load %arg16[%swap3A_1106] {strides = array<i32>} : memref<128xi32, #tpu.memory_space<vmem>>, vector<16xi32>,
        tpu.vector_store %arg16[%swap3A_1106], %get3A_1105 {strides = array<i32>} : memref<128xi32, #tpu.memory_space<vmem>>, vector<16xi32>,
        %add3A_1108 = arith.constant 6 : i32
        %add3A_1109 = arith.addi %add3A_247, %add3A_1108 : i32
        %mul3A_1110 = arith.constant 128 : i32
        %mul3A_1111 = arith.muli %add3A_1109, %mul3A_1110 : i32
        %add3A_1112 = arith.constant 64 : i32
        %add3A_1113 = arith.addi %mul3A_1111, %add3A_1112 : i32
        %get3A_1114 = arith.index_cast %add3A_1113 : i32 to index
        %get3A_1115 = tpu.vector_load %arg14[%get3A_1114] {strides = array<i32>} : memref<10000xi32, #tpu.memory_space<vmem>>, vector<16xi32>,
        %swap3A_1116 = arith.constant 64 : index
        %swap3A_1117 = tpu.vector_load %arg16[%swap3A_1116] {strides = array<i32>} : memref<128xi32, #tpu.memory_space<vmem>>, vector<16xi32>,
        tpu.vector_store %arg16[%swap3A_1116], %get3A_1115 {strides = array<i32>} : memref<128xi32, #tpu.memory_space<vmem>>, vector<16xi32>,
        %add3A_1118 = arith.constant 6 : i32
        %add3A_1119 = arith.addi %add3A_247, %add3A_1118 : i32
        %mul3A_1120 = arith.constant 128 : i32
        %mul3A_1121 = arith.muli %add3A_1119, %mul3A_1120 : i32
        %add3A_1122 = arith.constant 80 : i32
        %add3A_1123 = arith.addi %mul3A_1121, %add3A_1122 : i32
        %get3A_1124 = arith.index_cast %add3A_1123 : i32 to index
        %get3A_1125 = tpu.vector_load %arg14[%get3A_1124] {strides = array<i32>} : memref<10000xi32, #tpu.memory_space<vmem>>, vector<16xi32>,
        %swap3A_1126 = arith.constant 80 : index
        %swap3A_1127 = tpu.vector_load %arg16[%swap3A_1126] {strides = array<i32>} : memref<128xi32, #tpu.memory_space<vmem>>, vector<16xi32>,
        tpu.vector_store %arg16[%swap3A_1126], %get3A_1125 {strides = array<i32>} : memref<128xi32, #tpu.memory_space<vmem>>, vector<16xi32>,
        %add3A_1128 = arith.constant 6 : i32
        %add3A_1129 = arith.addi %add3A_247, %add3A_1128 : i32
        %mul3A_1130 = arith.constant 128 : i32
        %mul3A_1131 = arith.muli %add3A_1129, %mul3A_1130 : i32
        %add3A_1132 = arith.constant 96 : i32
        %add3A_1133 = arith.addi %mul3A_1131, %add3A_1132 : i32
        %get3A_1134 = arith.index_cast %add3A_1133 : i32 to index
        %get3A_1135 = tpu.vector_load %arg14[%get3A_1134] {strides = array<i32>} : memref<10000xi32, #tpu.memory_space<vmem>>, vector<16xi32>,
        %swap3A_1136 = arith.constant 96 : index
        %swap3A_1137 = tpu.vector_load %arg16[%swap3A_1136] {strides = array<i32>} : memref<128xi32, #tpu.memory_space<vmem>>, vector<16xi32>,
        tpu.vector_store %arg16[%swap3A_1136], %get3A_1135 {strides = array<i32>} : memref<128xi32, #tpu.memory_space<vmem>>, vector<16xi32>,
        %add3A_1138 = arith.constant 6 : i32
        %add3A_1139 = arith.addi %add3A_247, %add3A_1138 : i32
        %mul3A_1140 = arith.constant 128 : i32
        %mul3A_1141 = arith.muli %add3A_1139, %mul3A_1140 : i32
        %add3A_1142 = arith.constant 112 : i32
        %add3A_1143 = arith.addi %mul3A_1141, %add3A_1142 : i32
        %get3A_1144 = arith.index_cast %add3A_1143 : i32 to index
        %get3A_1145 = tpu.vector_load %arg14[%get3A_1144] {strides = array<i32>} : memref<10000xi32, #tpu.memory_space<vmem>>, vector<16xi32>,
        %swap3A_1146 = arith.constant 112 : index
        %swap3A_1147 = tpu.vector_load %arg16[%swap3A_1146] {strides = array<i32>} : memref<128xi32, #tpu.memory_space<vmem>>, vector<16xi32>,
        tpu.vector_store %arg16[%swap3A_1146], %get3A_1145 {strides = array<i32>} : memref<128xi32, #tpu.memory_space<vmem>>, vector<16xi32>,
        %dma_start3A_1148 = arith.constant 0 : i32
        %dma_start3A_1149 = tpu.memref_slice %arg8[%dma_start3A_1148] : memref<101120000xf32, #tpu.memory_space<hbm>> -> memref<101120000xf32, #tpu.memory_space<hbm>>
        tpu.enqueue_indirect_dma source(%dma_start3A_1149 : memref<101120000xf32, #tpu.memory_space<hbm>>) target(%arg28 : memref<128xf32, #tpu.memory_space<vmem>>) offsets(%arg16 : memref<128xi32, #tpu.memory_space<vmem>>) semaphore(%arg40 : memref<!tpu.dma_semaphore, #tpu.memory_space<semaphore_mem>>)
      } else {
      }
      %mul3A_378 = arith.constant 6 : i32
      %mul3A_379 = arith.muli %scan3A_243, %mul3A_378 : i32
      %add3A_380 = arith.constant 1 : i32
      %add3A_381 = arith.addi %mul3A_379, %add3A_380 : i32
      %dma_wait3A_382 = arith.constant 0 : i32
      %dma_wait3A_383 = tpu.memref_slice %arg8[%dma_wait3A_382] : memref<101120000xf32, #tpu.memory_space<hbm>> -> memref<101120000xf32, #tpu.memory_space<hbm>>
      tpu.wait_indirect_dma semaphore(%arg41 : memref<!tpu.dma_semaphore, #tpu.memory_space<semaphore_mem>>) src(%dma_wait3A_383 : memref<101120000xf32, #tpu.memory_space<hbm>>) dst(%arg29 : memref<128xf32, #tpu.memory_space<vmem>>)
      %gt3A_384 = arith.constant 0 : i32
      %gt3A_385 = arith.cmpi sgt, %scan3A_243, %gt3A_384 : i32
      %convert_element_type3A_386 = arith.extui %gt3A_385 : i1 to i32
      %cond3A_387 = arith.constant 0 : i32
      %cond3A_388 = arith.cmpi ne, %convert_element_type3A_386, %cond3A_387 : i32
      scf.if %cond3A_388 {
        %dma_wait3A_1068 = arith.constant 0 : i32
        %dma_wait3A_1069 = tpu.memref_slice %arg8[%dma_wait3A_1068] : memref<101120000xf32, #tpu.memory_space<hbm>> -> memref<101120000xf32, #tpu.memory_space<hbm>>
        tpu.wait_indirect_dma semaphore(%arg47 : memref<!tpu.dma_semaphore, #tpu.memory_space<semaphore_mem>>) src(%arg35 : memref<128xf32, #tpu.memory_space<vmem>>) dst(%dma_wait3A_1069 : memref<101120000xf32, #tpu.memory_space<hbm>>)
      } else {
      }
      %get3A_389 = arith.constant 0 : index
      %get3A_390 = tpu.vector_load %arg29[%get3A_389] {strides = array<i32>} : memref<128xf32, #tpu.memory_space<vmem>>, vector<16xf32>,
      %mul3A_391 = arith.constant 128 : i32
      %mul3A_392 = arith.muli %add3A_381, %mul3A_391 : i32
      %add3A_393 = arith.constant 0 : i32
      %add3A_394 = arith.addi %mul3A_392, %add3A_393 : i32
      %get3A_395 = arith.index_cast %add3A_394 : i32 to index
      %get3A_396 = tpu.vector_load %arg15[%get3A_395] {strides = array<i32>} : memref<10000xf32, #tpu.memory_space<vmem>>, vector<16xf32>,
      %add3A_397 = arith.addf %get3A_390, %get3A_396 : vector<16xf32>
      %swap3A_398 = arith.constant 0 : index
      %swap3A_399 = tpu.vector_load %arg35[%swap3A_398] {strides = array<i32>} : memref<128xf32, #tpu.memory_space<vmem>>, vector<16xf32>,
      tpu.vector_store %arg35[%swap3A_398], %add3A_397 {strides = array<i32>} : memref<128xf32, #tpu.memory_space<vmem>>, vector<16xf32>,
      %get3A_400 = arith.constant 0 : index
      %get3A_401 = tpu.vector_load %arg17[%get3A_400] {strides = array<i32>} : memref<128xi32, #tpu.memory_space<vmem>>, vector<16xi32>,
      %swap3A_402 = arith.constant 0 : index
      %swap3A_403 = tpu.vector_load %arg23[%swap3A_402] {strides = array<i32>} : memref<128xi32, #tpu.memory_space<vmem>>, vector<16xi32>,
      tpu.vector_store %arg23[%swap3A_402], %get3A_401 {strides = array<i32>} : memref<128xi32, #tpu.memory_space<vmem>>, vector<16xi32>,
      %get3A_404 = arith.constant 16 : index
      %get3A_405 = tpu.vector_load %arg29[%get3A_404] {strides = array<i32>} : memref<128xf32, #tpu.memory_space<vmem>>, vector<16xf32>,
      %mul3A_406 = arith.constant 128 : i32
      %mul3A_407 = arith.muli %add3A_381, %mul3A_406 : i32
      %add3A_408 = arith.constant 16 : i32
      %add3A_409 = arith.addi %mul3A_407, %add3A_408 : i32
      %get3A_410 = arith.index_cast %add3A_409 : i32 to index
      %get3A_411 = tpu.vector_load %arg15[%get3A_410] {strides = array<i32>} : memref<10000xf32, #tpu.memory_space<vmem>>, vector<16xf32>,
      %add3A_412 = arith.addf %get3A_405, %get3A_411 : vector<16xf32>
      %swap3A_413 = arith.constant 16 : index
      %swap3A_414 = tpu.vector_load %arg35[%swap3A_413] {strides = array<i32>} : memref<128xf32, #tpu.memory_space<vmem>>, vector<16xf32>,
      tpu.vector_store %arg35[%swap3A_413], %add3A_412 {strides = array<i32>} : memref<128xf32, #tpu.memory_space<vmem>>, vector<16xf32>,
      %get3A_415 = arith.constant 16 : index
      %get3A_416 = tpu.vector_load %arg17[%get3A_415] {strides = array<i32>} : memref<128xi32, #tpu.memory_space<vmem>>, vector<16xi32>,
      %swap3A_417 = arith.constant 16 : index
      %swap3A_418 = tpu.vector_load %arg23[%swap3A_417] {strides = array<i32>} : memref<128xi32, #tpu.memory_space<vmem>>, vector<16xi32>,
      tpu.vector_store %arg23[%swap3A_417], %get3A_416 {strides = array<i32>} : memref<128xi32, #tpu.memory_space<vmem>>, vector<16xi32>,
      %get3A_419 = arith.constant 32 : index
      %get3A_420 = tpu.vector_load %arg29[%get3A_419] {strides = array<i32>} : memref<128xf32, #tpu.memory_space<vmem>>, vector<16xf32>,
      %mul3A_421 = arith.constant 128 : i32
      %mul3A_422 = arith.muli %add3A_381, %mul3A_421 : i32
      %add3A_423 = arith.constant 32 : i32
      %add3A_424 = arith.addi %mul3A_422, %add3A_423 : i32
      %get3A_425 = arith.index_cast %add3A_424 : i32 to index
      %get3A_426 = tpu.vector_load %arg15[%get3A_425] {strides = array<i32>} : memref<10000xf32, #tpu.memory_space<vmem>>, vector<16xf32>,
      %add3A_427 = arith.addf %get3A_420, %get3A_426 : vector<16xf32>
      %swap3A_428 = arith.constant 32 : index
      %swap3A_429 = tpu.vector_load %arg35[%swap3A_428] {strides = array<i32>} : memref<128xf32, #tpu.memory_space<vmem>>, vector<16xf32>,
      tpu.vector_store %arg35[%swap3A_428], %add3A_427 {strides = array<i32>} : memref<128xf32, #tpu.memory_space<vmem>>, vector<16xf32>,
      %get3A_430 = arith.constant 32 : index
      %get3A_431 = tpu.vector_load %arg17[%get3A_430] {strides = array<i32>} : memref<128xi32, #tpu.memory_space<vmem>>, vector<16xi32>,
      %swap3A_432 = arith.constant 32 : index
      %swap3A_433 = tpu.vector_load %arg23[%swap3A_432] {strides = array<i32>} : memref<128xi32, #tpu.memory_space<vmem>>, vector<16xi32>,
      tpu.vector_store %arg23[%swap3A_432], %get3A_431 {strides = array<i32>} : memref<128xi32, #tpu.memory_space<vmem>>, vector<16xi32>,
      %get3A_434 = arith.constant 48 : index
      %get3A_435 = tpu.vector_load %arg29[%get3A_434] {strides = array<i32>} : memref<128xf32, #tpu.memory_space<vmem>>, vector<16xf32>,
      %mul3A_436 = arith.constant 128 : i32
      %mul3A_437 = arith.muli %add3A_381, %mul3A_436 : i32
      %add3A_438 = arith.constant 48 : i32
      %add3A_439 = arith.addi %mul3A_437, %add3A_438 : i32
      %get3A_440 = arith.index_cast %add3A_439 : i32 to index
      %get3A_441 = tpu.vector_load %arg15[%get3A_440] {strides = array<i32>} : memref<10000xf32, #tpu.memory_space<vmem>>, vector<16xf32>,
      %add3A_442 = arith.addf %get3A_435, %get3A_441 : vector<16xf32>
      %swap3A_443 = arith.constant 48 : index
      %swap3A_444 = tpu.vector_load %arg35[%swap3A_443] {strides = array<i32>} : memref<128xf32, #tpu.memory_space<vmem>>, vector<16xf32>,
      tpu.vector_store %arg35[%swap3A_443], %add3A_442 {strides = array<i32>} : memref<128xf32, #tpu.memory_space<vmem>>, vector<16xf32>,
      %get3A_445 = arith.constant 48 : index
      %get3A_446 = tpu.vector_load %arg17[%get3A_445] {strides = array<i32>} : memref<128xi32, #tpu.memory_space<vmem>>, vector<16xi32>,
      %swap3A_447 = arith.constant 48 : index
      %swap3A_448 = tpu.vector_load %arg23[%swap3A_447] {strides = array<i32>} : memref<128xi32, #tpu.memory_space<vmem>>, vector<16xi32>,
      tpu.vector_store %arg23[%swap3A_447], %get3A_446 {strides = array<i32>} : memref<128xi32, #tpu.memory_space<vmem>>, vector<16xi32>,
      %get3A_449 = arith.constant 64 : index
      %get3A_450 = tpu.vector_load %arg29[%get3A_449] {strides = array<i32>} : memref<128xf32, #tpu.memory_space<vmem>>, vector<16xf32>,
      %mul3A_451 = arith.constant 128 : i32
      %mul3A_452 = arith.muli %add3A_381, %mul3A_451 : i32
      %add3A_453 = arith.constant 64 : i32
      %add3A_454 = arith.addi %mul3A_452, %add3A_453 : i32
      %get3A_455 = arith.index_cast %add3A_454 : i32 to index
      %get3A_456 = tpu.vector_load %arg15[%get3A_455] {strides = array<i32>} : memref<10000xf32, #tpu.memory_space<vmem>>, vector<16xf32>,
      %add3A_457 = arith.addf %get3A_450, %get3A_456 : vector<16xf32>
      %swap3A_458 = arith.constant 64 : index
      %swap3A_459 = tpu.vector_load %arg35[%swap3A_458] {strides = array<i32>} : memref<128xf32, #tpu.memory_space<vmem>>, vector<16xf32>,
      tpu.vector_store %arg35[%swap3A_458], %add3A_457 {strides = array<i32>} : memref<128xf32, #tpu.memory_space<vmem>>, vector<16xf32>,
      %get3A_460 = arith.constant 64 : index
      %get3A_461 = tpu.vector_load %arg17[%get3A_460] {strides = array<i32>} : memref<128xi32, #tpu.memory_space<vmem>>, vector<16xi32>,
      %swap3A_462 = arith.constant 64 : index
      %swap3A_463 = tpu.vector_load %arg23[%swap3A_462] {strides = array<i32>} : memref<128xi32, #tpu.memory_space<vmem>>, vector<16xi32>,
      tpu.vector_store %arg23[%swap3A_462], %get3A_461 {strides = array<i32>} : memref<128xi32, #tpu.memory_space<vmem>>, vector<16xi32>,
      %get3A_464 = arith.constant 80 : index
      %get3A_465 = tpu.vector_load %arg29[%get3A_464] {strides = array<i32>} : memref<128xf32, #tpu.memory_space<vmem>>, vector<16xf32>,
      %mul3A_466 = arith.constant 128 : i32
      %mul3A_467 = arith.muli %add3A_381, %mul3A_466 : i32
      %add3A_468 = arith.constant 80 : i32
      %add3A_469 = arith.addi %mul3A_467, %add3A_468 : i32
      %get3A_470 = arith.index_cast %add3A_469 : i32 to index
      %get3A_471 = tpu.vector_load %arg15[%get3A_470] {strides = array<i32>} : memref<10000xf32, #tpu.memory_space<vmem>>, vector<16xf32>,
      %add3A_472 = arith.addf %get3A_465, %get3A_471 : vector<16xf32>
      %swap3A_473 = arith.constant 80 : index
      %swap3A_474 = tpu.vector_load %arg35[%swap3A_473] {strides = array<i32>} : memref<128xf32, #tpu.memory_space<vmem>>, vector<16xf32>,
      tpu.vector_store %arg35[%swap3A_473], %add3A_472 {strides = array<i32>} : memref<128xf32, #tpu.memory_space<vmem>>, vector<16xf32>,
      %get3A_475 = arith.constant 80 : index
      %get3A_476 = tpu.vector_load %arg17[%get3A_475] {strides = array<i32>} : memref<128xi32, #tpu.memory_space<vmem>>, vector<16xi32>,
      %swap3A_477 = arith.constant 80 : index
      %swap3A_478 = tpu.vector_load %arg23[%swap3A_477] {strides = array<i32>} : memref<128xi32, #tpu.memory_space<vmem>>, vector<16xi32>,
      tpu.vector_store %arg23[%swap3A_477], %get3A_476 {strides = array<i32>} : memref<128xi32, #tpu.memory_space<vmem>>, vector<16xi32>,
      %get3A_479 = arith.constant 96 : index
      %get3A_480 = tpu.vector_load %arg29[%get3A_479] {strides = array<i32>} : memref<128xf32, #tpu.memory_space<vmem>>, vector<16xf32>,
      %mul3A_481 = arith.constant 128 : i32
      %mul3A_482 = arith.muli %add3A_381, %mul3A_481 : i32
      %add3A_483 = arith.constant 96 : i32
      %add3A_484 = arith.addi %mul3A_482, %add3A_483 : i32
      %get3A_485 = arith.index_cast %add3A_484 : i32 to index
      %get3A_486 = tpu.vector_load %arg15[%get3A_485] {strides = array<i32>} : memref<10000xf32, #tpu.memory_space<vmem>>, vector<16xf32>,
      %add3A_487 = arith.addf %get3A_480, %get3A_486 : vector<16xf32>
      %swap3A_488 = arith.constant 96 : index
      %swap3A_489 = tpu.vector_load %arg35[%swap3A_488] {strides = array<i32>} : memref<128xf32, #tpu.memory_space<vmem>>, vector<16xf32>,
      tpu.vector_store %arg35[%swap3A_488], %add3A_487 {strides = array<i32>} : memref<128xf32, #tpu.memory_space<vmem>>, vector<16xf32>,
      %get3A_490 = arith.constant 96 : index
      %get3A_491 = tpu.vector_load %arg17[%get3A_490] {strides = array<i32>} : memref<128xi32, #tpu.memory_space<vmem>>, vector<16xi32>,
      %swap3A_492 = arith.constant 96 : index
      %swap3A_493 = tpu.vector_load %arg23[%swap3A_492] {strides = array<i32>} : memref<128xi32, #tpu.memory_space<vmem>>, vector<16xi32>,
      tpu.vector_store %arg23[%swap3A_492], %get3A_491 {strides = array<i32>} : memref<128xi32, #tpu.memory_space<vmem>>, vector<16xi32>,
      %get3A_494 = arith.constant 112 : index
      %get3A_495 = tpu.vector_load %arg29[%get3A_494] {strides = array<i32>} : memref<128xf32, #tpu.memory_space<vmem>>, vector<16xf32>,
      %mul3A_496 = arith.constant 128 : i32
      %mul3A_497 = arith.muli %add3A_381, %mul3A_496 : i32
      %add3A_498 = arith.constant 112 : i32
      %add3A_499 = arith.addi %mul3A_497, %add3A_498 : i32
      %get3A_500 = arith.index_cast %add3A_499 : i32 to index
      %get3A_501 = tpu.vector_load %arg15[%get3A_500] {strides = array<i32>} : memref<10000xf32, #tpu.memory_space<vmem>>, vector<16xf32>,
      %add3A_502 = arith.addf %get3A_495, %get3A_501 : vector<16xf32>
      %swap3A_503 = arith.constant 112 : index
      %swap3A_504 = tpu.vector_load %arg35[%swap3A_503] {strides = array<i32>} : memref<128xf32, #tpu.memory_space<vmem>>, vector<16xf32>,
      tpu.vector_store %arg35[%swap3A_503], %add3A_502 {strides = array<i32>} : memref<128xf32, #tpu.memory_space<vmem>>, vector<16xf32>,
      %get3A_505 = arith.constant 112 : index
      %get3A_506 = tpu.vector_load %arg17[%get3A_505] {strides = array<i32>} : memref<128xi32, #tpu.memory_space<vmem>>, vector<16xi32>,
      %swap3A_507 = arith.constant 112 : index
      %swap3A_508 = tpu.vector_load %arg23[%swap3A_507] {strides = array<i32>} : memref<128xi32, #tpu.memory_space<vmem>>, vector<16xi32>,
      tpu.vector_store %arg23[%swap3A_507], %get3A_506 {strides = array<i32>} : memref<128xi32, #tpu.memory_space<vmem>>, vector<16xi32>,
      %dma_start3A_509 = arith.constant 0 : i32
      %dma_start3A_510 = tpu.memref_slice %arg8[%dma_start3A_509] : memref<101120000xf32, #tpu.memory_space<hbm>> -> memref<101120000xf32, #tpu.memory_space<hbm>>
      tpu.enqueue_indirect_dma source(%arg35 : memref<128xf32, #tpu.memory_space<vmem>>) target(%dma_start3A_510 : memref<101120000xf32, #tpu.memory_space<hbm>>) offsets(%arg23 : memref<128xi32, #tpu.memory_space<vmem>>) semaphore(%arg47 : memref<!tpu.dma_semaphore, #tpu.memory_space<semaphore_mem>>)
      %lt3A_511 = arith.constant 12 : i32
      %lt3A_512 = arith.cmpi slt, %scan3A_243, %lt3A_511 : i32
      %convert_element_type3A_513 = arith.extui %lt3A_512 : i1 to i32
      %cond3A_514 = arith.constant 0 : i32
      %cond3A_515 = arith.cmpi ne, %convert_element_type3A_513, %cond3A_514 : i32
      scf.if %cond3A_515 {
        %add3A_1068 = arith.constant 6 : i32
        %add3A_1069 = arith.addi %add3A_381, %add3A_1068 : i32
        %mul3A_1070 = arith.constant 128 : i32
        %mul3A_1071 = arith.muli %add3A_1069, %mul3A_1070 : i32
        %add3A_1072 = arith.constant 0 : i32
        %add3A_1073 = arith.addi %mul3A_1071, %add3A_1072 : i32
        %get3A_1074 = arith.index_cast %add3A_1073 : i32 to index
        %get3A_1075 = tpu.vector_load %arg14[%get3A_1074] {strides = array<i32>} : memref<10000xi32, #tpu.memory_space<vmem>>, vector<16xi32>,
        %swap3A_1076 = arith.constant 0 : index
        %swap3A_1077 = tpu.vector_load %arg17[%swap3A_1076] {strides = array<i32>} : memref<128xi32, #tpu.memory_space<vmem>>, vector<16xi32>,
        tpu.vector_store %arg17[%swap3A_1076], %get3A_1075 {strides = array<i32>} : memref<128xi32, #tpu.memory_space<vmem>>, vector<16xi32>,
        %add3A_1078 = arith.constant 6 : i32
        %add3A_1079 = arith.addi %add3A_381, %add3A_1078 : i32
        %mul3A_1080 = arith.constant 128 : i32
        %mul3A_1081 = arith.muli %add3A_1079, %mul3A_1080 : i32
        %add3A_1082 = arith.constant 16 : i32
        %add3A_1083 = arith.addi %mul3A_1081, %add3A_1082 : i32
        %get3A_1084 = arith.index_cast %add3A_1083 : i32 to index
        %get3A_1085 = tpu.vector_load %arg14[%get3A_1084] {strides = array<i32>} : memref<10000xi32, #tpu.memory_space<vmem>>, vector<16xi32>,
        %swap3A_1086 = arith.constant 16 : index
        %swap3A_1087 = tpu.vector_load %arg17[%swap3A_1086] {strides = array<i32>} : memref<128xi32, #tpu.memory_space<vmem>>, vector<16xi32>,
        tpu.vector_store %arg17[%swap3A_1086], %get3A_1085 {strides = array<i32>} : memref<128xi32, #tpu.memory_space<vmem>>, vector<16xi32>,
        %add3A_1088 = arith.constant 6 : i32
        %add3A_1089 = arith.addi %add3A_381, %add3A_1088 : i32
        %mul3A_1090 = arith.constant 128 : i32
        %mul3A_1091 = arith.muli %add3A_1089, %mul3A_1090 : i32
        %add3A_1092 = arith.constant 32 : i32
        %add3A_1093 = arith.addi %mul3A_1091, %add3A_1092 : i32
        %get3A_1094 = arith.index_cast %add3A_1093 : i32 to index
        %get3A_1095 = tpu.vector_load %arg14[%get3A_1094] {strides = array<i32>} : memref<10000xi32, #tpu.memory_space<vmem>>, vector<16xi32>,
        %swap3A_1096 = arith.constant 32 : index
        %swap3A_1097 = tpu.vector_load %arg17[%swap3A_1096] {strides = array<i32>} : memref<128xi32, #tpu.memory_space<vmem>>, vector<16xi32>,
        tpu.vector_store %arg17[%swap3A_1096], %get3A_1095 {strides = array<i32>} : memref<128xi32, #tpu.memory_space<vmem>>, vector<16xi32>,
        %add3A_1098 = arith.constant 6 : i32
        %add3A_1099 = arith.addi %add3A_381, %add3A_1098 : i32
        %mul3A_1100 = arith.constant 128 : i32
        %mul3A_1101 = arith.muli %add3A_1099, %mul3A_1100 : i32
        %add3A_1102 = arith.constant 48 : i32
        %add3A_1103 = arith.addi %mul3A_1101, %add3A_1102 : i32
        %get3A_1104 = arith.index_cast %add3A_1103 : i32 to index
        %get3A_1105 = tpu.vector_load %arg14[%get3A_1104] {strides = array<i32>} : memref<10000xi32, #tpu.memory_space<vmem>>, vector<16xi32>,
        %swap3A_1106 = arith.constant 48 : index
        %swap3A_1107 = tpu.vector_load %arg17[%swap3A_1106] {strides = array<i32>} : memref<128xi32, #tpu.memory_space<vmem>>, vector<16xi32>,
        tpu.vector_store %arg17[%swap3A_1106], %get3A_1105 {strides = array<i32>} : memref<128xi32, #tpu.memory_space<vmem>>, vector<16xi32>,
        %add3A_1108 = arith.constant 6 : i32
        %add3A_1109 = arith.addi %add3A_381, %add3A_1108 : i32
        %mul3A_1110 = arith.constant 128 : i32
        %mul3A_1111 = arith.muli %add3A_1109, %mul3A_1110 : i32
        %add3A_1112 = arith.constant 64 : i32
        %add3A_1113 = arith.addi %mul3A_1111, %add3A_1112 : i32
        %get3A_1114 = arith.index_cast %add3A_1113 : i32 to index
        %get3A_1115 = tpu.vector_load %arg14[%get3A_1114] {strides = array<i32>} : memref<10000xi32, #tpu.memory_space<vmem>>, vector<16xi32>,
        %swap3A_1116 = arith.constant 64 : index
        %swap3A_1117 = tpu.vector_load %arg17[%swap3A_1116] {strides = array<i32>} : memref<128xi32, #tpu.memory_space<vmem>>, vector<16xi32>,
        tpu.vector_store %arg17[%swap3A_1116], %get3A_1115 {strides = array<i32>} : memref<128xi32, #tpu.memory_space<vmem>>, vector<16xi32>,
        %add3A_1118 = arith.constant 6 : i32
        %add3A_1119 = arith.addi %add3A_381, %add3A_1118 : i32
        %mul3A_1120 = arith.constant 128 : i32
        %mul3A_1121 = arith.muli %add3A_1119, %mul3A_1120 : i32
        %add3A_1122 = arith.constant 80 : i32
        %add3A_1123 = arith.addi %mul3A_1121, %add3A_1122 : i32
        %get3A_1124 = arith.index_cast %add3A_1123 : i32 to index
        %get3A_1125 = tpu.vector_load %arg14[%get3A_1124] {strides = array<i32>} : memref<10000xi32, #tpu.memory_space<vmem>>, vector<16xi32>,
        %swap3A_1126 = arith.constant 80 : index
        %swap3A_1127 = tpu.vector_load %arg17[%swap3A_1126] {strides = array<i32>} : memref<128xi32, #tpu.memory_space<vmem>>, vector<16xi32>,
        tpu.vector_store %arg17[%swap3A_1126], %get3A_1125 {strides = array<i32>} : memref<128xi32, #tpu.memory_space<vmem>>, vector<16xi32>,
        %add3A_1128 = arith.constant 6 : i32
        %add3A_1129 = arith.addi %add3A_381, %add3A_1128 : i32
        %mul3A_1130 = arith.constant 128 : i32
        %mul3A_1131 = arith.muli %add3A_1129, %mul3A_1130 : i32
        %add3A_1132 = arith.constant 96 : i32
        %add3A_1133 = arith.addi %mul3A_1131, %add3A_1132 : i32
        %get3A_1134 = arith.index_cast %add3A_1133 : i32 to index
        %get3A_1135 = tpu.vector_load %arg14[%get3A_1134] {strides = array<i32>} : memref<10000xi32, #tpu.memory_space<vmem>>, vector<16xi32>,
        %swap3A_1136 = arith.constant 96 : index
        %swap3A_1137 = tpu.vector_load %arg17[%swap3A_1136] {strides = array<i32>} : memref<128xi32, #tpu.memory_space<vmem>>, vector<16xi32>,
        tpu.vector_store %arg17[%swap3A_1136], %get3A_1135 {strides = array<i32>} : memref<128xi32, #tpu.memory_space<vmem>>, vector<16xi32>,
        %add3A_1138 = arith.constant 6 : i32
        %add3A_1139 = arith.addi %add3A_381, %add3A_1138 : i32
        %mul3A_1140 = arith.constant 128 : i32
        %mul3A_1141 = arith.muli %add3A_1139, %mul3A_1140 : i32
        %add3A_1142 = arith.constant 112 : i32
        %add3A_1143 = arith.addi %mul3A_1141, %add3A_1142 : i32
        %get3A_1144 = arith.index_cast %add3A_1143 : i32 to index
        %get3A_1145 = tpu.vector_load %arg14[%get3A_1144] {strides = array<i32>} : memref<10000xi32, #tpu.memory_space<vmem>>, vector<16xi32>,
        %swap3A_1146 = arith.constant 112 : index
        %swap3A_1147 = tpu.vector_load %arg17[%swap3A_1146] {strides = array<i32>} : memref<128xi32, #tpu.memory_space<vmem>>, vector<16xi32>,
        tpu.vector_store %arg17[%swap3A_1146], %get3A_1145 {strides = array<i32>} : memref<128xi32, #tpu.memory_space<vmem>>, vector<16xi32>,
        %dma_start3A_1148 = arith.constant 0 : i32
        %dma_start3A_1149 = tpu.memref_slice %arg8[%dma_start3A_1148] : memref<101120000xf32, #tpu.memory_space<hbm>> -> memref<101120000xf32, #tpu.memory_space<hbm>>
        tpu.enqueue_indirect_dma source(%dma_start3A_1149 : memref<101120000xf32, #tpu.memory_space<hbm>>) target(%arg29 : memref<128xf32, #tpu.memory_space<vmem>>) offsets(%arg17 : memref<128xi32, #tpu.memory_space<vmem>>) semaphore(%arg41 : memref<!tpu.dma_semaphore, #tpu.memory_space<semaphore_mem>>)
      } else {
      }
      %mul3A_516 = arith.constant 6 : i32
      %mul3A_517 = arith.muli %scan3A_243, %mul3A_516 : i32
      %add3A_518 = arith.constant 2 : i32
      %add3A_519 = arith.addi %mul3A_517, %add3A_518 : i32
      %dma_wait3A_520 = arith.constant 0 : i32
      %dma_wait3A_521 = tpu.memref_slice %arg8[%dma_wait3A_520] : memref<101120000xf32, #tpu.memory_space<hbm>> -> memref<101120000xf32, #tpu.memory_space<hbm>>
      tpu.wait_indirect_dma semaphore(%arg42 : memref<!tpu.dma_semaphore, #tpu.memory_space<semaphore_mem>>) src(%dma_wait3A_521 : memref<101120000xf32, #tpu.memory_space<hbm>>) dst(%arg30 : memref<128xf32, #tpu.memory_space<vmem>>)
      %gt3A_522 = arith.constant 0 : i32
      %gt3A_523 = arith.cmpi sgt, %scan3A_243, %gt3A_522 : i32
      %convert_element_type3A_524 = arith.extui %gt3A_523 : i1 to i32
      %cond3A_525 = arith.constant 0 : i32
      %cond3A_526 = arith.cmpi ne, %convert_element_type3A_524, %cond3A_525 : i32
      scf.if %cond3A_526 {
        %dma_wait3A_1068 = arith.constant 0 : i32
        %dma_wait3A_1069 = tpu.memref_slice %arg8[%dma_wait3A_1068] : memref<101120000xf32, #tpu.memory_space<hbm>> -> memref<101120000xf32, #tpu.memory_space<hbm>>
        tpu.wait_indirect_dma semaphore(%arg48 : memref<!tpu.dma_semaphore, #tpu.memory_space<semaphore_mem>>) src(%arg36 : memref<128xf32, #tpu.memory_space<vmem>>) dst(%dma_wait3A_1069 : memref<101120000xf32, #tpu.memory_space<hbm>>)
      } else {
      }
      %get3A_527 = arith.constant 0 : index
      %get3A_528 = tpu.vector_load %arg30[%get3A_527] {strides = array<i32>} : memref<128xf32, #tpu.memory_space<vmem>>, vector<16xf32>,
      %mul3A_529 = arith.constant 128 : i32
      %mul3A_530 = arith.muli %add3A_519, %mul3A_529 : i32
      %add3A_531 = arith.constant 0 : i32
      %add3A_532 = arith.addi %mul3A_530, %add3A_531 : i32
      %get3A_533 = arith.index_cast %add3A_532 : i32 to index
      %get3A_534 = tpu.vector_load %arg15[%get3A_533] {strides = array<i32>} : memref<10000xf32, #tpu.memory_space<vmem>>, vector<16xf32>,
      %add3A_535 = arith.addf %get3A_528, %get3A_534 : vector<16xf32>
      %swap3A_536 = arith.constant 0 : index
      %swap3A_537 = tpu.vector_load %arg36[%swap3A_536] {strides = array<i32>} : memref<128xf32, #tpu.memory_space<vmem>>, vector<16xf32>,
      tpu.vector_store %arg36[%swap3A_536], %add3A_535 {strides = array<i32>} : memref<128xf32, #tpu.memory_space<vmem>>, vector<16xf32>,
      %get3A_538 = arith.constant 0 : index
      %get3A_539 = tpu.vector_load %arg18[%get3A_538] {strides = array<i32>} : memref<128xi32, #tpu.memory_space<vmem>>, vector<16xi32>,
      %swap3A_540 = arith.constant 0 : index
      %swap3A_541 = tpu.vector_load %arg24[%swap3A_540] {strides = array<i32>} : memref<128xi32, #tpu.memory_space<vmem>>, vector<16xi32>,
      tpu.vector_store %arg24[%swap3A_540], %get3A_539 {strides = array<i32>} : memref<128xi32, #tpu.memory_space<vmem>>, vector<16xi32>,
      %get3A_542 = arith.constant 16 : index
      %get3A_543 = tpu.vector_load %arg30[%get3A_542] {strides = array<i32>} : memref<128xf32, #tpu.memory_space<vmem>>, vector<16xf32>,
      %mul3A_544 = arith.constant 128 : i32
      %mul3A_545 = arith.muli %add3A_519, %mul3A_544 : i32
      %add3A_546 = arith.constant 16 : i32
      %add3A_547 = arith.addi %mul3A_545, %add3A_546 : i32
      %get3A_548 = arith.index_cast %add3A_547 : i32 to index
      %get3A_549 = tpu.vector_load %arg15[%get3A_548] {strides = array<i32>} : memref<10000xf32, #tpu.memory_space<vmem>>, vector<16xf32>,
      %add3A_550 = arith.addf %get3A_543, %get3A_549 : vector<16xf32>
      %swap3A_551 = arith.constant 16 : index
      %swap3A_552 = tpu.vector_load %arg36[%swap3A_551] {strides = array<i32>} : memref<128xf32, #tpu.memory_space<vmem>>, vector<16xf32>,
      tpu.vector_store %arg36[%swap3A_551], %add3A_550 {strides = array<i32>} : memref<128xf32, #tpu.memory_space<vmem>>, vector<16xf32>,
      %get3A_553 = arith.constant 16 : index
      %get3A_554 = tpu.vector_load %arg18[%get3A_553] {strides = array<i32>} : memref<128xi32, #tpu.memory_space<vmem>>, vector<16xi32>,
      %swap3A_555 = arith.constant 16 : index
      %swap3A_556 = tpu.vector_load %arg24[%swap3A_555] {strides = array<i32>} : memref<128xi32, #tpu.memory_space<vmem>>, vector<16xi32>,
      tpu.vector_store %arg24[%swap3A_555], %get3A_554 {strides = array<i32>} : memref<128xi32, #tpu.memory_space<vmem>>, vector<16xi32>,
      %get3A_557 = arith.constant 32 : index
      %get3A_558 = tpu.vector_load %arg30[%get3A_557] {strides = array<i32>} : memref<128xf32, #tpu.memory_space<vmem>>, vector<16xf32>,
      %mul3A_559 = arith.constant 128 : i32
      %mul3A_560 = arith.muli %add3A_519, %mul3A_559 : i32
      %add3A_561 = arith.constant 32 : i32
      %add3A_562 = arith.addi %mul3A_560, %add3A_561 : i32
      %get3A_563 = arith.index_cast %add3A_562 : i32 to index
      %get3A_564 = tpu.vector_load %arg15[%get3A_563] {strides = array<i32>} : memref<10000xf32, #tpu.memory_space<vmem>>, vector<16xf32>,
      %add3A_565 = arith.addf %get3A_558, %get3A_564 : vector<16xf32>
      %swap3A_566 = arith.constant 32 : index
      %swap3A_567 = tpu.vector_load %arg36[%swap3A_566] {strides = array<i32>} : memref<128xf32, #tpu.memory_space<vmem>>, vector<16xf32>,
      tpu.vector_store %arg36[%swap3A_566], %add3A_565 {strides = array<i32>} : memref<128xf32, #tpu.memory_space<vmem>>, vector<16xf32>,
      %get3A_568 = arith.constant 32 : index
      %get3A_569 = tpu.vector_load %arg18[%get3A_568] {strides = array<i32>} : memref<128xi32, #tpu.memory_space<vmem>>, vector<16xi32>,
      %swap3A_570 = arith.constant 32 : index
      %swap3A_571 = tpu.vector_load %arg24[%swap3A_570] {strides = array<i32>} : memref<128xi32, #tpu.memory_space<vmem>>, vector<16xi32>,
      tpu.vector_store %arg24[%swap3A_570], %get3A_569 {strides = array<i32>} : memref<128xi32, #tpu.memory_space<vmem>>, vector<16xi32>,
      %get3A_572 = arith.constant 48 : index
      %get3A_573 = tpu.vector_load %arg30[%get3A_572] {strides = array<i32>} : memref<128xf32, #tpu.memory_space<vmem>>, vector<16xf32>,
      %mul3A_574 = arith.constant 128 : i32
      %mul3A_575 = arith.muli %add3A_519, %mul3A_574 : i32
      %add3A_576 = arith.constant 48 : i32
      %add3A_577 = arith.addi %mul3A_575, %add3A_576 : i32
      %get3A_578 = arith.index_cast %add3A_577 : i32 to index
      %get3A_579 = tpu.vector_load %arg15[%get3A_578] {strides = array<i32>} : memref<10000xf32, #tpu.memory_space<vmem>>, vector<16xf32>,
      %add3A_580 = arith.addf %get3A_573, %get3A_579 : vector<16xf32>
      %swap3A_581 = arith.constant 48 : index
      %swap3A_582 = tpu.vector_load %arg36[%swap3A_581] {strides = array<i32>} : memref<128xf32, #tpu.memory_space<vmem>>, vector<16xf32>,
      tpu.vector_store %arg36[%swap3A_581], %add3A_580 {strides = array<i32>} : memref<128xf32, #tpu.memory_space<vmem>>, vector<16xf32>,
      %get3A_583 = arith.constant 48 : index
      %get3A_584 = tpu.vector_load %arg18[%get3A_583] {strides = array<i32>} : memref<128xi32, #tpu.memory_space<vmem>>, vector<16xi32>,
      %swap3A_585 = arith.constant 48 : index
      %swap3A_586 = tpu.vector_load %arg24[%swap3A_585] {strides = array<i32>} : memref<128xi32, #tpu.memory_space<vmem>>, vector<16xi32>,
      tpu.vector_store %arg24[%swap3A_585], %get3A_584 {strides = array<i32>} : memref<128xi32, #tpu.memory_space<vmem>>, vector<16xi32>,
      %get3A_587 = arith.constant 64 : index
      %get3A_588 = tpu.vector_load %arg30[%get3A_587] {strides = array<i32>} : memref<128xf32, #tpu.memory_space<vmem>>, vector<16xf32>,
      %mul3A_589 = arith.constant 128 : i32
      %mul3A_590 = arith.muli %add3A_519, %mul3A_589 : i32
      %add3A_591 = arith.constant 64 : i32
      %add3A_592 = arith.addi %mul3A_590, %add3A_591 : i32
      %get3A_593 = arith.index_cast %add3A_592 : i32 to index
      %get3A_594 = tpu.vector_load %arg15[%get3A_593] {strides = array<i32>} : memref<10000xf32, #tpu.memory_space<vmem>>, vector<16xf32>,
      %add3A_595 = arith.addf %get3A_588, %get3A_594 : vector<16xf32>
      %swap3A_596 = arith.constant 64 : index
      %swap3A_597 = tpu.vector_load %arg36[%swap3A_596] {strides = array<i32>} : memref<128xf32, #tpu.memory_space<vmem>>, vector<16xf32>,
      tpu.vector_store %arg36[%swap3A_596], %add3A_595 {strides = array<i32>} : memref<128xf32, #tpu.memory_space<vmem>>, vector<16xf32>,
      %get3A_598 = arith.constant 64 : index
      %get3A_599 = tpu.vector_load %arg18[%get3A_598] {strides = array<i32>} : memref<128xi32, #tpu.memory_space<vmem>>, vector<16xi32>,
      %swap3A_600 = arith.constant 64 : index
      %swap3A_601 = tpu.vector_load %arg24[%swap3A_600] {strides = array<i32>} : memref<128xi32, #tpu.memory_space<vmem>>, vector<16xi32>,
      tpu.vector_store %arg24[%swap3A_600], %get3A_599 {strides = array<i32>} : memref<128xi32, #tpu.memory_space<vmem>>, vector<16xi32>,
      %get3A_602 = arith.constant 80 : index
      %get3A_603 = tpu.vector_load %arg30[%get3A_602] {strides = array<i32>} : memref<128xf32, #tpu.memory_space<vmem>>, vector<16xf32>,
      %mul3A_604 = arith.constant 128 : i32
      %mul3A_605 = arith.muli %add3A_519, %mul3A_604 : i32
      %add3A_606 = arith.constant 80 : i32
      %add3A_607 = arith.addi %mul3A_605, %add3A_606 : i32
      %get3A_608 = arith.index_cast %add3A_607 : i32 to index
      %get3A_609 = tpu.vector_load %arg15[%get3A_608] {strides = array<i32>} : memref<10000xf32, #tpu.memory_space<vmem>>, vector<16xf32>,
      %add3A_610 = arith.addf %get3A_603, %get3A_609 : vector<16xf32>
      %swap3A_611 = arith.constant 80 : index
      %swap3A_612 = tpu.vector_load %arg36[%swap3A_611] {strides = array<i32>} : memref<128xf32, #tpu.memory_space<vmem>>, vector<16xf32>,
      tpu.vector_store %arg36[%swap3A_611], %add3A_610 {strides = array<i32>} : memref<128xf32, #tpu.memory_space<vmem>>, vector<16xf32>,
      %get3A_613 = arith.constant 80 : index
      %get3A_614 = tpu.vector_load %arg18[%get3A_613] {strides = array<i32>} : memref<128xi32, #tpu.memory_space<vmem>>, vector<16xi32>,
      %swap3A_615 = arith.constant 80 : index
      %swap3A_616 = tpu.vector_load %arg24[%swap3A_615] {strides = array<i32>} : memref<128xi32, #tpu.memory_space<vmem>>, vector<16xi32>,
      tpu.vector_store %arg24[%swap3A_615], %get3A_614 {strides = array<i32>} : memref<128xi32, #tpu.memory_space<vmem>>, vector<16xi32>,
      %get3A_617 = arith.constant 96 : index
      %get3A_618 = tpu.vector_load %arg30[%get3A_617] {strides = array<i32>} : memref<128xf32, #tpu.memory_space<vmem>>, vector<16xf32>,
      %mul3A_619 = arith.constant 128 : i32
      %mul3A_620 = arith.muli %add3A_519, %mul3A_619 : i32
      %add3A_621 = arith.constant 96 : i32
      %add3A_622 = arith.addi %mul3A_620, %add3A_621 : i32
      %get3A_623 = arith.index_cast %add3A_622 : i32 to index
      %get3A_624 = tpu.vector_load %arg15[%get3A_623] {strides = array<i32>} : memref<10000xf32, #tpu.memory_space<vmem>>, vector<16xf32>,
      %add3A_625 = arith.addf %get3A_618, %get3A_624 : vector<16xf32>
      %swap3A_626 = arith.constant 96 : index
      %swap3A_627 = tpu.vector_load %arg36[%swap3A_626] {strides = array<i32>} : memref<128xf32, #tpu.memory_space<vmem>>, vector<16xf32>,
      tpu.vector_store %arg36[%swap3A_626], %add3A_625 {strides = array<i32>} : memref<128xf32, #tpu.memory_space<vmem>>, vector<16xf32>,
      %get3A_628 = arith.constant 96 : index
      %get3A_629 = tpu.vector_load %arg18[%get3A_628] {strides = array<i32>} : memref<128xi32, #tpu.memory_space<vmem>>, vector<16xi32>,
      %swap3A_630 = arith.constant 96 : index
      %swap3A_631 = tpu.vector_load %arg24[%swap3A_630] {strides = array<i32>} : memref<128xi32, #tpu.memory_space<vmem>>, vector<16xi32>,
      tpu.vector_store %arg24[%swap3A_630], %get3A_629 {strides = array<i32>} : memref<128xi32, #tpu.memory_space<vmem>>, vector<16xi32>,
      %get3A_632 = arith.constant 112 : index
      %get3A_633 = tpu.vector_load %arg30[%get3A_632] {strides = array<i32>} : memref<128xf32, #tpu.memory_space<vmem>>, vector<16xf32>,
      %mul3A_634 = arith.constant 128 : i32
      %mul3A_635 = arith.muli %add3A_519, %mul3A_634 : i32
      %add3A_636 = arith.constant 112 : i32
      %add3A_637 = arith.addi %mul3A_635, %add3A_636 : i32
      %get3A_638 = arith.index_cast %add3A_637 : i32 to index
      %get3A_639 = tpu.vector_load %arg15[%get3A_638] {strides = array<i32>} : memref<10000xf32, #tpu.memory_space<vmem>>, vector<16xf32>,
      %add3A_640 = arith.addf %get3A_633, %get3A_639 : vector<16xf32>
      %swap3A_641 = arith.constant 112 : index
      %swap3A_642 = tpu.vector_load %arg36[%swap3A_641] {strides = array<i32>} : memref<128xf32, #tpu.memory_space<vmem>>, vector<16xf32>,
      tpu.vector_store %arg36[%swap3A_641], %add3A_640 {strides = array<i32>} : memref<128xf32, #tpu.memory_space<vmem>>, vector<16xf32>,
      %get3A_643 = arith.constant 112 : index
      %get3A_644 = tpu.vector_load %arg18[%get3A_643] {strides = array<i32>} : memref<128xi32, #tpu.memory_space<vmem>>, vector<16xi32>,
      %swap3A_645 = arith.constant 112 : index
      %swap3A_646 = tpu.vector_load %arg24[%swap3A_645] {strides = array<i32>} : memref<128xi32, #tpu.memory_space<vmem>>, vector<16xi32>,
      tpu.vector_store %arg24[%swap3A_645], %get3A_644 {strides = array<i32>} : memref<128xi32, #tpu.memory_space<vmem>>, vector<16xi32>,
      %dma_start3A_647 = arith.constant 0 : i32
      %dma_start3A_648 = tpu.memref_slice %arg8[%dma_start3A_647] : memref<101120000xf32, #tpu.memory_space<hbm>> -> memref<101120000xf32, #tpu.memory_space<hbm>>
      tpu.enqueue_indirect_dma source(%arg36 : memref<128xf32, #tpu.memory_space<vmem>>) target(%dma_start3A_648 : memref<101120000xf32, #tpu.memory_space<hbm>>) offsets(%arg24 : memref<128xi32, #tpu.memory_space<vmem>>) semaphore(%arg48 : memref<!tpu.dma_semaphore, #tpu.memory_space<semaphore_mem>>)
      %lt3A_649 = arith.constant 12 : i32
      %lt3A_650 = arith.cmpi slt, %scan3A_243, %lt3A_649 : i32
      %convert_element_type3A_651 = arith.extui %lt3A_650 : i1 to i32
      %cond3A_652 = arith.constant 0 : i32
      %cond3A_653 = arith.cmpi ne, %convert_element_type3A_651, %cond3A_652 : i32
      scf.if %cond3A_653 {
        %add3A_1068 = arith.constant 6 : i32
        %add3A_1069 = arith.addi %add3A_519, %add3A_1068 : i32
        %mul3A_1070 = arith.constant 128 : i32
        %mul3A_1071 = arith.muli %add3A_1069, %mul3A_1070 : i32
        %add3A_1072 = arith.constant 0 : i32
        %add3A_1073 = arith.addi %mul3A_1071, %add3A_1072 : i32
        %get3A_1074 = arith.index_cast %add3A_1073 : i32 to index
        %get3A_1075 = tpu.vector_load %arg14[%get3A_1074] {strides = array<i32>} : memref<10000xi32, #tpu.memory_space<vmem>>, vector<16xi32>,
        %swap3A_1076 = arith.constant 0 : index
        %swap3A_1077 = tpu.vector_load %arg18[%swap3A_1076] {strides = array<i32>} : memref<128xi32, #tpu.memory_space<vmem>>, vector<16xi32>,
        tpu.vector_store %arg18[%swap3A_1076], %get3A_1075 {strides = array<i32>} : memref<128xi32, #tpu.memory_space<vmem>>, vector<16xi32>,
        %add3A_1078 = arith.constant 6 : i32
        %add3A_1079 = arith.addi %add3A_519, %add3A_1078 : i32
        %mul3A_1080 = arith.constant 128 : i32
        %mul3A_1081 = arith.muli %add3A_1079, %mul3A_1080 : i32
        %add3A_1082 = arith.constant 16 : i32
        %add3A_1083 = arith.addi %mul3A_1081, %add3A_1082 : i32
        %get3A_1084 = arith.index_cast %add3A_1083 : i32 to index
        %get3A_1085 = tpu.vector_load %arg14[%get3A_1084] {strides = array<i32>} : memref<10000xi32, #tpu.memory_space<vmem>>, vector<16xi32>,
        %swap3A_1086 = arith.constant 16 : index
        %swap3A_1087 = tpu.vector_load %arg18[%swap3A_1086] {strides = array<i32>} : memref<128xi32, #tpu.memory_space<vmem>>, vector<16xi32>,
        tpu.vector_store %arg18[%swap3A_1086], %get3A_1085 {strides = array<i32>} : memref<128xi32, #tpu.memory_space<vmem>>, vector<16xi32>,
        %add3A_1088 = arith.constant 6 : i32
        %add3A_1089 = arith.addi %add3A_519, %add3A_1088 : i32
        %mul3A_1090 = arith.constant 128 : i32
        %mul3A_1091 = arith.muli %add3A_1089, %mul3A_1090 : i32
        %add3A_1092 = arith.constant 32 : i32
        %add3A_1093 = arith.addi %mul3A_1091, %add3A_1092 : i32
        %get3A_1094 = arith.index_cast %add3A_1093 : i32 to index
        %get3A_1095 = tpu.vector_load %arg14[%get3A_1094] {strides = array<i32>} : memref<10000xi32, #tpu.memory_space<vmem>>, vector<16xi32>,
        %swap3A_1096 = arith.constant 32 : index
        %swap3A_1097 = tpu.vector_load %arg18[%swap3A_1096] {strides = array<i32>} : memref<128xi32, #tpu.memory_space<vmem>>, vector<16xi32>,
        tpu.vector_store %arg18[%swap3A_1096], %get3A_1095 {strides = array<i32>} : memref<128xi32, #tpu.memory_space<vmem>>, vector<16xi32>,
        %add3A_1098 = arith.constant 6 : i32
        %add3A_1099 = arith.addi %add3A_519, %add3A_1098 : i32
        %mul3A_1100 = arith.constant 128 : i32
        %mul3A_1101 = arith.muli %add3A_1099, %mul3A_1100 : i32
        %add3A_1102 = arith.constant 48 : i32
        %add3A_1103 = arith.addi %mul3A_1101, %add3A_1102 : i32
        %get3A_1104 = arith.index_cast %add3A_1103 : i32 to index
        %get3A_1105 = tpu.vector_load %arg14[%get3A_1104] {strides = array<i32>} : memref<10000xi32, #tpu.memory_space<vmem>>, vector<16xi32>,
        %swap3A_1106 = arith.constant 48 : index
        %swap3A_1107 = tpu.vector_load %arg18[%swap3A_1106] {strides = array<i32>} : memref<128xi32, #tpu.memory_space<vmem>>, vector<16xi32>,
        tpu.vector_store %arg18[%swap3A_1106], %get3A_1105 {strides = array<i32>} : memref<128xi32, #tpu.memory_space<vmem>>, vector<16xi32>,
        %add3A_1108 = arith.constant 6 : i32
        %add3A_1109 = arith.addi %add3A_519, %add3A_1108 : i32
        %mul3A_1110 = arith.constant 128 : i32
        %mul3A_1111 = arith.muli %add3A_1109, %mul3A_1110 : i32
        %add3A_1112 = arith.constant 64 : i32
        %add3A_1113 = arith.addi %mul3A_1111, %add3A_1112 : i32
        %get3A_1114 = arith.index_cast %add3A_1113 : i32 to index
        %get3A_1115 = tpu.vector_load %arg14[%get3A_1114] {strides = array<i32>} : memref<10000xi32, #tpu.memory_space<vmem>>, vector<16xi32>,
        %swap3A_1116 = arith.constant 64 : index
        %swap3A_1117 = tpu.vector_load %arg18[%swap3A_1116] {strides = array<i32>} : memref<128xi32, #tpu.memory_space<vmem>>, vector<16xi32>,
        tpu.vector_store %arg18[%swap3A_1116], %get3A_1115 {strides = array<i32>} : memref<128xi32, #tpu.memory_space<vmem>>, vector<16xi32>,
        %add3A_1118 = arith.constant 6 : i32
        %add3A_1119 = arith.addi %add3A_519, %add3A_1118 : i32
        %mul3A_1120 = arith.constant 128 : i32
        %mul3A_1121 = arith.muli %add3A_1119, %mul3A_1120 : i32
        %add3A_1122 = arith.constant 80 : i32
        %add3A_1123 = arith.addi %mul3A_1121, %add3A_1122 : i32
        %get3A_1124 = arith.index_cast %add3A_1123 : i32 to index
        %get3A_1125 = tpu.vector_load %arg14[%get3A_1124] {strides = array<i32>} : memref<10000xi32, #tpu.memory_space<vmem>>, vector<16xi32>,
        %swap3A_1126 = arith.constant 80 : index
        %swap3A_1127 = tpu.vector_load %arg18[%swap3A_1126] {strides = array<i32>} : memref<128xi32, #tpu.memory_space<vmem>>, vector<16xi32>,
        tpu.vector_store %arg18[%swap3A_1126], %get3A_1125 {strides = array<i32>} : memref<128xi32, #tpu.memory_space<vmem>>, vector<16xi32>,
        %add3A_1128 = arith.constant 6 : i32
        %add3A_1129 = arith.addi %add3A_519, %add3A_1128 : i32
        %mul3A_1130 = arith.constant 128 : i32
        %mul3A_1131 = arith.muli %add3A_1129, %mul3A_1130 : i32
        %add3A_1132 = arith.constant 96 : i32
        %add3A_1133 = arith.addi %mul3A_1131, %add3A_1132 : i32
        %get3A_1134 = arith.index_cast %add3A_1133 : i32 to index
        %get3A_1135 = tpu.vector_load %arg14[%get3A_1134] {strides = array<i32>} : memref<10000xi32, #tpu.memory_space<vmem>>, vector<16xi32>,
        %swap3A_1136 = arith.constant 96 : index
        %swap3A_1137 = tpu.vector_load %arg18[%swap3A_1136] {strides = array<i32>} : memref<128xi32, #tpu.memory_space<vmem>>, vector<16xi32>,
        tpu.vector_store %arg18[%swap3A_1136], %get3A_1135 {strides = array<i32>} : memref<128xi32, #tpu.memory_space<vmem>>, vector<16xi32>,
        %add3A_1138 = arith.constant 6 : i32
        %add3A_1139 = arith.addi %add3A_519, %add3A_1138 : i32
        %mul3A_1140 = arith.constant 128 : i32
        %mul3A_1141 = arith.muli %add3A_1139, %mul3A_1140 : i32
        %add3A_1142 = arith.constant 112 : i32
        %add3A_1143 = arith.addi %mul3A_1141, %add3A_1142 : i32
        %get3A_1144 = arith.index_cast %add3A_1143 : i32 to index
        %get3A_1145 = tpu.vector_load %arg14[%get3A_1144] {strides = array<i32>} : memref<10000xi32, #tpu.memory_space<vmem>>, vector<16xi32>,
        %swap3A_1146 = arith.constant 112 : index
        %swap3A_1147 = tpu.vector_load %arg18[%swap3A_1146] {strides = array<i32>} : memref<128xi32, #tpu.memory_space<vmem>>, vector<16xi32>,
        tpu.vector_store %arg18[%swap3A_1146], %get3A_1145 {strides = array<i32>} : memref<128xi32, #tpu.memory_space<vmem>>, vector<16xi32>,
        %dma_start3A_1148 = arith.constant 0 : i32
        %dma_start3A_1149 = tpu.memref_slice %arg8[%dma_start3A_1148] : memref<101120000xf32, #tpu.memory_space<hbm>> -> memref<101120000xf32, #tpu.memory_space<hbm>>
        tpu.enqueue_indirect_dma source(%dma_start3A_1149 : memref<101120000xf32, #tpu.memory_space<hbm>>) target(%arg30 : memref<128xf32, #tpu.memory_space<vmem>>) offsets(%arg18 : memref<128xi32, #tpu.memory_space<vmem>>) semaphore(%arg42 : memref<!tpu.dma_semaphore, #tpu.memory_space<semaphore_mem>>)
      } else {
      }
      %mul3A_654 = arith.constant 6 : i32
      %mul3A_655 = arith.muli %scan3A_243, %mul3A_654 : i32
      %add3A_656 = arith.constant 3 : i32
      %add3A_657 = arith.addi %mul3A_655, %add3A_656 : i32
      %dma_wait3A_658 = arith.constant 0 : i32
      %dma_wait3A_659 = tpu.memref_slice %arg8[%dma_wait3A_658] : memref<101120000xf32, #tpu.memory_space<hbm>> -> memref<101120000xf32, #tpu.memory_space<hbm>>
      tpu.wait_indirect_dma semaphore(%arg43 : memref<!tpu.dma_semaphore, #tpu.memory_space<semaphore_mem>>) src(%dma_wait3A_659 : memref<101120000xf32, #tpu.memory_space<hbm>>) dst(%arg31 : memref<128xf32, #tpu.memory_space<vmem>>)
      %gt3A_660 = arith.constant 0 : i32
      %gt3A_661 = arith.cmpi sgt, %scan3A_243, %gt3A_660 : i32
      %convert_element_type3A_662 = arith.extui %gt3A_661 : i1 to i32
      %cond3A_663 = arith.constant 0 : i32
      %cond3A_664 = arith.cmpi ne, %convert_element_type3A_662, %cond3A_663 : i32
      scf.if %cond3A_664 {
        %dma_wait3A_1068 = arith.constant 0 : i32
        %dma_wait3A_1069 = tpu.memref_slice %arg8[%dma_wait3A_1068] : memref<101120000xf32, #tpu.memory_space<hbm>> -> memref<101120000xf32, #tpu.memory_space<hbm>>
        tpu.wait_indirect_dma semaphore(%arg49 : memref<!tpu.dma_semaphore, #tpu.memory_space<semaphore_mem>>) src(%arg37 : memref<128xf32, #tpu.memory_space<vmem>>) dst(%dma_wait3A_1069 : memref<101120000xf32, #tpu.memory_space<hbm>>)
      } else {
      }
      %get3A_665 = arith.constant 0 : index
      %get3A_666 = tpu.vector_load %arg31[%get3A_665] {strides = array<i32>} : memref<128xf32, #tpu.memory_space<vmem>>, vector<16xf32>,
      %mul3A_667 = arith.constant 128 : i32
      %mul3A_668 = arith.muli %add3A_657, %mul3A_667 : i32
      %add3A_669 = arith.constant 0 : i32
      %add3A_670 = arith.addi %mul3A_668, %add3A_669 : i32
      %get3A_671 = arith.index_cast %add3A_670 : i32 to index
      %get3A_672 = tpu.vector_load %arg15[%get3A_671] {strides = array<i32>} : memref<10000xf32, #tpu.memory_space<vmem>>, vector<16xf32>,
      %add3A_673 = arith.addf %get3A_666, %get3A_672 : vector<16xf32>
      %swap3A_674 = arith.constant 0 : index
      %swap3A_675 = tpu.vector_load %arg37[%swap3A_674] {strides = array<i32>} : memref<128xf32, #tpu.memory_space<vmem>>, vector<16xf32>,
      tpu.vector_store %arg37[%swap3A_674], %add3A_673 {strides = array<i32>} : memref<128xf32, #tpu.memory_space<vmem>>, vector<16xf32>,
      %get3A_676 = arith.constant 0 : index
      %get3A_677 = tpu.vector_load %arg19[%get3A_676] {strides = array<i32>} : memref<128xi32, #tpu.memory_space<vmem>>, vector<16xi32>,
      %swap3A_678 = arith.constant 0 : index
      %swap3A_679 = tpu.vector_load %arg25[%swap3A_678] {strides = array<i32>} : memref<128xi32, #tpu.memory_space<vmem>>, vector<16xi32>,
      tpu.vector_store %arg25[%swap3A_678], %get3A_677 {strides = array<i32>} : memref<128xi32, #tpu.memory_space<vmem>>, vector<16xi32>,
      %get3A_680 = arith.constant 16 : index
      %get3A_681 = tpu.vector_load %arg31[%get3A_680] {strides = array<i32>} : memref<128xf32, #tpu.memory_space<vmem>>, vector<16xf32>,
      %mul3A_682 = arith.constant 128 : i32
      %mul3A_683 = arith.muli %add3A_657, %mul3A_682 : i32
      %add3A_684 = arith.constant 16 : i32
      %add3A_685 = arith.addi %mul3A_683, %add3A_684 : i32
      %get3A_686 = arith.index_cast %add3A_685 : i32 to index
      %get3A_687 = tpu.vector_load %arg15[%get3A_686] {strides = array<i32>} : memref<10000xf32, #tpu.memory_space<vmem>>, vector<16xf32>,
      %add3A_688 = arith.addf %get3A_681, %get3A_687 : vector<16xf32>
      %swap3A_689 = arith.constant 16 : index
      %swap3A_690 = tpu.vector_load %arg37[%swap3A_689] {strides = array<i32>} : memref<128xf32, #tpu.memory_space<vmem>>, vector<16xf32>,
      tpu.vector_store %arg37[%swap3A_689], %add3A_688 {strides = array<i32>} : memref<128xf32, #tpu.memory_space<vmem>>, vector<16xf32>,
      %get3A_691 = arith.constant 16 : index
      %get3A_692 = tpu.vector_load %arg19[%get3A_691] {strides = array<i32>} : memref<128xi32, #tpu.memory_space<vmem>>, vector<16xi32>,
      %swap3A_693 = arith.constant 16 : index
      %swap3A_694 = tpu.vector_load %arg25[%swap3A_693] {strides = array<i32>} : memref<128xi32, #tpu.memory_space<vmem>>, vector<16xi32>,
      tpu.vector_store %arg25[%swap3A_693], %get3A_692 {strides = array<i32>} : memref<128xi32, #tpu.memory_space<vmem>>, vector<16xi32>,
      %get3A_695 = arith.constant 32 : index
      %get3A_696 = tpu.vector_load %arg31[%get3A_695] {strides = array<i32>} : memref<128xf32, #tpu.memory_space<vmem>>, vector<16xf32>,
      %mul3A_697 = arith.constant 128 : i32
      %mul3A_698 = arith.muli %add3A_657, %mul3A_697 : i32
      %add3A_699 = arith.constant 32 : i32
      %add3A_700 = arith.addi %mul3A_698, %add3A_699 : i32
      %get3A_701 = arith.index_cast %add3A_700 : i32 to index
      %get3A_702 = tpu.vector_load %arg15[%get3A_701] {strides = array<i32>} : memref<10000xf32, #tpu.memory_space<vmem>>, vector<16xf32>,
      %add3A_703 = arith.addf %get3A_696, %get3A_702 : vector<16xf32>
      %swap3A_704 = arith.constant 32 : index
      %swap3A_705 = tpu.vector_load %arg37[%swap3A_704] {strides = array<i32>} : memref<128xf32, #tpu.memory_space<vmem>>, vector<16xf32>,
      tpu.vector_store %arg37[%swap3A_704], %add3A_703 {strides = array<i32>} : memref<128xf32, #tpu.memory_space<vmem>>, vector<16xf32>,
      %get3A_706 = arith.constant 32 : index
      %get3A_707 = tpu.vector_load %arg19[%get3A_706] {strides = array<i32>} : memref<128xi32, #tpu.memory_space<vmem>>, vector<16xi32>,
      %swap3A_708 = arith.constant 32 : index
      %swap3A_709 = tpu.vector_load %arg25[%swap3A_708] {strides = array<i32>} : memref<128xi32, #tpu.memory_space<vmem>>, vector<16xi32>,
      tpu.vector_store %arg25[%swap3A_708], %get3A_707 {strides = array<i32>} : memref<128xi32, #tpu.memory_space<vmem>>, vector<16xi32>,
      %get3A_710 = arith.constant 48 : index
      %get3A_711 = tpu.vector_load %arg31[%get3A_710] {strides = array<i32>} : memref<128xf32, #tpu.memory_space<vmem>>, vector<16xf32>,
      %mul3A_712 = arith.constant 128 : i32
      %mul3A_713 = arith.muli %add3A_657, %mul3A_712 : i32
      %add3A_714 = arith.constant 48 : i32
      %add3A_715 = arith.addi %mul3A_713, %add3A_714 : i32
      %get3A_716 = arith.index_cast %add3A_715 : i32 to index
      %get3A_717 = tpu.vector_load %arg15[%get3A_716] {strides = array<i32>} : memref<10000xf32, #tpu.memory_space<vmem>>, vector<16xf32>,
      %add3A_718 = arith.addf %get3A_711, %get3A_717 : vector<16xf32>
      %swap3A_719 = arith.constant 48 : index
      %swap3A_720 = tpu.vector_load %arg37[%swap3A_719] {strides = array<i32>} : memref<128xf32, #tpu.memory_space<vmem>>, vector<16xf32>,
      tpu.vector_store %arg37[%swap3A_719], %add3A_718 {strides = array<i32>} : memref<128xf32, #tpu.memory_space<vmem>>, vector<16xf32>,
      %get3A_721 = arith.constant 48 : index
      %get3A_722 = tpu.vector_load %arg19[%get3A_721] {strides = array<i32>} : memref<128xi32, #tpu.memory_space<vmem>>, vector<16xi32>,
      %swap3A_723 = arith.constant 48 : index
      %swap3A_724 = tpu.vector_load %arg25[%swap3A_723] {strides = array<i32>} : memref<128xi32, #tpu.memory_space<vmem>>, vector<16xi32>,
      tpu.vector_store %arg25[%swap3A_723], %get3A_722 {strides = array<i32>} : memref<128xi32, #tpu.memory_space<vmem>>, vector<16xi32>,
      %get3A_725 = arith.constant 64 : index
      %get3A_726 = tpu.vector_load %arg31[%get3A_725] {strides = array<i32>} : memref<128xf32, #tpu.memory_space<vmem>>, vector<16xf32>,
      %mul3A_727 = arith.constant 128 : i32
      %mul3A_728 = arith.muli %add3A_657, %mul3A_727 : i32
      %add3A_729 = arith.constant 64 : i32
      %add3A_730 = arith.addi %mul3A_728, %add3A_729 : i32
      %get3A_731 = arith.index_cast %add3A_730 : i32 to index
      %get3A_732 = tpu.vector_load %arg15[%get3A_731] {strides = array<i32>} : memref<10000xf32, #tpu.memory_space<vmem>>, vector<16xf32>,
      %add3A_733 = arith.addf %get3A_726, %get3A_732 : vector<16xf32>
      %swap3A_734 = arith.constant 64 : index
      %swap3A_735 = tpu.vector_load %arg37[%swap3A_734] {strides = array<i32>} : memref<128xf32, #tpu.memory_space<vmem>>, vector<16xf32>,
      tpu.vector_store %arg37[%swap3A_734], %add3A_733 {strides = array<i32>} : memref<128xf32, #tpu.memory_space<vmem>>, vector<16xf32>,
      %get3A_736 = arith.constant 64 : index
      %get3A_737 = tpu.vector_load %arg19[%get3A_736] {strides = array<i32>} : memref<128xi32, #tpu.memory_space<vmem>>, vector<16xi32>,
      %swap3A_738 = arith.constant 64 : index
      %swap3A_739 = tpu.vector_load %arg25[%swap3A_738] {strides = array<i32>} : memref<128xi32, #tpu.memory_space<vmem>>, vector<16xi32>,
      tpu.vector_store %arg25[%swap3A_738], %get3A_737 {strides = array<i32>} : memref<128xi32, #tpu.memory_space<vmem>>, vector<16xi32>,
      %get3A_740 = arith.constant 80 : index
      %get3A_741 = tpu.vector_load %arg31[%get3A_740] {strides = array<i32>} : memref<128xf32, #tpu.memory_space<vmem>>, vector<16xf32>,
      %mul3A_742 = arith.constant 128 : i32
      %mul3A_743 = arith.muli %add3A_657, %mul3A_742 : i32
      %add3A_744 = arith.constant 80 : i32
      %add3A_745 = arith.addi %mul3A_743, %add3A_744 : i32
      %get3A_746 = arith.index_cast %add3A_745 : i32 to index
      %get3A_747 = tpu.vector_load %arg15[%get3A_746] {strides = array<i32>} : memref<10000xf32, #tpu.memory_space<vmem>>, vector<16xf32>,
      %add3A_748 = arith.addf %get3A_741, %get3A_747 : vector<16xf32>
      %swap3A_749 = arith.constant 80 : index
      %swap3A_750 = tpu.vector_load %arg37[%swap3A_749] {strides = array<i32>} : memref<128xf32, #tpu.memory_space<vmem>>, vector<16xf32>,
      tpu.vector_store %arg37[%swap3A_749], %add3A_748 {strides = array<i32>} : memref<128xf32, #tpu.memory_space<vmem>>, vector<16xf32>,
      %get3A_751 = arith.constant 80 : index
      %get3A_752 = tpu.vector_load %arg19[%get3A_751] {strides = array<i32>} : memref<128xi32, #tpu.memory_space<vmem>>, vector<16xi32>,
      %swap3A_753 = arith.constant 80 : index
      %swap3A_754 = tpu.vector_load %arg25[%swap3A_753] {strides = array<i32>} : memref<128xi32, #tpu.memory_space<vmem>>, vector<16xi32>,
      tpu.vector_store %arg25[%swap3A_753], %get3A_752 {strides = array<i32>} : memref<128xi32, #tpu.memory_space<vmem>>, vector<16xi32>,
      %get3A_755 = arith.constant 96 : index
      %get3A_756 = tpu.vector_load %arg31[%get3A_755] {strides = array<i32>} : memref<128xf32, #tpu.memory_space<vmem>>, vector<16xf32>,
      %mul3A_757 = arith.constant 128 : i32
      %mul3A_758 = arith.muli %add3A_657, %mul3A_757 : i32
      %add3A_759 = arith.constant 96 : i32
      %add3A_760 = arith.addi %mul3A_758, %add3A_759 : i32
      %get3A_761 = arith.index_cast %add3A_760 : i32 to index
      %get3A_762 = tpu.vector_load %arg15[%get3A_761] {strides = array<i32>} : memref<10000xf32, #tpu.memory_space<vmem>>, vector<16xf32>,
      %add3A_763 = arith.addf %get3A_756, %get3A_762 : vector<16xf32>
      %swap3A_764 = arith.constant 96 : index
      %swap3A_765 = tpu.vector_load %arg37[%swap3A_764] {strides = array<i32>} : memref<128xf32, #tpu.memory_space<vmem>>, vector<16xf32>,
      tpu.vector_store %arg37[%swap3A_764], %add3A_763 {strides = array<i32>} : memref<128xf32, #tpu.memory_space<vmem>>, vector<16xf32>,
      %get3A_766 = arith.constant 96 : index
      %get3A_767 = tpu.vector_load %arg19[%get3A_766] {strides = array<i32>} : memref<128xi32, #tpu.memory_space<vmem>>, vector<16xi32>,
      %swap3A_768 = arith.constant 96 : index
      %swap3A_769 = tpu.vector_load %arg25[%swap3A_768] {strides = array<i32>} : memref<128xi32, #tpu.memory_space<vmem>>, vector<16xi32>,
      tpu.vector_store %arg25[%swap3A_768], %get3A_767 {strides = array<i32>} : memref<128xi32, #tpu.memory_space<vmem>>, vector<16xi32>,
      %get3A_770 = arith.constant 112 : index
      %get3A_771 = tpu.vector_load %arg31[%get3A_770] {strides = array<i32>} : memref<128xf32, #tpu.memory_space<vmem>>, vector<16xf32>,
      %mul3A_772 = arith.constant 128 : i32
      %mul3A_773 = arith.muli %add3A_657, %mul3A_772 : i32
      %add3A_774 = arith.constant 112 : i32
      %add3A_775 = arith.addi %mul3A_773, %add3A_774 : i32
      %get3A_776 = arith.index_cast %add3A_775 : i32 to index
      %get3A_777 = tpu.vector_load %arg15[%get3A_776] {strides = array<i32>} : memref<10000xf32, #tpu.memory_space<vmem>>, vector<16xf32>,
      %add3A_778 = arith.addf %get3A_771, %get3A_777 : vector<16xf32>
      %swap3A_779 = arith.constant 112 : index
      %swap3A_780 = tpu.vector_load %arg37[%swap3A_779] {strides = array<i32>} : memref<128xf32, #tpu.memory_space<vmem>>, vector<16xf32>,
      tpu.vector_store %arg37[%swap3A_779], %add3A_778 {strides = array<i32>} : memref<128xf32, #tpu.memory_space<vmem>>, vector<16xf32>,
      %get3A_781 = arith.constant 112 : index
      %get3A_782 = tpu.vector_load %arg19[%get3A_781] {strides = array<i32>} : memref<128xi32, #tpu.memory_space<vmem>>, vector<16xi32>,
      %swap3A_783 = arith.constant 112 : index
      %swap3A_784 = tpu.vector_load %arg25[%swap3A_783] {strides = array<i32>} : memref<128xi32, #tpu.memory_space<vmem>>, vector<16xi32>,
      tpu.vector_store %arg25[%swap3A_783], %get3A_782 {strides = array<i32>} : memref<128xi32, #tpu.memory_space<vmem>>, vector<16xi32>,
      %dma_start3A_785 = arith.constant 0 : i32
      %dma_start3A_786 = tpu.memref_slice %arg8[%dma_start3A_785] : memref<101120000xf32, #tpu.memory_space<hbm>> -> memref<101120000xf32, #tpu.memory_space<hbm>>
      tpu.enqueue_indirect_dma source(%arg37 : memref<128xf32, #tpu.memory_space<vmem>>) target(%dma_start3A_786 : memref<101120000xf32, #tpu.memory_space<hbm>>) offsets(%arg25 : memref<128xi32, #tpu.memory_space<vmem>>) semaphore(%arg49 : memref<!tpu.dma_semaphore, #tpu.memory_space<semaphore_mem>>)
      %lt3A_787 = arith.constant 12 : i32
      %lt3A_788 = arith.cmpi slt, %scan3A_243, %lt3A_787 : i32
      %convert_element_type3A_789 = arith.extui %lt3A_788 : i1 to i32
      %cond3A_790 = arith.constant 0 : i32
      %cond3A_791 = arith.cmpi ne, %convert_element_type3A_789, %cond3A_790 : i32
      scf.if %cond3A_791 {
        %add3A_1068 = arith.constant 6 : i32
        %add3A_1069 = arith.addi %add3A_657, %add3A_1068 : i32
        %mul3A_1070 = arith.constant 128 : i32
        %mul3A_1071 = arith.muli %add3A_1069, %mul3A_1070 : i32
        %add3A_1072 = arith.constant 0 : i32
        %add3A_1073 = arith.addi %mul3A_1071, %add3A_1072 : i32
        %get3A_1074 = arith.index_cast %add3A_1073 : i32 to index
        %get3A_1075 = tpu.vector_load %arg14[%get3A_1074] {strides = array<i32>} : memref<10000xi32, #tpu.memory_space<vmem>>, vector<16xi32>,
        %swap3A_1076 = arith.constant 0 : index
        %swap3A_1077 = tpu.vector_load %arg19[%swap3A_1076] {strides = array<i32>} : memref<128xi32, #tpu.memory_space<vmem>>, vector<16xi32>,
        tpu.vector_store %arg19[%swap3A_1076], %get3A_1075 {strides = array<i32>} : memref<128xi32, #tpu.memory_space<vmem>>, vector<16xi32>,
        %add3A_1078 = arith.constant 6 : i32
        %add3A_1079 = arith.addi %add3A_657, %add3A_1078 : i32
        %mul3A_1080 = arith.constant 128 : i32
        %mul3A_1081 = arith.muli %add3A_1079, %mul3A_1080 : i32
        %add3A_1082 = arith.constant 16 : i32
        %add3A_1083 = arith.addi %mul3A_1081, %add3A_1082 : i32
        %get3A_1084 = arith.index_cast %add3A_1083 : i32 to index
        %get3A_1085 = tpu.vector_load %arg14[%get3A_1084] {strides = array<i32>} : memref<10000xi32, #tpu.memory_space<vmem>>, vector<16xi32>,
        %swap3A_1086 = arith.constant 16 : index
        %swap3A_1087 = tpu.vector_load %arg19[%swap3A_1086] {strides = array<i32>} : memref<128xi32, #tpu.memory_space<vmem>>, vector<16xi32>,
        tpu.vector_store %arg19[%swap3A_1086], %get3A_1085 {strides = array<i32>} : memref<128xi32, #tpu.memory_space<vmem>>, vector<16xi32>,
        %add3A_1088 = arith.constant 6 : i32
        %add3A_1089 = arith.addi %add3A_657, %add3A_1088 : i32
        %mul3A_1090 = arith.constant 128 : i32
        %mul3A_1091 = arith.muli %add3A_1089, %mul3A_1090 : i32
        %add3A_1092 = arith.constant 32 : i32
        %add3A_1093 = arith.addi %mul3A_1091, %add3A_1092 : i32
        %get3A_1094 = arith.index_cast %add3A_1093 : i32 to index
        %get3A_1095 = tpu.vector_load %arg14[%get3A_1094] {strides = array<i32>} : memref<10000xi32, #tpu.memory_space<vmem>>, vector<16xi32>,
        %swap3A_1096 = arith.constant 32 : index
        %swap3A_1097 = tpu.vector_load %arg19[%swap3A_1096] {strides = array<i32>} : memref<128xi32, #tpu.memory_space<vmem>>, vector<16xi32>,
        tpu.vector_store %arg19[%swap3A_1096], %get3A_1095 {strides = array<i32>} : memref<128xi32, #tpu.memory_space<vmem>>, vector<16xi32>,
        %add3A_1098 = arith.constant 6 : i32
        %add3A_1099 = arith.addi %add3A_657, %add3A_1098 : i32
        %mul3A_1100 = arith.constant 128 : i32
        %mul3A_1101 = arith.muli %add3A_1099, %mul3A_1100 : i32
        %add3A_1102 = arith.constant 48 : i32
        %add3A_1103 = arith.addi %mul3A_1101, %add3A_1102 : i32
        %get3A_1104 = arith.index_cast %add3A_1103 : i32 to index
        %get3A_1105 = tpu.vector_load %arg14[%get3A_1104] {strides = array<i32>} : memref<10000xi32, #tpu.memory_space<vmem>>, vector<16xi32>,
        %swap3A_1106 = arith.constant 48 : index
        %swap3A_1107 = tpu.vector_load %arg19[%swap3A_1106] {strides = array<i32>} : memref<128xi32, #tpu.memory_space<vmem>>, vector<16xi32>,
        tpu.vector_store %arg19[%swap3A_1106], %get3A_1105 {strides = array<i32>} : memref<128xi32, #tpu.memory_space<vmem>>, vector<16xi32>,
        %add3A_1108 = arith.constant 6 : i32
        %add3A_1109 = arith.addi %add3A_657, %add3A_1108 : i32
        %mul3A_1110 = arith.constant 128 : i32
        %mul3A_1111 = arith.muli %add3A_1109, %mul3A_1110 : i32
        %add3A_1112 = arith.constant 64 : i32
        %add3A_1113 = arith.addi %mul3A_1111, %add3A_1112 : i32
        %get3A_1114 = arith.index_cast %add3A_1113 : i32 to index
        %get3A_1115 = tpu.vector_load %arg14[%get3A_1114] {strides = array<i32>} : memref<10000xi32, #tpu.memory_space<vmem>>, vector<16xi32>,
        %swap3A_1116 = arith.constant 64 : index
        %swap3A_1117 = tpu.vector_load %arg19[%swap3A_1116] {strides = array<i32>} : memref<128xi32, #tpu.memory_space<vmem>>, vector<16xi32>,
        tpu.vector_store %arg19[%swap3A_1116], %get3A_1115 {strides = array<i32>} : memref<128xi32, #tpu.memory_space<vmem>>, vector<16xi32>,
        %add3A_1118 = arith.constant 6 : i32
        %add3A_1119 = arith.addi %add3A_657, %add3A_1118 : i32
        %mul3A_1120 = arith.constant 128 : i32
        %mul3A_1121 = arith.muli %add3A_1119, %mul3A_1120 : i32
        %add3A_1122 = arith.constant 80 : i32
        %add3A_1123 = arith.addi %mul3A_1121, %add3A_1122 : i32
        %get3A_1124 = arith.index_cast %add3A_1123 : i32 to index
        %get3A_1125 = tpu.vector_load %arg14[%get3A_1124] {strides = array<i32>} : memref<10000xi32, #tpu.memory_space<vmem>>, vector<16xi32>,
        %swap3A_1126 = arith.constant 80 : index
        %swap3A_1127 = tpu.vector_load %arg19[%swap3A_1126] {strides = array<i32>} : memref<128xi32, #tpu.memory_space<vmem>>, vector<16xi32>,
        tpu.vector_store %arg19[%swap3A_1126], %get3A_1125 {strides = array<i32>} : memref<128xi32, #tpu.memory_space<vmem>>, vector<16xi32>,
        %add3A_1128 = arith.constant 6 : i32
        %add3A_1129 = arith.addi %add3A_657, %add3A_1128 : i32
        %mul3A_1130 = arith.constant 128 : i32
        %mul3A_1131 = arith.muli %add3A_1129, %mul3A_1130 : i32
        %add3A_1132 = arith.constant 96 : i32
        %add3A_1133 = arith.addi %mul3A_1131, %add3A_1132 : i32
        %get3A_1134 = arith.index_cast %add3A_1133 : i32 to index
        %get3A_1135 = tpu.vector_load %arg14[%get3A_1134] {strides = array<i32>} : memref<10000xi32, #tpu.memory_space<vmem>>, vector<16xi32>,
        %swap3A_1136 = arith.constant 96 : index
        %swap3A_1137 = tpu.vector_load %arg19[%swap3A_1136] {strides = array<i32>} : memref<128xi32, #tpu.memory_space<vmem>>, vector<16xi32>,
        tpu.vector_store %arg19[%swap3A_1136], %get3A_1135 {strides = array<i32>} : memref<128xi32, #tpu.memory_space<vmem>>, vector<16xi32>,
        %add3A_1138 = arith.constant 6 : i32
        %add3A_1139 = arith.addi %add3A_657, %add3A_1138 : i32
        %mul3A_1140 = arith.constant 128 : i32
        %mul3A_1141 = arith.muli %add3A_1139, %mul3A_1140 : i32
        %add3A_1142 = arith.constant 112 : i32
        %add3A_1143 = arith.addi %mul3A_1141, %add3A_1142 : i32
        %get3A_1144 = arith.index_cast %add3A_1143 : i32 to index
        %get3A_1145 = tpu.vector_load %arg14[%get3A_1144] {strides = array<i32>} : memref<10000xi32, #tpu.memory_space<vmem>>, vector<16xi32>,
        %swap3A_1146 = arith.constant 112 : index
        %swap3A_1147 = tpu.vector_load %arg19[%swap3A_1146] {strides = array<i32>} : memref<128xi32, #tpu.memory_space<vmem>>, vector<16xi32>,
        tpu.vector_store %arg19[%swap3A_1146], %get3A_1145 {strides = array<i32>} : memref<128xi32, #tpu.memory_space<vmem>>, vector<16xi32>,
        %dma_start3A_1148 = arith.constant 0 : i32
        %dma_start3A_1149 = tpu.memref_slice %arg8[%dma_start3A_1148] : memref<101120000xf32, #tpu.memory_space<hbm>> -> memref<101120000xf32, #tpu.memory_space<hbm>>
        tpu.enqueue_indirect_dma source(%dma_start3A_1149 : memref<101120000xf32, #tpu.memory_space<hbm>>) target(%arg31 : memref<128xf32, #tpu.memory_space<vmem>>) offsets(%arg19 : memref<128xi32, #tpu.memory_space<vmem>>) semaphore(%arg43 : memref<!tpu.dma_semaphore, #tpu.memory_space<semaphore_mem>>)
      } else {
      }
      %mul3A_792 = arith.constant 6 : i32
      %mul3A_793 = arith.muli %scan3A_243, %mul3A_792 : i32
      %add3A_794 = arith.constant 4 : i32
      %add3A_795 = arith.addi %mul3A_793, %add3A_794 : i32
      %dma_wait3A_796 = arith.constant 0 : i32
      %dma_wait3A_797 = tpu.memref_slice %arg8[%dma_wait3A_796] : memref<101120000xf32, #tpu.memory_space<hbm>> -> memref<101120000xf32, #tpu.memory_space<hbm>>
      tpu.wait_indirect_dma semaphore(%arg44 : memref<!tpu.dma_semaphore, #tpu.memory_space<semaphore_mem>>) src(%dma_wait3A_797 : memref<101120000xf32, #tpu.memory_space<hbm>>) dst(%arg32 : memref<128xf32, #tpu.memory_space<vmem>>)
      %gt3A_798 = arith.constant 0 : i32
      %gt3A_799 = arith.cmpi sgt, %scan3A_243, %gt3A_798 : i32
      %convert_element_type3A_800 = arith.extui %gt3A_799 : i1 to i32
      %cond3A_801 = arith.constant 0 : i32
      %cond3A_802 = arith.cmpi ne, %convert_element_type3A_800, %cond3A_801 : i32
      scf.if %cond3A_802 {
        %dma_wait3A_1068 = arith.constant 0 : i32
        %dma_wait3A_1069 = tpu.memref_slice %arg8[%dma_wait3A_1068] : memref<101120000xf32, #tpu.memory_space<hbm>> -> memref<101120000xf32, #tpu.memory_space<hbm>>
        tpu.wait_indirect_dma semaphore(%arg50 : memref<!tpu.dma_semaphore, #tpu.memory_space<semaphore_mem>>) src(%arg38 : memref<128xf32, #tpu.memory_space<vmem>>) dst(%dma_wait3A_1069 : memref<101120000xf32, #tpu.memory_space<hbm>>)
      } else {
      }
      %get3A_803 = arith.constant 0 : index
      %get3A_804 = tpu.vector_load %arg32[%get3A_803] {strides = array<i32>} : memref<128xf32, #tpu.memory_space<vmem>>, vector<16xf32>,
      %mul3A_805 = arith.constant 128 : i32
      %mul3A_806 = arith.muli %add3A_795, %mul3A_805 : i32
      %add3A_807 = arith.constant 0 : i32
      %add3A_808 = arith.addi %mul3A_806, %add3A_807 : i32
      %get3A_809 = arith.index_cast %add3A_808 : i32 to index
      %get3A_810 = tpu.vector_load %arg15[%get3A_809] {strides = array<i32>} : memref<10000xf32, #tpu.memory_space<vmem>>, vector<16xf32>,
      %add3A_811 = arith.addf %get3A_804, %get3A_810 : vector<16xf32>
      %swap3A_812 = arith.constant 0 : index
      %swap3A_813 = tpu.vector_load %arg38[%swap3A_812] {strides = array<i32>} : memref<128xf32, #tpu.memory_space<vmem>>, vector<16xf32>,
      tpu.vector_store %arg38[%swap3A_812], %add3A_811 {strides = array<i32>} : memref<128xf32, #tpu.memory_space<vmem>>, vector<16xf32>,
      %get3A_814 = arith.constant 0 : index
      %get3A_815 = tpu.vector_load %arg20[%get3A_814] {strides = array<i32>} : memref<128xi32, #tpu.memory_space<vmem>>, vector<16xi32>,
      %swap3A_816 = arith.constant 0 : index
      %swap3A_817 = tpu.vector_load %arg26[%swap3A_816] {strides = array<i32>} : memref<128xi32, #tpu.memory_space<vmem>>, vector<16xi32>,
      tpu.vector_store %arg26[%swap3A_816], %get3A_815 {strides = array<i32>} : memref<128xi32, #tpu.memory_space<vmem>>, vector<16xi32>,
      %get3A_818 = arith.constant 16 : index
      %get3A_819 = tpu.vector_load %arg32[%get3A_818] {strides = array<i32>} : memref<128xf32, #tpu.memory_space<vmem>>, vector<16xf32>,
      %mul3A_820 = arith.constant 128 : i32
      %mul3A_821 = arith.muli %add3A_795, %mul3A_820 : i32
      %add3A_822 = arith.constant 16 : i32
      %add3A_823 = arith.addi %mul3A_821, %add3A_822 : i32
      %get3A_824 = arith.index_cast %add3A_823 : i32 to index
      %get3A_825 = tpu.vector_load %arg15[%get3A_824] {strides = array<i32>} : memref<10000xf32, #tpu.memory_space<vmem>>, vector<16xf32>,
      %add3A_826 = arith.addf %get3A_819, %get3A_825 : vector<16xf32>
      %swap3A_827 = arith.constant 16 : index
      %swap3A_828 = tpu.vector_load %arg38[%swap3A_827] {strides = array<i32>} : memref<128xf32, #tpu.memory_space<vmem>>, vector<16xf32>,
      tpu.vector_store %arg38[%swap3A_827], %add3A_826 {strides = array<i32>} : memref<128xf32, #tpu.memory_space<vmem>>, vector<16xf32>,
      %get3A_829 = arith.constant 16 : index
      %get3A_830 = tpu.vector_load %arg20[%get3A_829] {strides = array<i32>} : memref<128xi32, #tpu.memory_space<vmem>>, vector<16xi32>,
      %swap3A_831 = arith.constant 16 : index
      %swap3A_832 = tpu.vector_load %arg26[%swap3A_831] {strides = array<i32>} : memref<128xi32, #tpu.memory_space<vmem>>, vector<16xi32>,
      tpu.vector_store %arg26[%swap3A_831], %get3A_830 {strides = array<i32>} : memref<128xi32, #tpu.memory_space<vmem>>, vector<16xi32>,
      %get3A_833 = arith.constant 32 : index
      %get3A_834 = tpu.vector_load %arg32[%get3A_833] {strides = array<i32>} : memref<128xf32, #tpu.memory_space<vmem>>, vector<16xf32>,
      %mul3A_835 = arith.constant 128 : i32
      %mul3A_836 = arith.muli %add3A_795, %mul3A_835 : i32
      %add3A_837 = arith.constant 32 : i32
      %add3A_838 = arith.addi %mul3A_836, %add3A_837 : i32
      %get3A_839 = arith.index_cast %add3A_838 : i32 to index
      %get3A_840 = tpu.vector_load %arg15[%get3A_839] {strides = array<i32>} : memref<10000xf32, #tpu.memory_space<vmem>>, vector<16xf32>,
      %add3A_841 = arith.addf %get3A_834, %get3A_840 : vector<16xf32>
      %swap3A_842 = arith.constant 32 : index
      %swap3A_843 = tpu.vector_load %arg38[%swap3A_842] {strides = array<i32>} : memref<128xf32, #tpu.memory_space<vmem>>, vector<16xf32>,
      tpu.vector_store %arg38[%swap3A_842], %add3A_841 {strides = array<i32>} : memref<128xf32, #tpu.memory_space<vmem>>, vector<16xf32>,
      %get3A_844 = arith.constant 32 : index
      %get3A_845 = tpu.vector_load %arg20[%get3A_844] {strides = array<i32>} : memref<128xi32, #tpu.memory_space<vmem>>, vector<16xi32>,
      %swap3A_846 = arith.constant 32 : index
      %swap3A_847 = tpu.vector_load %arg26[%swap3A_846] {strides = array<i32>} : memref<128xi32, #tpu.memory_space<vmem>>, vector<16xi32>,
      tpu.vector_store %arg26[%swap3A_846], %get3A_845 {strides = array<i32>} : memref<128xi32, #tpu.memory_space<vmem>>, vector<16xi32>,
      %get3A_848 = arith.constant 48 : index
      %get3A_849 = tpu.vector_load %arg32[%get3A_848] {strides = array<i32>} : memref<128xf32, #tpu.memory_space<vmem>>, vector<16xf32>,
      %mul3A_850 = arith.constant 128 : i32
      %mul3A_851 = arith.muli %add3A_795, %mul3A_850 : i32
      %add3A_852 = arith.constant 48 : i32
      %add3A_853 = arith.addi %mul3A_851, %add3A_852 : i32
      %get3A_854 = arith.index_cast %add3A_853 : i32 to index
      %get3A_855 = tpu.vector_load %arg15[%get3A_854] {strides = array<i32>} : memref<10000xf32, #tpu.memory_space<vmem>>, vector<16xf32>,
      %add3A_856 = arith.addf %get3A_849, %get3A_855 : vector<16xf32>
      %swap3A_857 = arith.constant 48 : index
      %swap3A_858 = tpu.vector_load %arg38[%swap3A_857] {strides = array<i32>} : memref<128xf32, #tpu.memory_space<vmem>>, vector<16xf32>,
      tpu.vector_store %arg38[%swap3A_857], %add3A_856 {strides = array<i32>} : memref<128xf32, #tpu.memory_space<vmem>>, vector<16xf32>,
      %get3A_859 = arith.constant 48 : index
      %get3A_860 = tpu.vector_load %arg20[%get3A_859] {strides = array<i32>} : memref<128xi32, #tpu.memory_space<vmem>>, vector<16xi32>,
      %swap3A_861 = arith.constant 48 : index
      %swap3A_862 = tpu.vector_load %arg26[%swap3A_861] {strides = array<i32>} : memref<128xi32, #tpu.memory_space<vmem>>, vector<16xi32>,
      tpu.vector_store %arg26[%swap3A_861], %get3A_860 {strides = array<i32>} : memref<128xi32, #tpu.memory_space<vmem>>, vector<16xi32>,
      %get3A_863 = arith.constant 64 : index
      %get3A_864 = tpu.vector_load %arg32[%get3A_863] {strides = array<i32>} : memref<128xf32, #tpu.memory_space<vmem>>, vector<16xf32>,
      %mul3A_865 = arith.constant 128 : i32
      %mul3A_866 = arith.muli %add3A_795, %mul3A_865 : i32
      %add3A_867 = arith.constant 64 : i32
      %add3A_868 = arith.addi %mul3A_866, %add3A_867 : i32
      %get3A_869 = arith.index_cast %add3A_868 : i32 to index
      %get3A_870 = tpu.vector_load %arg15[%get3A_869] {strides = array<i32>} : memref<10000xf32, #tpu.memory_space<vmem>>, vector<16xf32>,
      %add3A_871 = arith.addf %get3A_864, %get3A_870 : vector<16xf32>
      %swap3A_872 = arith.constant 64 : index
      %swap3A_873 = tpu.vector_load %arg38[%swap3A_872] {strides = array<i32>} : memref<128xf32, #tpu.memory_space<vmem>>, vector<16xf32>,
      tpu.vector_store %arg38[%swap3A_872], %add3A_871 {strides = array<i32>} : memref<128xf32, #tpu.memory_space<vmem>>, vector<16xf32>,
      %get3A_874 = arith.constant 64 : index
      %get3A_875 = tpu.vector_load %arg20[%get3A_874] {strides = array<i32>} : memref<128xi32, #tpu.memory_space<vmem>>, vector<16xi32>,
      %swap3A_876 = arith.constant 64 : index
      %swap3A_877 = tpu.vector_load %arg26[%swap3A_876] {strides = array<i32>} : memref<128xi32, #tpu.memory_space<vmem>>, vector<16xi32>,
      tpu.vector_store %arg26[%swap3A_876], %get3A_875 {strides = array<i32>} : memref<128xi32, #tpu.memory_space<vmem>>, vector<16xi32>,
      %get3A_878 = arith.constant 80 : index
      %get3A_879 = tpu.vector_load %arg32[%get3A_878] {strides = array<i32>} : memref<128xf32, #tpu.memory_space<vmem>>, vector<16xf32>,
      %mul3A_880 = arith.constant 128 : i32
      %mul3A_881 = arith.muli %add3A_795, %mul3A_880 : i32
      %add3A_882 = arith.constant 80 : i32
      %add3A_883 = arith.addi %mul3A_881, %add3A_882 : i32
      %get3A_884 = arith.index_cast %add3A_883 : i32 to index
      %get3A_885 = tpu.vector_load %arg15[%get3A_884] {strides = array<i32>} : memref<10000xf32, #tpu.memory_space<vmem>>, vector<16xf32>,
      %add3A_886 = arith.addf %get3A_879, %get3A_885 : vector<16xf32>
      %swap3A_887 = arith.constant 80 : index
      %swap3A_888 = tpu.vector_load %arg38[%swap3A_887] {strides = array<i32>} : memref<128xf32, #tpu.memory_space<vmem>>, vector<16xf32>,
      tpu.vector_store %arg38[%swap3A_887], %add3A_886 {strides = array<i32>} : memref<128xf32, #tpu.memory_space<vmem>>, vector<16xf32>,
      %get3A_889 = arith.constant 80 : index
      %get3A_890 = tpu.vector_load %arg20[%get3A_889] {strides = array<i32>} : memref<128xi32, #tpu.memory_space<vmem>>, vector<16xi32>,
      %swap3A_891 = arith.constant 80 : index
      %swap3A_892 = tpu.vector_load %arg26[%swap3A_891] {strides = array<i32>} : memref<128xi32, #tpu.memory_space<vmem>>, vector<16xi32>,
      tpu.vector_store %arg26[%swap3A_891], %get3A_890 {strides = array<i32>} : memref<128xi32, #tpu.memory_space<vmem>>, vector<16xi32>,
      %get3A_893 = arith.constant 96 : index
      %get3A_894 = tpu.vector_load %arg32[%get3A_893] {strides = array<i32>} : memref<128xf32, #tpu.memory_space<vmem>>, vector<16xf32>,
      %mul3A_895 = arith.constant 128 : i32
      %mul3A_896 = arith.muli %add3A_795, %mul3A_895 : i32
      %add3A_897 = arith.constant 96 : i32
      %add3A_898 = arith.addi %mul3A_896, %add3A_897 : i32
      %get3A_899 = arith.index_cast %add3A_898 : i32 to index
      %get3A_900 = tpu.vector_load %arg15[%get3A_899] {strides = array<i32>} : memref<10000xf32, #tpu.memory_space<vmem>>, vector<16xf32>,
      %add3A_901 = arith.addf %get3A_894, %get3A_900 : vector<16xf32>
      %swap3A_902 = arith.constant 96 : index
      %swap3A_903 = tpu.vector_load %arg38[%swap3A_902] {strides = array<i32>} : memref<128xf32, #tpu.memory_space<vmem>>, vector<16xf32>,
      tpu.vector_store %arg38[%swap3A_902], %add3A_901 {strides = array<i32>} : memref<128xf32, #tpu.memory_space<vmem>>, vector<16xf32>,
      %get3A_904 = arith.constant 96 : index
      %get3A_905 = tpu.vector_load %arg20[%get3A_904] {strides = array<i32>} : memref<128xi32, #tpu.memory_space<vmem>>, vector<16xi32>,
      %swap3A_906 = arith.constant 96 : index
      %swap3A_907 = tpu.vector_load %arg26[%swap3A_906] {strides = array<i32>} : memref<128xi32, #tpu.memory_space<vmem>>, vector<16xi32>,
      tpu.vector_store %arg26[%swap3A_906], %get3A_905 {strides = array<i32>} : memref<128xi32, #tpu.memory_space<vmem>>, vector<16xi32>,
      %get3A_908 = arith.constant 112 : index
      %get3A_909 = tpu.vector_load %arg32[%get3A_908] {strides = array<i32>} : memref<128xf32, #tpu.memory_space<vmem>>, vector<16xf32>,
      %mul3A_910 = arith.constant 128 : i32
      %mul3A_911 = arith.muli %add3A_795, %mul3A_910 : i32
      %add3A_912 = arith.constant 112 : i32
      %add3A_913 = arith.addi %mul3A_911, %add3A_912 : i32
      %get3A_914 = arith.index_cast %add3A_913 : i32 to index
      %get3A_915 = tpu.vector_load %arg15[%get3A_914] {strides = array<i32>} : memref<10000xf32, #tpu.memory_space<vmem>>, vector<16xf32>,
      %add3A_916 = arith.addf %get3A_909, %get3A_915 : vector<16xf32>
      %swap3A_917 = arith.constant 112 : index
      %swap3A_918 = tpu.vector_load %arg38[%swap3A_917] {strides = array<i32>} : memref<128xf32, #tpu.memory_space<vmem>>, vector<16xf32>,
      tpu.vector_store %arg38[%swap3A_917], %add3A_916 {strides = array<i32>} : memref<128xf32, #tpu.memory_space<vmem>>, vector<16xf32>,
      %get3A_919 = arith.constant 112 : index
      %get3A_920 = tpu.vector_load %arg20[%get3A_919] {strides = array<i32>} : memref<128xi32, #tpu.memory_space<vmem>>, vector<16xi32>,
      %swap3A_921 = arith.constant 112 : index
      %swap3A_922 = tpu.vector_load %arg26[%swap3A_921] {strides = array<i32>} : memref<128xi32, #tpu.memory_space<vmem>>, vector<16xi32>,
      tpu.vector_store %arg26[%swap3A_921], %get3A_920 {strides = array<i32>} : memref<128xi32, #tpu.memory_space<vmem>>, vector<16xi32>,
      %dma_start3A_923 = arith.constant 0 : i32
      %dma_start3A_924 = tpu.memref_slice %arg8[%dma_start3A_923] : memref<101120000xf32, #tpu.memory_space<hbm>> -> memref<101120000xf32, #tpu.memory_space<hbm>>
      tpu.enqueue_indirect_dma source(%arg38 : memref<128xf32, #tpu.memory_space<vmem>>) target(%dma_start3A_924 : memref<101120000xf32, #tpu.memory_space<hbm>>) offsets(%arg26 : memref<128xi32, #tpu.memory_space<vmem>>) semaphore(%arg50 : memref<!tpu.dma_semaphore, #tpu.memory_space<semaphore_mem>>)
      %lt3A_925 = arith.constant 12 : i32
      %lt3A_926 = arith.cmpi slt, %scan3A_243, %lt3A_925 : i32
      %convert_element_type3A_927 = arith.extui %lt3A_926 : i1 to i32
      %cond3A_928 = arith.constant 0 : i32
      %cond3A_929 = arith.cmpi ne, %convert_element_type3A_927, %cond3A_928 : i32
      scf.if %cond3A_929 {
        %add3A_1068 = arith.constant 6 : i32
        %add3A_1069 = arith.addi %add3A_795, %add3A_1068 : i32
        %mul3A_1070 = arith.constant 128 : i32
        %mul3A_1071 = arith.muli %add3A_1069, %mul3A_1070 : i32
        %add3A_1072 = arith.constant 0 : i32
        %add3A_1073 = arith.addi %mul3A_1071, %add3A_1072 : i32
        %get3A_1074 = arith.index_cast %add3A_1073 : i32 to index
        %get3A_1075 = tpu.vector_load %arg14[%get3A_1074] {strides = array<i32>} : memref<10000xi32, #tpu.memory_space<vmem>>, vector<16xi32>,
        %swap3A_1076 = arith.constant 0 : index
        %swap3A_1077 = tpu.vector_load %arg20[%swap3A_1076] {strides = array<i32>} : memref<128xi32, #tpu.memory_space<vmem>>, vector<16xi32>,
        tpu.vector_store %arg20[%swap3A_1076], %get3A_1075 {strides = array<i32>} : memref<128xi32, #tpu.memory_space<vmem>>, vector<16xi32>,
        %add3A_1078 = arith.constant 6 : i32
        %add3A_1079 = arith.addi %add3A_795, %add3A_1078 : i32
        %mul3A_1080 = arith.constant 128 : i32
        %mul3A_1081 = arith.muli %add3A_1079, %mul3A_1080 : i32
        %add3A_1082 = arith.constant 16 : i32
        %add3A_1083 = arith.addi %mul3A_1081, %add3A_1082 : i32
        %get3A_1084 = arith.index_cast %add3A_1083 : i32 to index
        %get3A_1085 = tpu.vector_load %arg14[%get3A_1084] {strides = array<i32>} : memref<10000xi32, #tpu.memory_space<vmem>>, vector<16xi32>,
        %swap3A_1086 = arith.constant 16 : index
        %swap3A_1087 = tpu.vector_load %arg20[%swap3A_1086] {strides = array<i32>} : memref<128xi32, #tpu.memory_space<vmem>>, vector<16xi32>,
        tpu.vector_store %arg20[%swap3A_1086], %get3A_1085 {strides = array<i32>} : memref<128xi32, #tpu.memory_space<vmem>>, vector<16xi32>,
        %add3A_1088 = arith.constant 6 : i32
        %add3A_1089 = arith.addi %add3A_795, %add3A_1088 : i32
        %mul3A_1090 = arith.constant 128 : i32
        %mul3A_1091 = arith.muli %add3A_1089, %mul3A_1090 : i32
        %add3A_1092 = arith.constant 32 : i32
        %add3A_1093 = arith.addi %mul3A_1091, %add3A_1092 : i32
        %get3A_1094 = arith.index_cast %add3A_1093 : i32 to index
        %get3A_1095 = tpu.vector_load %arg14[%get3A_1094] {strides = array<i32>} : memref<10000xi32, #tpu.memory_space<vmem>>, vector<16xi32>,
        %swap3A_1096 = arith.constant 32 : index
        %swap3A_1097 = tpu.vector_load %arg20[%swap3A_1096] {strides = array<i32>} : memref<128xi32, #tpu.memory_space<vmem>>, vector<16xi32>,
        tpu.vector_store %arg20[%swap3A_1096], %get3A_1095 {strides = array<i32>} : memref<128xi32, #tpu.memory_space<vmem>>, vector<16xi32>,
        %add3A_1098 = arith.constant 6 : i32
        %add3A_1099 = arith.addi %add3A_795, %add3A_1098 : i32
        %mul3A_1100 = arith.constant 128 : i32
        %mul3A_1101 = arith.muli %add3A_1099, %mul3A_1100 : i32
        %add3A_1102 = arith.constant 48 : i32
        %add3A_1103 = arith.addi %mul3A_1101, %add3A_1102 : i32
        %get3A_1104 = arith.index_cast %add3A_1103 : i32 to index
        %get3A_1105 = tpu.vector_load %arg14[%get3A_1104] {strides = array<i32>} : memref<10000xi32, #tpu.memory_space<vmem>>, vector<16xi32>,
        %swap3A_1106 = arith.constant 48 : index
        %swap3A_1107 = tpu.vector_load %arg20[%swap3A_1106] {strides = array<i32>} : memref<128xi32, #tpu.memory_space<vmem>>, vector<16xi32>,
        tpu.vector_store %arg20[%swap3A_1106], %get3A_1105 {strides = array<i32>} : memref<128xi32, #tpu.memory_space<vmem>>, vector<16xi32>,
        %add3A_1108 = arith.constant 6 : i32
        %add3A_1109 = arith.addi %add3A_795, %add3A_1108 : i32
        %mul3A_1110 = arith.constant 128 : i32
        %mul3A_1111 = arith.muli %add3A_1109, %mul3A_1110 : i32
        %add3A_1112 = arith.constant 64 : i32
        %add3A_1113 = arith.addi %mul3A_1111, %add3A_1112 : i32
        %get3A_1114 = arith.index_cast %add3A_1113 : i32 to index
        %get3A_1115 = tpu.vector_load %arg14[%get3A_1114] {strides = array<i32>} : memref<10000xi32, #tpu.memory_space<vmem>>, vector<16xi32>,
        %swap3A_1116 = arith.constant 64 : index
        %swap3A_1117 = tpu.vector_load %arg20[%swap3A_1116] {strides = array<i32>} : memref<128xi32, #tpu.memory_space<vmem>>, vector<16xi32>,
        tpu.vector_store %arg20[%swap3A_1116], %get3A_1115 {strides = array<i32>} : memref<128xi32, #tpu.memory_space<vmem>>, vector<16xi32>,
        %add3A_1118 = arith.constant 6 : i32
        %add3A_1119 = arith.addi %add3A_795, %add3A_1118 : i32
        %mul3A_1120 = arith.constant 128 : i32
        %mul3A_1121 = arith.muli %add3A_1119, %mul3A_1120 : i32
        %add3A_1122 = arith.constant 80 : i32
        %add3A_1123 = arith.addi %mul3A_1121, %add3A_1122 : i32
        %get3A_1124 = arith.index_cast %add3A_1123 : i32 to index
        %get3A_1125 = tpu.vector_load %arg14[%get3A_1124] {strides = array<i32>} : memref<10000xi32, #tpu.memory_space<vmem>>, vector<16xi32>,
        %swap3A_1126 = arith.constant 80 : index
        %swap3A_1127 = tpu.vector_load %arg20[%swap3A_1126] {strides = array<i32>} : memref<128xi32, #tpu.memory_space<vmem>>, vector<16xi32>,
        tpu.vector_store %arg20[%swap3A_1126], %get3A_1125 {strides = array<i32>} : memref<128xi32, #tpu.memory_space<vmem>>, vector<16xi32>,
        %add3A_1128 = arith.constant 6 : i32
        %add3A_1129 = arith.addi %add3A_795, %add3A_1128 : i32
        %mul3A_1130 = arith.constant 128 : i32
        %mul3A_1131 = arith.muli %add3A_1129, %mul3A_1130 : i32
        %add3A_1132 = arith.constant 96 : i32
        %add3A_1133 = arith.addi %mul3A_1131, %add3A_1132 : i32
        %get3A_1134 = arith.index_cast %add3A_1133 : i32 to index
        %get3A_1135 = tpu.vector_load %arg14[%get3A_1134] {strides = array<i32>} : memref<10000xi32, #tpu.memory_space<vmem>>, vector<16xi32>,
        %swap3A_1136 = arith.constant 96 : index
        %swap3A_1137 = tpu.vector_load %arg20[%swap3A_1136] {strides = array<i32>} : memref<128xi32, #tpu.memory_space<vmem>>, vector<16xi32>,
        tpu.vector_store %arg20[%swap3A_1136], %get3A_1135 {strides = array<i32>} : memref<128xi32, #tpu.memory_space<vmem>>, vector<16xi32>,
        %add3A_1138 = arith.constant 6 : i32
        %add3A_1139 = arith.addi %add3A_795, %add3A_1138 : i32
        %mul3A_1140 = arith.constant 128 : i32
        %mul3A_1141 = arith.muli %add3A_1139, %mul3A_1140 : i32
        %add3A_1142 = arith.constant 112 : i32
        %add3A_1143 = arith.addi %mul3A_1141, %add3A_1142 : i32
        %get3A_1144 = arith.index_cast %add3A_1143 : i32 to index
        %get3A_1145 = tpu.vector_load %arg14[%get3A_1144] {strides = array<i32>} : memref<10000xi32, #tpu.memory_space<vmem>>, vector<16xi32>,
        %swap3A_1146 = arith.constant 112 : index
        %swap3A_1147 = tpu.vector_load %arg20[%swap3A_1146] {strides = array<i32>} : memref<128xi32, #tpu.memory_space<vmem>>, vector<16xi32>,
        tpu.vector_store %arg20[%swap3A_1146], %get3A_1145 {strides = array<i32>} : memref<128xi32, #tpu.memory_space<vmem>>, vector<16xi32>,
        %dma_start3A_1148 = arith.constant 0 : i32
        %dma_start3A_1149 = tpu.memref_slice %arg8[%dma_start3A_1148] : memref<101120000xf32, #tpu.memory_space<hbm>> -> memref<101120000xf32, #tpu.memory_space<hbm>>
        tpu.enqueue_indirect_dma source(%dma_start3A_1149 : memref<101120000xf32, #tpu.memory_space<hbm>>) target(%arg32 : memref<128xf32, #tpu.memory_space<vmem>>) offsets(%arg20 : memref<128xi32, #tpu.memory_space<vmem>>) semaphore(%arg44 : memref<!tpu.dma_semaphore, #tpu.memory_space<semaphore_mem>>)
      } else {
      }
      %mul3A_930 = arith.constant 6 : i32
      %mul3A_931 = arith.muli %scan3A_243, %mul3A_930 : i32
      %add3A_932 = arith.constant 5 : i32
      %add3A_933 = arith.addi %mul3A_931, %add3A_932 : i32
      %dma_wait3A_934 = arith.constant 0 : i32
      %dma_wait3A_935 = tpu.memref_slice %arg8[%dma_wait3A_934] : memref<101120000xf32, #tpu.memory_space<hbm>> -> memref<101120000xf32, #tpu.memory_space<hbm>>
      tpu.wait_indirect_dma semaphore(%arg45 : memref<!tpu.dma_semaphore, #tpu.memory_space<semaphore_mem>>) src(%dma_wait3A_935 : memref<101120000xf32, #tpu.memory_space<hbm>>) dst(%arg33 : memref<128xf32, #tpu.memory_space<vmem>>)
      %gt3A_936 = arith.constant 0 : i32
      %gt3A_937 = arith.cmpi sgt, %scan3A_243, %gt3A_936 : i32
      %convert_element_type3A_938 = arith.extui %gt3A_937 : i1 to i32
      %cond3A_939 = arith.constant 0 : i32
      %cond3A_940 = arith.cmpi ne, %convert_element_type3A_938, %cond3A_939 : i32
      scf.if %cond3A_940 {
        %dma_wait3A_1068 = arith.constant 0 : i32
        %dma_wait3A_1069 = tpu.memref_slice %arg8[%dma_wait3A_1068] : memref<101120000xf32, #tpu.memory_space<hbm>> -> memref<101120000xf32, #tpu.memory_space<hbm>>
        tpu.wait_indirect_dma semaphore(%arg51 : memref<!tpu.dma_semaphore, #tpu.memory_space<semaphore_mem>>) src(%arg39 : memref<128xf32, #tpu.memory_space<vmem>>) dst(%dma_wait3A_1069 : memref<101120000xf32, #tpu.memory_space<hbm>>)
      } else {
      }
      %get3A_941 = arith.constant 0 : index
      %get3A_942 = tpu.vector_load %arg33[%get3A_941] {strides = array<i32>} : memref<128xf32, #tpu.memory_space<vmem>>, vector<16xf32>,
      %mul3A_943 = arith.constant 128 : i32
      %mul3A_944 = arith.muli %add3A_933, %mul3A_943 : i32
      %add3A_945 = arith.constant 0 : i32
      %add3A_946 = arith.addi %mul3A_944, %add3A_945 : i32
      %get3A_947 = arith.index_cast %add3A_946 : i32 to index
      %get3A_948 = tpu.vector_load %arg15[%get3A_947] {strides = array<i32>} : memref<10000xf32, #tpu.memory_space<vmem>>, vector<16xf32>,
      %add3A_949 = arith.addf %get3A_942, %get3A_948 : vector<16xf32>
      %swap3A_950 = arith.constant 0 : index
      %swap3A_951 = tpu.vector_load %arg39[%swap3A_950] {strides = array<i32>} : memref<128xf32, #tpu.memory_space<vmem>>, vector<16xf32>,
      tpu.vector_store %arg39[%swap3A_950], %add3A_949 {strides = array<i32>} : memref<128xf32, #tpu.memory_space<vmem>>, vector<16xf32>,
      %get3A_952 = arith.constant 0 : index
      %get3A_953 = tpu.vector_load %arg21[%get3A_952] {strides = array<i32>} : memref<128xi32, #tpu.memory_space<vmem>>, vector<16xi32>,
      %swap3A_954 = arith.constant 0 : index
      %swap3A_955 = tpu.vector_load %arg27[%swap3A_954] {strides = array<i32>} : memref<128xi32, #tpu.memory_space<vmem>>, vector<16xi32>,
      tpu.vector_store %arg27[%swap3A_954], %get3A_953 {strides = array<i32>} : memref<128xi32, #tpu.memory_space<vmem>>, vector<16xi32>,
      %get3A_956 = arith.constant 16 : index
      %get3A_957 = tpu.vector_load %arg33[%get3A_956] {strides = array<i32>} : memref<128xf32, #tpu.memory_space<vmem>>, vector<16xf32>,
      %mul3A_958 = arith.constant 128 : i32
      %mul3A_959 = arith.muli %add3A_933, %mul3A_958 : i32
      %add3A_960 = arith.constant 16 : i32
      %add3A_961 = arith.addi %mul3A_959, %add3A_960 : i32
      %get3A_962 = arith.index_cast %add3A_961 : i32 to index
      %get3A_963 = tpu.vector_load %arg15[%get3A_962] {strides = array<i32>} : memref<10000xf32, #tpu.memory_space<vmem>>, vector<16xf32>,
      %add3A_964 = arith.addf %get3A_957, %get3A_963 : vector<16xf32>
      %swap3A_965 = arith.constant 16 : index
      %swap3A_966 = tpu.vector_load %arg39[%swap3A_965] {strides = array<i32>} : memref<128xf32, #tpu.memory_space<vmem>>, vector<16xf32>,
      tpu.vector_store %arg39[%swap3A_965], %add3A_964 {strides = array<i32>} : memref<128xf32, #tpu.memory_space<vmem>>, vector<16xf32>,
      %get3A_967 = arith.constant 16 : index
      %get3A_968 = tpu.vector_load %arg21[%get3A_967] {strides = array<i32>} : memref<128xi32, #tpu.memory_space<vmem>>, vector<16xi32>,
      %swap3A_969 = arith.constant 16 : index
      %swap3A_970 = tpu.vector_load %arg27[%swap3A_969] {strides = array<i32>} : memref<128xi32, #tpu.memory_space<vmem>>, vector<16xi32>,
      tpu.vector_store %arg27[%swap3A_969], %get3A_968 {strides = array<i32>} : memref<128xi32, #tpu.memory_space<vmem>>, vector<16xi32>,
      %get3A_971 = arith.constant 32 : index
      %get3A_972 = tpu.vector_load %arg33[%get3A_971] {strides = array<i32>} : memref<128xf32, #tpu.memory_space<vmem>>, vector<16xf32>,
      %mul3A_973 = arith.constant 128 : i32
      %mul3A_974 = arith.muli %add3A_933, %mul3A_973 : i32
      %add3A_975 = arith.constant 32 : i32
      %add3A_976 = arith.addi %mul3A_974, %add3A_975 : i32
      %get3A_977 = arith.index_cast %add3A_976 : i32 to index
      %get3A_978 = tpu.vector_load %arg15[%get3A_977] {strides = array<i32>} : memref<10000xf32, #tpu.memory_space<vmem>>, vector<16xf32>,
      %add3A_979 = arith.addf %get3A_972, %get3A_978 : vector<16xf32>
      %swap3A_980 = arith.constant 32 : index
      %swap3A_981 = tpu.vector_load %arg39[%swap3A_980] {strides = array<i32>} : memref<128xf32, #tpu.memory_space<vmem>>, vector<16xf32>,
      tpu.vector_store %arg39[%swap3A_980], %add3A_979 {strides = array<i32>} : memref<128xf32, #tpu.memory_space<vmem>>, vector<16xf32>,
      %get3A_982 = arith.constant 32 : index
      %get3A_983 = tpu.vector_load %arg21[%get3A_982] {strides = array<i32>} : memref<128xi32, #tpu.memory_space<vmem>>, vector<16xi32>,
      %swap3A_984 = arith.constant 32 : index
      %swap3A_985 = tpu.vector_load %arg27[%swap3A_984] {strides = array<i32>} : memref<128xi32, #tpu.memory_space<vmem>>, vector<16xi32>,
      tpu.vector_store %arg27[%swap3A_984], %get3A_983 {strides = array<i32>} : memref<128xi32, #tpu.memory_space<vmem>>, vector<16xi32>,
      %get3A_986 = arith.constant 48 : index
      %get3A_987 = tpu.vector_load %arg33[%get3A_986] {strides = array<i32>} : memref<128xf32, #tpu.memory_space<vmem>>, vector<16xf32>,
      %mul3A_988 = arith.constant 128 : i32
      %mul3A_989 = arith.muli %add3A_933, %mul3A_988 : i32
      %add3A_990 = arith.constant 48 : i32
      %add3A_991 = arith.addi %mul3A_989, %add3A_990 : i32
      %get3A_992 = arith.index_cast %add3A_991 : i32 to index
      %get3A_993 = tpu.vector_load %arg15[%get3A_992] {strides = array<i32>} : memref<10000xf32, #tpu.memory_space<vmem>>, vector<16xf32>,
      %add3A_994 = arith.addf %get3A_987, %get3A_993 : vector<16xf32>
      %swap3A_995 = arith.constant 48 : index
      %swap3A_996 = tpu.vector_load %arg39[%swap3A_995] {strides = array<i32>} : memref<128xf32, #tpu.memory_space<vmem>>, vector<16xf32>,
      tpu.vector_store %arg39[%swap3A_995], %add3A_994 {strides = array<i32>} : memref<128xf32, #tpu.memory_space<vmem>>, vector<16xf32>,
      %get3A_997 = arith.constant 48 : index
      %get3A_998 = tpu.vector_load %arg21[%get3A_997] {strides = array<i32>} : memref<128xi32, #tpu.memory_space<vmem>>, vector<16xi32>,
      %swap3A_999 = arith.constant 48 : index
      %swap3A_1000 = tpu.vector_load %arg27[%swap3A_999] {strides = array<i32>} : memref<128xi32, #tpu.memory_space<vmem>>, vector<16xi32>,
      tpu.vector_store %arg27[%swap3A_999], %get3A_998 {strides = array<i32>} : memref<128xi32, #tpu.memory_space<vmem>>, vector<16xi32>,
      %get3A_1001 = arith.constant 64 : index
      %get3A_1002 = tpu.vector_load %arg33[%get3A_1001] {strides = array<i32>} : memref<128xf32, #tpu.memory_space<vmem>>, vector<16xf32>,
      %mul3A_1003 = arith.constant 128 : i32
      %mul3A_1004 = arith.muli %add3A_933, %mul3A_1003 : i32
      %add3A_1005 = arith.constant 64 : i32
      %add3A_1006 = arith.addi %mul3A_1004, %add3A_1005 : i32
      %get3A_1007 = arith.index_cast %add3A_1006 : i32 to index
      %get3A_1008 = tpu.vector_load %arg15[%get3A_1007] {strides = array<i32>} : memref<10000xf32, #tpu.memory_space<vmem>>, vector<16xf32>,
      %add3A_1009 = arith.addf %get3A_1002, %get3A_1008 : vector<16xf32>
      %swap3A_1010 = arith.constant 64 : index
      %swap3A_1011 = tpu.vector_load %arg39[%swap3A_1010] {strides = array<i32>} : memref<128xf32, #tpu.memory_space<vmem>>, vector<16xf32>,
      tpu.vector_store %arg39[%swap3A_1010], %add3A_1009 {strides = array<i32>} : memref<128xf32, #tpu.memory_space<vmem>>, vector<16xf32>,
      %get3A_1012 = arith.constant 64 : index
      %get3A_1013 = tpu.vector_load %arg21[%get3A_1012] {strides = array<i32>} : memref<128xi32, #tpu.memory_space<vmem>>, vector<16xi32>,
      %swap3A_1014 = arith.constant 64 : index
      %swap3A_1015 = tpu.vector_load %arg27[%swap3A_1014] {strides = array<i32>} : memref<128xi32, #tpu.memory_space<vmem>>, vector<16xi32>,
      tpu.vector_store %arg27[%swap3A_1014], %get3A_1013 {strides = array<i32>} : memref<128xi32, #tpu.memory_space<vmem>>, vector<16xi32>,
      %get3A_1016 = arith.constant 80 : index
      %get3A_1017 = tpu.vector_load %arg33[%get3A_1016] {strides = array<i32>} : memref<128xf32, #tpu.memory_space<vmem>>, vector<16xf32>,
      %mul3A_1018 = arith.constant 128 : i32
      %mul3A_1019 = arith.muli %add3A_933, %mul3A_1018 : i32
      %add3A_1020 = arith.constant 80 : i32
      %add3A_1021 = arith.addi %mul3A_1019, %add3A_1020 : i32
      %get3A_1022 = arith.index_cast %add3A_1021 : i32 to index
      %get3A_1023 = tpu.vector_load %arg15[%get3A_1022] {strides = array<i32>} : memref<10000xf32, #tpu.memory_space<vmem>>, vector<16xf32>,
      %add3A_1024 = arith.addf %get3A_1017, %get3A_1023 : vector<16xf32>
      %swap3A_1025 = arith.constant 80 : index
      %swap3A_1026 = tpu.vector_load %arg39[%swap3A_1025] {strides = array<i32>} : memref<128xf32, #tpu.memory_space<vmem>>, vector<16xf32>,
      tpu.vector_store %arg39[%swap3A_1025], %add3A_1024 {strides = array<i32>} : memref<128xf32, #tpu.memory_space<vmem>>, vector<16xf32>,
      %get3A_1027 = arith.constant 80 : index
      %get3A_1028 = tpu.vector_load %arg21[%get3A_1027] {strides = array<i32>} : memref<128xi32, #tpu.memory_space<vmem>>, vector<16xi32>,
      %swap3A_1029 = arith.constant 80 : index
      %swap3A_1030 = tpu.vector_load %arg27[%swap3A_1029] {strides = array<i32>} : memref<128xi32, #tpu.memory_space<vmem>>, vector<16xi32>,
      tpu.vector_store %arg27[%swap3A_1029], %get3A_1028 {strides = array<i32>} : memref<128xi32, #tpu.memory_space<vmem>>, vector<16xi32>,
      %get3A_1031 = arith.constant 96 : index
      %get3A_1032 = tpu.vector_load %arg33[%get3A_1031] {strides = array<i32>} : memref<128xf32, #tpu.memory_space<vmem>>, vector<16xf32>,
      %mul3A_1033 = arith.constant 128 : i32
      %mul3A_1034 = arith.muli %add3A_933, %mul3A_1033 : i32
      %add3A_1035 = arith.constant 96 : i32
      %add3A_1036 = arith.addi %mul3A_1034, %add3A_1035 : i32
      %get3A_1037 = arith.index_cast %add3A_1036 : i32 to index
      %get3A_1038 = tpu.vector_load %arg15[%get3A_1037] {strides = array<i32>} : memref<10000xf32, #tpu.memory_space<vmem>>, vector<16xf32>,
      %add3A_1039 = arith.addf %get3A_1032, %get3A_1038 : vector<16xf32>
      %swap3A_1040 = arith.constant 96 : index
      %swap3A_1041 = tpu.vector_load %arg39[%swap3A_1040] {strides = array<i32>} : memref<128xf32, #tpu.memory_space<vmem>>, vector<16xf32>,
      tpu.vector_store %arg39[%swap3A_1040], %add3A_1039 {strides = array<i32>} : memref<128xf32, #tpu.memory_space<vmem>>, vector<16xf32>,
      %get3A_1042 = arith.constant 96 : index
      %get3A_1043 = tpu.vector_load %arg21[%get3A_1042] {strides = array<i32>} : memref<128xi32, #tpu.memory_space<vmem>>, vector<16xi32>,
      %swap3A_1044 = arith.constant 96 : index
      %swap3A_1045 = tpu.vector_load %arg27[%swap3A_1044] {strides = array<i32>} : memref<128xi32, #tpu.memory_space<vmem>>, vector<16xi32>,
      tpu.vector_store %arg27[%swap3A_1044], %get3A_1043 {strides = array<i32>} : memref<128xi32, #tpu.memory_space<vmem>>, vector<16xi32>,
      %get3A_1046 = arith.constant 112 : index
      %get3A_1047 = tpu.vector_load %arg33[%get3A_1046] {strides = array<i32>} : memref<128xf32, #tpu.memory_space<vmem>>, vector<16xf32>,
      %mul3A_1048 = arith.constant 128 : i32
      %mul3A_1049 = arith.muli %add3A_933, %mul3A_1048 : i32
      %add3A_1050 = arith.constant 112 : i32
      %add3A_1051 = arith.addi %mul3A_1049, %add3A_1050 : i32
      %get3A_1052 = arith.index_cast %add3A_1051 : i32 to index
      %get3A_1053 = tpu.vector_load %arg15[%get3A_1052] {strides = array<i32>} : memref<10000xf32, #tpu.memory_space<vmem>>, vector<16xf32>,
      %add3A_1054 = arith.addf %get3A_1047, %get3A_1053 : vector<16xf32>
      %swap3A_1055 = arith.constant 112 : index
      %swap3A_1056 = tpu.vector_load %arg39[%swap3A_1055] {strides = array<i32>} : memref<128xf32, #tpu.memory_space<vmem>>, vector<16xf32>,
      tpu.vector_store %arg39[%swap3A_1055], %add3A_1054 {strides = array<i32>} : memref<128xf32, #tpu.memory_space<vmem>>, vector<16xf32>,
      %get3A_1057 = arith.constant 112 : index
      %get3A_1058 = tpu.vector_load %arg21[%get3A_1057] {strides = array<i32>} : memref<128xi32, #tpu.memory_space<vmem>>, vector<16xi32>,
      %swap3A_1059 = arith.constant 112 : index
      %swap3A_1060 = tpu.vector_load %arg27[%swap3A_1059] {strides = array<i32>} : memref<128xi32, #tpu.memory_space<vmem>>, vector<16xi32>,
      tpu.vector_store %arg27[%swap3A_1059], %get3A_1058 {strides = array<i32>} : memref<128xi32, #tpu.memory_space<vmem>>, vector<16xi32>,
      %dma_start3A_1061 = arith.constant 0 : i32
      %dma_start3A_1062 = tpu.memref_slice %arg8[%dma_start3A_1061] : memref<101120000xf32, #tpu.memory_space<hbm>> -> memref<101120000xf32, #tpu.memory_space<hbm>>
      tpu.enqueue_indirect_dma source(%arg39 : memref<128xf32, #tpu.memory_space<vmem>>) target(%dma_start3A_1062 : memref<101120000xf32, #tpu.memory_space<hbm>>) offsets(%arg27 : memref<128xi32, #tpu.memory_space<vmem>>) semaphore(%arg51 : memref<!tpu.dma_semaphore, #tpu.memory_space<semaphore_mem>>)
      %lt3A_1063 = arith.constant 12 : i32
      %lt3A_1064 = arith.cmpi slt, %scan3A_243, %lt3A_1063 : i32
      %convert_element_type3A_1065 = arith.extui %lt3A_1064 : i1 to i32
      %cond3A_1066 = arith.constant 0 : i32
      %cond3A_1067 = arith.cmpi ne, %convert_element_type3A_1065, %cond3A_1066 : i32
      scf.if %cond3A_1067 {
        %add3A_1068 = arith.constant 6 : i32
        %add3A_1069 = arith.addi %add3A_933, %add3A_1068 : i32
        %mul3A_1070 = arith.constant 128 : i32
        %mul3A_1071 = arith.muli %add3A_1069, %mul3A_1070 : i32
        %add3A_1072 = arith.constant 0 : i32
        %add3A_1073 = arith.addi %mul3A_1071, %add3A_1072 : i32
        %get3A_1074 = arith.index_cast %add3A_1073 : i32 to index
        %get3A_1075 = tpu.vector_load %arg14[%get3A_1074] {strides = array<i32>} : memref<10000xi32, #tpu.memory_space<vmem>>, vector<16xi32>,
        %swap3A_1076 = arith.constant 0 : index
        %swap3A_1077 = tpu.vector_load %arg21[%swap3A_1076] {strides = array<i32>} : memref<128xi32, #tpu.memory_space<vmem>>, vector<16xi32>,
        tpu.vector_store %arg21[%swap3A_1076], %get3A_1075 {strides = array<i32>} : memref<128xi32, #tpu.memory_space<vmem>>, vector<16xi32>,
        %add3A_1078 = arith.constant 6 : i32
        %add3A_1079 = arith.addi %add3A_933, %add3A_1078 : i32
        %mul3A_1080 = arith.constant 128 : i32
        %mul3A_1081 = arith.muli %add3A_1079, %mul3A_1080 : i32
        %add3A_1082 = arith.constant 16 : i32
        %add3A_1083 = arith.addi %mul3A_1081, %add3A_1082 : i32
        %get3A_1084 = arith.index_cast %add3A_1083 : i32 to index
        %get3A_1085 = tpu.vector_load %arg14[%get3A_1084] {strides = array<i32>} : memref<10000xi32, #tpu.memory_space<vmem>>, vector<16xi32>,
        %swap3A_1086 = arith.constant 16 : index
        %swap3A_1087 = tpu.vector_load %arg21[%swap3A_1086] {strides = array<i32>} : memref<128xi32, #tpu.memory_space<vmem>>, vector<16xi32>,
        tpu.vector_store %arg21[%swap3A_1086], %get3A_1085 {strides = array<i32>} : memref<128xi32, #tpu.memory_space<vmem>>, vector<16xi32>,
        %add3A_1088 = arith.constant 6 : i32
        %add3A_1089 = arith.addi %add3A_933, %add3A_1088 : i32
        %mul3A_1090 = arith.constant 128 : i32
        %mul3A_1091 = arith.muli %add3A_1089, %mul3A_1090 : i32
        %add3A_1092 = arith.constant 32 : i32
        %add3A_1093 = arith.addi %mul3A_1091, %add3A_1092 : i32
        %get3A_1094 = arith.index_cast %add3A_1093 : i32 to index
        %get3A_1095 = tpu.vector_load %arg14[%get3A_1094] {strides = array<i32>} : memref<10000xi32, #tpu.memory_space<vmem>>, vector<16xi32>,
        %swap3A_1096 = arith.constant 32 : index
        %swap3A_1097 = tpu.vector_load %arg21[%swap3A_1096] {strides = array<i32>} : memref<128xi32, #tpu.memory_space<vmem>>, vector<16xi32>,
        tpu.vector_store %arg21[%swap3A_1096], %get3A_1095 {strides = array<i32>} : memref<128xi32, #tpu.memory_space<vmem>>, vector<16xi32>,
        %add3A_1098 = arith.constant 6 : i32
        %add3A_1099 = arith.addi %add3A_933, %add3A_1098 : i32
        %mul3A_1100 = arith.constant 128 : i32
        %mul3A_1101 = arith.muli %add3A_1099, %mul3A_1100 : i32
        %add3A_1102 = arith.constant 48 : i32
        %add3A_1103 = arith.addi %mul3A_1101, %add3A_1102 : i32
        %get3A_1104 = arith.index_cast %add3A_1103 : i32 to index
        %get3A_1105 = tpu.vector_load %arg14[%get3A_1104] {strides = array<i32>} : memref<10000xi32, #tpu.memory_space<vmem>>, vector<16xi32>,
        %swap3A_1106 = arith.constant 48 : index
        %swap3A_1107 = tpu.vector_load %arg21[%swap3A_1106] {strides = array<i32>} : memref<128xi32, #tpu.memory_space<vmem>>, vector<16xi32>,
        tpu.vector_store %arg21[%swap3A_1106], %get3A_1105 {strides = array<i32>} : memref<128xi32, #tpu.memory_space<vmem>>, vector<16xi32>,
        %add3A_1108 = arith.constant 6 : i32
        %add3A_1109 = arith.addi %add3A_933, %add3A_1108 : i32
        %mul3A_1110 = arith.constant 128 : i32
        %mul3A_1111 = arith.muli %add3A_1109, %mul3A_1110 : i32
        %add3A_1112 = arith.constant 64 : i32
        %add3A_1113 = arith.addi %mul3A_1111, %add3A_1112 : i32
        %get3A_1114 = arith.index_cast %add3A_1113 : i32 to index
        %get3A_1115 = tpu.vector_load %arg14[%get3A_1114] {strides = array<i32>} : memref<10000xi32, #tpu.memory_space<vmem>>, vector<16xi32>,
        %swap3A_1116 = arith.constant 64 : index
        %swap3A_1117 = tpu.vector_load %arg21[%swap3A_1116] {strides = array<i32>} : memref<128xi32, #tpu.memory_space<vmem>>, vector<16xi32>,
        tpu.vector_store %arg21[%swap3A_1116], %get3A_1115 {strides = array<i32>} : memref<128xi32, #tpu.memory_space<vmem>>, vector<16xi32>,
        %add3A_1118 = arith.constant 6 : i32
        %add3A_1119 = arith.addi %add3A_933, %add3A_1118 : i32
        %mul3A_1120 = arith.constant 128 : i32
        %mul3A_1121 = arith.muli %add3A_1119, %mul3A_1120 : i32
        %add3A_1122 = arith.constant 80 : i32
        %add3A_1123 = arith.addi %mul3A_1121, %add3A_1122 : i32
        %get3A_1124 = arith.index_cast %add3A_1123 : i32 to index
        %get3A_1125 = tpu.vector_load %arg14[%get3A_1124] {strides = array<i32>} : memref<10000xi32, #tpu.memory_space<vmem>>, vector<16xi32>,
        %swap3A_1126 = arith.constant 80 : index
        %swap3A_1127 = tpu.vector_load %arg21[%swap3A_1126] {strides = array<i32>} : memref<128xi32, #tpu.memory_space<vmem>>, vector<16xi32>,
        tpu.vector_store %arg21[%swap3A_1126], %get3A_1125 {strides = array<i32>} : memref<128xi32, #tpu.memory_space<vmem>>, vector<16xi32>,
        %add3A_1128 = arith.constant 6 : i32
        %add3A_1129 = arith.addi %add3A_933, %add3A_1128 : i32
        %mul3A_1130 = arith.constant 128 : i32
        %mul3A_1131 = arith.muli %add3A_1129, %mul3A_1130 : i32
        %add3A_1132 = arith.constant 96 : i32
        %add3A_1133 = arith.addi %mul3A_1131, %add3A_1132 : i32
        %get3A_1134 = arith.index_cast %add3A_1133 : i32 to index
        %get3A_1135 = tpu.vector_load %arg14[%get3A_1134] {strides = array<i32>} : memref<10000xi32, #tpu.memory_space<vmem>>, vector<16xi32>,
        %swap3A_1136 = arith.constant 96 : index
        %swap3A_1137 = tpu.vector_load %arg21[%swap3A_1136] {strides = array<i32>} : memref<128xi32, #tpu.memory_space<vmem>>, vector<16xi32>,
        tpu.vector_store %arg21[%swap3A_1136], %get3A_1135 {strides = array<i32>} : memref<128xi32, #tpu.memory_space<vmem>>, vector<16xi32>,
        %add3A_1138 = arith.constant 6 : i32
        %add3A_1139 = arith.addi %add3A_933, %add3A_1138 : i32
        %mul3A_1140 = arith.constant 128 : i32
        %mul3A_1141 = arith.muli %add3A_1139, %mul3A_1140 : i32
        %add3A_1142 = arith.constant 112 : i32
        %add3A_1143 = arith.addi %mul3A_1141, %add3A_1142 : i32
        %get3A_1144 = arith.index_cast %add3A_1143 : i32 to index
        %get3A_1145 = tpu.vector_load %arg14[%get3A_1144] {strides = array<i32>} : memref<10000xi32, #tpu.memory_space<vmem>>, vector<16xi32>,
        %swap3A_1146 = arith.constant 112 : index
        %swap3A_1147 = tpu.vector_load %arg21[%swap3A_1146] {strides = array<i32>} : memref<128xi32, #tpu.memory_space<vmem>>, vector<16xi32>,
        tpu.vector_store %arg21[%swap3A_1146], %get3A_1145 {strides = array<i32>} : memref<128xi32, #tpu.memory_space<vmem>>, vector<16xi32>,
        %dma_start3A_1148 = arith.constant 0 : i32
        %dma_start3A_1149 = tpu.memref_slice %arg8[%dma_start3A_1148] : memref<101120000xf32, #tpu.memory_space<hbm>> -> memref<101120000xf32, #tpu.memory_space<hbm>>
        tpu.enqueue_indirect_dma source(%dma_start3A_1149 : memref<101120000xf32, #tpu.memory_space<hbm>>) target(%arg33 : memref<128xf32, #tpu.memory_space<vmem>>) offsets(%arg21 : memref<128xi32, #tpu.memory_space<vmem>>) semaphore(%arg45 : memref<!tpu.dma_semaphore, #tpu.memory_space<semaphore_mem>>)
      } else {
      }
    }
    %scan3A_212 = arith.constant 13 : i32
    %dma_wait3A = arith.constant 0 : i32
    %dma_wait3A_213 = tpu.memref_slice %arg8[%dma_wait3A] : memref<101120000xf32, #tpu.memory_space<hbm>> -> memref<101120000xf32, #tpu.memory_space<hbm>>
    tpu.wait_indirect_dma semaphore(%arg46 : memref<!tpu.dma_semaphore, #tpu.memory_space<semaphore_mem>>) src(%arg34 : memref<128xf32, #tpu.memory_space<vmem>>) dst(%dma_wait3A_213 : memref<101120000xf32, #tpu.memory_space<hbm>>)
    %dma_wait3A_214 = arith.constant 0 : i32
    %dma_wait3A_215 = tpu.memref_slice %arg8[%dma_wait3A_214] : memref<101120000xf32, #tpu.memory_space<hbm>> -> memref<101120000xf32, #tpu.memory_space<hbm>>
    tpu.wait_indirect_dma semaphore(%arg47 : memref<!tpu.dma_semaphore, #tpu.memory_space<semaphore_mem>>) src(%arg35 : memref<128xf32, #tpu.memory_space<vmem>>) dst(%dma_wait3A_215 : memref<101120000xf32, #tpu.memory_space<hbm>>)
    %dma_wait3A_216 = arith.constant 0 : i32
    %dma_wait3A_217 = tpu.memref_slice %arg8[%dma_wait3A_216] : memref<101120000xf32, #tpu.memory_space<hbm>> -> memref<101120000xf32, #tpu.memory_space<hbm>>
    tpu.wait_indirect_dma semaphore(%arg48 : memref<!tpu.dma_semaphore, #tpu.memory_space<semaphore_mem>>) src(%arg36 : memref<128xf32, #tpu.memory_space<vmem>>) dst(%dma_wait3A_217 : memref<101120000xf32, #tpu.memory_space<hbm>>)
    %dma_wait3A_218 = arith.constant 0 : i32
    %dma_wait3A_219 = tpu.memref_slice %arg8[%dma_wait3A_218] : memref<101120000xf32, #tpu.memory_space<hbm>> -> memref<101120000xf32, #tpu.memory_space<hbm>>
    tpu.wait_indirect_dma semaphore(%arg49 : memref<!tpu.dma_semaphore, #tpu.memory_space<semaphore_mem>>) src(%arg37 : memref<128xf32, #tpu.memory_space<vmem>>) dst(%dma_wait3A_219 : memref<101120000xf32, #tpu.memory_space<hbm>>)
    %dma_wait3A_220 = arith.constant 0 : i32
    %dma_wait3A_221 = tpu.memref_slice %arg8[%dma_wait3A_220] : memref<101120000xf32, #tpu.memory_space<hbm>> -> memref<101120000xf32, #tpu.memory_space<hbm>>
    tpu.wait_indirect_dma semaphore(%arg50 : memref<!tpu.dma_semaphore, #tpu.memory_space<semaphore_mem>>) src(%arg38 : memref<128xf32, #tpu.memory_space<vmem>>) dst(%dma_wait3A_221 : memref<101120000xf32, #tpu.memory_space<hbm>>)
    %dma_wait3A_222 = arith.constant 0 : i32
    %dma_wait3A_223 = tpu.memref_slice %arg8[%dma_wait3A_222] : memref<101120000xf32, #tpu.memory_space<hbm>> -> memref<101120000xf32, #tpu.memory_space<hbm>>
    tpu.wait_indirect_dma semaphore(%arg51 : memref<!tpu.dma_semaphore, #tpu.memory_space<semaphore_mem>>) src(%arg39 : memref<128xf32, #tpu.memory_space<vmem>>) dst(%dma_wait3A_223 : memref<101120000xf32, #tpu.memory_space<hbm>>)
    %get3A_224 = arith.constant 9984 : index
    %get3A_225 = tpu.vector_load %arg14[%get3A_224] {strides = array<i32>} : memref<10000xi32, #tpu.memory_space<vmem>>, vector<16xi32>,
    %swap3A_226 = arith.constant 0 : index
    %swap3A_227 = tpu.vector_load %arg52[%swap3A_226] {strides = array<i32>} : memref<16xi32, #tpu.memory_space<vmem>>, vector<16xi32>,
    tpu.vector_store %arg52[%swap3A_226], %get3A_225 {strides = array<i32>} : memref<16xi32, #tpu.memory_space<vmem>>, vector<16xi32>,
    %dma_start3A_228 = arith.constant 0 : i32
    %dma_start3A_229 = tpu.memref_slice %arg8[%dma_start3A_228] : memref<101120000xf32, #tpu.memory_space<hbm>> -> memref<101120000xf32, #tpu.memory_space<hbm>>
    tpu.enqueue_indirect_dma source(%dma_start3A_229 : memref<101120000xf32, #tpu.memory_space<hbm>>) target(%arg53 : memref<16xf32, #tpu.memory_space<vmem>>) offsets(%arg52 : memref<16xi32, #tpu.memory_space<vmem>>) semaphore(%arg40 : memref<!tpu.dma_semaphore, #tpu.memory_space<semaphore_mem>>)
    %dma_wait3A_230 = arith.constant 0 : i32
    %dma_wait3A_231 = tpu.memref_slice %arg8[%dma_wait3A_230] : memref<101120000xf32, #tpu.memory_space<hbm>> -> memref<101120000xf32, #tpu.memory_space<hbm>>
    tpu.wait_indirect_dma semaphore(%arg40 : memref<!tpu.dma_semaphore, #tpu.memory_space<semaphore_mem>>) src(%dma_wait3A_231 : memref<101120000xf32, #tpu.memory_space<hbm>>) dst(%arg53 : memref<16xf32, #tpu.memory_space<vmem>>)
    %get3A_232 = arith.constant 0 : index
    %get3A_233 = tpu.vector_load %arg53[%get3A_232] {strides = array<i32>} : memref<16xf32, #tpu.memory_space<vmem>>, vector<16xf32>,
    %get3A_234 = arith.constant 9984 : index
    %get3A_235 = tpu.vector_load %arg15[%get3A_234] {strides = array<i32>} : memref<10000xf32, #tpu.memory_space<vmem>>, vector<16xf32>,
    %add3A_236 = arith.addf %get3A_233, %get3A_235 : vector<16xf32>
    %swap3A_237 = arith.constant 0 : index
    %swap3A_238 = tpu.vector_load %arg53[%swap3A_237] {strides = array<i32>} : memref<16xf32, #tpu.memory_space<vmem>>, vector<16xf32>,
    tpu.vector_store %arg53[%swap3A_237], %add3A_236 {strides = array<i32>} : memref<16xf32, #tpu.memory_space<vmem>>, vector<16xf32>,
    %dma_start3A_239 = arith.constant 0 : i32
    %dma_start3A_240 = tpu.memref_slice %arg8[%dma_start3A_239] : memref<101120000xf32, #tpu.memory_space<hbm>> -> memref<101120000xf32, #tpu.memory_space<hbm>>
    tpu.enqueue_indirect_dma source(%arg53 : memref<16xf32, #tpu.memory_space<vmem>>) target(%dma_start3A_240 : memref<101120000xf32, #tpu.memory_space<hbm>>) offsets(%arg52 : memref<16xi32, #tpu.memory_space<vmem>>) semaphore(%arg40 : memref<!tpu.dma_semaphore, #tpu.memory_space<semaphore_mem>>)
    %dma_wait3A_241 = arith.constant 0 : i32
    %dma_wait3A_242 = tpu.memref_slice %arg8[%dma_wait3A_241] : memref<101120000xf32, #tpu.memory_space<hbm>> -> memref<101120000xf32, #tpu.memory_space<hbm>>
    tpu.wait_indirect_dma semaphore(%arg40 : memref<!tpu.dma_semaphore, #tpu.memory_space<semaphore_mem>>) src(%arg53 : memref<16xf32, #tpu.memory_space<vmem>>) dst(%dma_wait3A_242 : memref<101120000xf32, #tpu.memory_space<hbm>>)
    return
  }
}

module attributes {stable_mosaic.version = 14 : i64} {
  func.func @_big_body(%arg0: i32, %arg1: memref<200x10000xf32, #tpu.memory_space<vmem>>, %arg2: memref<10000x128xbf16, #tpu.memory_space<vmem>>, %arg3: memref<8x128xf32, #tpu.memory_space<vmem>>, %arg4: memref<8x128xf32, #tpu.memory_space<vmem>>, %arg5: memref<2022400xf32, #tpu.memory_space<vmem>>, %arg6: memref<1x1x200xf32, #tpu.memory_space<vmem>>) attributes {dimension_semantics = [#tpu.dimension_semantics<arbitrary>], iteration_bounds = array<i64: 50>, scalar_prefetch = 0 : i64, scratch_operands = 0 : i64, tpu.core_type = #tpu.core_type<tc>, window_params = [{transform_indices = @transform_0, window_bounds = array<i64: 200, 10000>}, {pipeline_mode = #tpu.pipeline_mode<synchronous>, transform_indices = @transform_1, window_bounds = array<i64: 10000, 128>}, {pipeline_mode = #tpu.pipeline_mode<synchronous>, transform_indices = @transform_2, window_bounds = array<i64: 8, 128>}, {pipeline_mode = #tpu.pipeline_mode<synchronous>, transform_indices = @transform_3, window_bounds = array<i64: 8, 128>}, {transform_indices = @transform_4, window_bounds = array<i64: 2022400>}, {transform_indices = @transform_5, window_bounds = array<i64: 1, 1, 200>}]} {
    %get3A = arith.constant 0 : index
    %get3A_0 = arith.constant 0 : index
    %get3A_1 = vector.load %arg1[%get3A, %get3A_0] : memref<200x10000xf32, #tpu.memory_space<vmem>>, vector<200x10000xf32>
    %broadcast_in_dim3A = arith.constant 0.000000e+00 : f32
    %broadcast_in_dim3A_2 = vector.broadcast %broadcast_in_dim3A : f32 to vector<200x112xf32>
    %concatenate3A = tpu.concatenate %get3A_1, %broadcast_in_dim3A_2 in 1 : vector<200x10000xf32>, vector<200x112xf32> -> vector<200x10112xf32>
    %reshape3A = vector.shape_cast %concatenate3A : vector<200x10112xf32> to vector<25x8x79x128xf32>
    %transpose3A = tpu.transpose %reshape3A, [0, 2, 1, 3] : vector<25x8x79x128xf32> -> vector<25x79x8x128xf32>
    %reshape3A_3 = vector.shape_cast %transpose3A : vector<25x79x8x128xf32> to vector<2022400xf32>
    %swap3A = arith.constant 0 : index
    %swap3A_4 = vector.load %arg5[%swap3A] : memref<2022400xf32, #tpu.memory_space<vmem>>, vector<2022400xf32>
    tpu.vector_store %arg5[%swap3A], %reshape3A_3 {strides = array<i32>} : memref<2022400xf32, #tpu.memory_space<vmem>>, vector<2022400xf32>,
    %convert_element_type3A = arith.truncf %get3A_1 : vector<200x10000xf32> to vector<200x10000xbf16>
    %get3A_5 = arith.constant 0 : index
    %get3A_6 = arith.constant 0 : index
    %get3A_7 = vector.load %arg2[%get3A_5, %get3A_6] : memref<10000x128xbf16, #tpu.memory_space<vmem>>, vector<10000x128xbf16>
    %dot_general3A = arith.constant dense<0.000000e+00> : vector<200x128xf32>
    %dot_general3A_8 = tpu.matmul %convert_element_type3A, %get3A_7, %dot_general3A {dimension_numbers = #tpu.dot_dimension_numbers<[1], [0], [0], [1], [0, 0, 1, 1], [], []>, transpose_lhs_hint = false} : vector<200x10000xbf16>, vector<10000x128xbf16>, vector<200x128xf32> -> vector<200x128xf32>
    %get3A_9 = arith.constant 0 : index
    %get3A_10 = arith.constant 0 : index
    %get3A_11 = vector.load %arg4[%get3A_9, %get3A_10] : memref<8x128xf32, #tpu.memory_space<vmem>>, vector<1x128xf32>
    %add3A = vector.broadcast %get3A_11 : vector<1x128xf32> to vector<200x128xf32>
    %add3A_12 = arith.addf %dot_general3A_8, %add3A : vector<200x128xf32>
    %max3A = arith.constant 0.000000e+00 : f32
    %max3A_13 = vector.broadcast %max3A : f32 to vector<200x128xf32>
    %max3A_14 = arith.maximumf %add3A_12, %max3A_13 : vector<200x128xf32>
    %get3A_15 = arith.constant 0 : index
    %get3A_16 = arith.constant 0 : index
    %get3A_17 = vector.load %arg3[%get3A_15, %get3A_16] : memref<8x128xf32, #tpu.memory_space<vmem>>, vector<1x128xf32>
    %mul3A = vector.broadcast %get3A_17 : vector<1x128xf32> to vector<200x128xf32>
    %mul3A_18 = arith.mulf %max3A_14, %mul3A : vector<200x128xf32>
    %reduce_sum3A = arith.constant dense<0.000000e+00> : vector<200xf32>
    %reduce_sum3A_19 = vector.multi_reduction <add>, %mul3A_18, %reduce_sum3A [1] : vector<200x128xf32> to vector<200xf32>
    %swap3A_20 = arith.constant 0 : index
    %swap3A_21 = arith.constant 0 : index
    %swap3A_22 = arith.constant 0 : index
    %swap3A_23 = vector.load %arg6[%swap3A_20, %swap3A_21, %swap3A_22] : memref<1x1x200xf32, #tpu.memory_space<vmem>>, vector<1x1x200xf32>
    %swap3A_24 = vector.shape_cast %swap3A_23 : vector<1x1x200xf32> to vector<200xf32>
    %swap3A_25 = vector.shape_cast %reduce_sum3A_19 : vector<200xf32> to vector<1x1x200xf32>
    tpu.vector_store %arg6[%swap3A_20, %swap3A_21, %swap3A_22], %swap3A_25 {strides = array<i32>} : memref<1x1x200xf32, #tpu.memory_space<vmem>>, vector<1x1x200xf32>,
    return
  }
  func.func @transform_0(%arg0: i32) -> (i32, i32) {
    %c0_i32 = arith.constant 0 : i32
    %c0_i32_0 = arith.constant 0 : i32
    return %arg0, %c0_i32 : i32, i32
  }
  func.func @transform_1(%arg0: i32) -> (i32, i32) {
    %c0_i32 = arith.constant 0 : i32
    %c0_i32_0 = arith.constant 0 : i32
    %c0_i32_1 = arith.constant 0 : i32
    return %c0_i32, %c0_i32_0 : i32, i32
  }
  func.func @transform_2(%arg0: i32) -> (i32, i32) {
    %c0_i32 = arith.constant 0 : i32
    %c0_i32_0 = arith.constant 0 : i32
    %c0_i32_1 = arith.constant 0 : i32
    return %c0_i32, %c0_i32_0 : i32, i32
  }
  func.func @transform_3(%arg0: i32) -> (i32, i32) {
    %c0_i32 = arith.constant 0 : i32
    %c0_i32_0 = arith.constant 0 : i32
    %c0_i32_1 = arith.constant 0 : i32
    return %c0_i32, %c0_i32_0 : i32, i32
  }
  func.func @transform_4(%arg0: i32) -> i32 {
    %c0_i32 = arith.constant 0 : i32
    return %arg0 : i32
  }
  func.func @transform_5(%arg0: i32) -> (i32, i32, i32) {
    %c0_i32 = arith.constant 0 : i32
    %c0_i32_0 = arith.constant 0 : i32
    %c0_i32_1 = arith.constant 0 : i32
    return %arg0, %c0_i32, %c0_i32_0 : i32, i32, i32
  }
}

module attributes {stable_mosaic.version = 14 : i64} {
  func.func @_fc_body(%arg0: memref<10000x128xf32, #tpu.memory_space<vmem>>, %arg1: memref<128x128xf32, #tpu.memory_space<vmem>>, %arg2: memref<10000x128xbf16, #tpu.memory_space<vmem>>) attributes {dimension_semantics = [], scalar_prefetch = 0 : i64, scratch_operands = 0 : i64, tpu.core_type = #tpu.core_type<tc>} {
    %get3A = arith.constant 0 : index
    %get3A_0 = arith.constant 0 : index
    %get3A_1 = vector.load %arg0[%get3A, %get3A_0] : memref<10000x128xf32, #tpu.memory_space<vmem>>, vector<10000x128xf32>
    %get3A_2 = arith.constant 0 : index
    %get3A_3 = arith.constant 0 : index
    %get3A_4 = vector.load %arg1[%get3A_2, %get3A_3] : memref<128x128xf32, #tpu.memory_space<vmem>>, vector<128x128xf32>
    %dot_general3A = arith.constant dense<0.000000e+00> : vector<10000x128xf32>
    %dot_general3A_5 = tpu.matmul %get3A_1, %get3A_4, %dot_general3A {dimension_numbers = #tpu.dot_dimension_numbers<[1], [1], [0], [0], [0, 0, 1, 0], [], []>, transpose_lhs_hint = false} : vector<10000x128xf32>, vector<128x128xf32>, vector<10000x128xf32> -> vector<10000x128xf32>
    %convert_element_type3A = arith.truncf %dot_general3A_5 : vector<10000x128xf32> to vector<10000x128xbf16>
    %swap3A = arith.constant 0 : index
    %swap3A_6 = arith.constant 0 : index
    %swap3A_7 = vector.load %arg2[%swap3A, %swap3A_6] : memref<10000x128xbf16, #tpu.memory_space<vmem>>, vector<10000x128xbf16>
    tpu.vector_store %arg2[%swap3A, %swap3A_6], %convert_element_type3A {strides = array<i32>} : memref<10000x128xbf16, #tpu.memory_space<vmem>>, vector<10000x128xbf16>,
    return
  }
}

module attributes {stable_mosaic.version = 14 : i64} {
  func.func @_stat_comb_body(%arg0: memref<32x10000xf32, #tpu.memory_space<vmem>>, %arg1: memref<32x10000xf32, #tpu.memory_space<vmem>>, %arg2: memref<8x10000xf32, #tpu.memory_space<vmem>>, %arg3: memref<8x10000xf32, #tpu.memory_space<vmem>>) attributes {dimension_semantics = [], scalar_prefetch = 0 : i64, scratch_operands = 0 : i64, tpu.core_type = #tpu.core_type<tc>} {
    %get3A = arith.constant 0 : index
    %get3A_0 = arith.constant 0 : index
    %get3A_1 = vector.load %arg0[%get3A, %get3A_0] : memref<32x10000xf32, #tpu.memory_space<vmem>>, vector<32x10000xf32>
    %get3A_2 = arith.constant 0 : index
    %get3A_3 = arith.constant 0 : index
    %get3A_4 = vector.load %arg1[%get3A_2, %get3A_3] : memref<32x10000xf32, #tpu.memory_space<vmem>>, vector<32x10000xf32>
    %reduce_max3A = arith.constant dense<0xFF800000> : vector<10000xf32>
    %reduce_max3A_5 = vector.multi_reduction <maximumf>, %get3A_1, %reduce_max3A [0] : vector<32x10000xf32> to vector<10000xf32>
    %broadcast_in_dim3A = vector.shape_cast %reduce_max3A_5 : vector<10000xf32> to vector<1x10000xf32>
    %sub3A = vector.broadcast %broadcast_in_dim3A : vector<1x10000xf32> to vector<32x10000xf32>
    %sub3A_6 = arith.subf %get3A_1, %sub3A : vector<32x10000xf32>
    %exp3A = math.exp %sub3A_6 : vector<32x10000xf32>
    %mul3A = arith.mulf %get3A_4, %exp3A : vector<32x10000xf32>
    %reduce_sum3A = arith.constant dense<0.000000e+00> : vector<10000xf32>
    %reduce_sum3A_7 = vector.multi_reduction <add>, %mul3A, %reduce_sum3A [0] : vector<32x10000xf32> to vector<10000xf32>
    %broadcast_in_dim3A_8 = vector.shape_cast %reduce_sum3A_7 : vector<10000xf32> to vector<1x10000xf32>
    %broadcast_in_dim3A_9 = vector.shape_cast %broadcast_in_dim3A : vector<1x10000xf32> to vector<1x10000xf32>
    %broadcast_in_dim3A_10 = vector.broadcast %broadcast_in_dim3A_9 : vector<1x10000xf32> to vector<8x10000xf32>
    %swap3A = arith.constant 0 : index
    %swap3A_11 = arith.constant 0 : index
    %swap3A_12 = vector.load %arg2[%swap3A, %swap3A_11] : memref<8x10000xf32, #tpu.memory_space<vmem>>, vector<8x10000xf32>
    tpu.vector_store %arg2[%swap3A, %swap3A_11], %broadcast_in_dim3A_10 {strides = array<i32>} : memref<8x10000xf32, #tpu.memory_space<vmem>>, vector<8x10000xf32>,
    %div3A = arith.constant 5.000000e-01 : f32
    %div3A_13 = vector.broadcast %div3A : f32 to vector<1x10000xf32>
    %div3A_14 = arith.divf %div3A_13, %broadcast_in_dim3A_8 : vector<1x10000xf32>
    %broadcast_in_dim3A_15 = vector.shape_cast %div3A_14 : vector<1x10000xf32> to vector<1x10000xf32>
    %broadcast_in_dim3A_16 = vector.broadcast %broadcast_in_dim3A_15 : vector<1x10000xf32> to vector<8x10000xf32>
    %swap3A_17 = arith.constant 0 : index
    %swap3A_18 = arith.constant 0 : index
    %swap3A_19 = vector.load %arg3[%swap3A_17, %swap3A_18] : memref<8x10000xf32, #tpu.memory_space<vmem>>, vector<8x10000xf32>
    tpu.vector_store %arg3[%swap3A_17, %swap3A_18], %broadcast_in_dim3A_16 {strides = array<i32>} : memref<8x10000xf32, #tpu.memory_space<vmem>>, vector<8x10000xf32>,
    return
  }
}

module attributes {stable_mosaic.version = 14 : i64} {
  func.func @_unflatten_body(%arg0: i32, %arg1: memref<2022400xf32, #tpu.memory_space<vmem>>, %arg2: memref<200x10000xf32, #tpu.memory_space<vmem>>) attributes {dimension_semantics = [#tpu.dimension_semantics<arbitrary>], iteration_bounds = array<i64: 50>, scalar_prefetch = 0 : i64, scratch_operands = 0 : i64, tpu.core_type = #tpu.core_type<tc>, window_params = [{transform_indices = @transform_0, window_bounds = array<i64: 2022400>}, {transform_indices = @transform_1, window_bounds = array<i64: 200, 10000>}]} {
    %get3A = arith.constant 0 : index
    %get3A_0 = vector.load %arg1[%get3A] : memref<2022400xf32, #tpu.memory_space<vmem>>, vector<2022400xf32>
    %reshape3A = vector.shape_cast %get3A_0 : vector<2022400xf32> to vector<25x79x8x128xf32>
    %transpose3A = tpu.transpose %reshape3A, [0, 2, 1, 3] : vector<25x79x8x128xf32> -> vector<25x8x79x128xf32>
    %reshape3A_1 = vector.shape_cast %transpose3A : vector<25x8x79x128xf32> to vector<200x10112xf32>
    %slice3A = vector.extract_strided_slice %reshape3A_1 {offsets = [0, 0], sizes = [200, 10000], strides = [1, 1]} : vector<200x10112xf32> to vector<200x10000xf32>
    %swap3A = arith.constant 0 : index
    %swap3A_2 = arith.constant 0 : index
    %swap3A_3 = vector.load %arg2[%swap3A, %swap3A_2] : memref<200x10000xf32, #tpu.memory_space<vmem>>, vector<200x10000xf32>
    tpu.vector_store %arg2[%swap3A, %swap3A_2], %slice3A {strides = array<i32>} : memref<200x10000xf32, #tpu.memory_space<vmem>>, vector<200x10000xf32>,
    return
  }
  func.func @transform_0(%arg0: i32) -> i32 {
    %c0_i32 = arith.constant 0 : i32
    return %arg0 : i32
  }
  func.func @transform_1(%arg0: i32) -> (i32, i32) {
    %c0_i32 = arith.constant 0 : i32
    %c0_i32_0 = arith.constant 0 : i32
    return %arg0, %c0_i32 : i32, i32
  }
}

</mosaic_0001>

<sc_bundles>
// kernel: kernel.7.cloned.1.call-start
scs
__scs_entry_jumppad:
0x0: {  	(pc) =	sbr.rel $0x88, $3  }
0x1: {  	(tag) =	ssettag $0x0;
	lr =	simm.s32 $0x1  }
0x2: {  	[smem:$0x3F9B] =	sst lr;
	_ =	strace $0xD0000000  }
0x3: {  	_ = 	snop  }
0x4: {  	_ = 	snop  }
0x5: {  	_ = 	snop  }
0x6: {  	_ = 	snop  }
0x7: {  	_ = 	snop  }
__scs_overlays_trampoline_lowered:
0x8: {  	[smem:$0x3FAA] =	sst s0  }
0x9: {  	[smem:$0x3FAB] =	sst s1  }
0xa: {  	[smem:$0x3FAC] =	sst s2  }
0xb: {  	[smem:$0x3FAD] =	sst s3  }
0xc: {  	[smem:$0x3FAE] =	sst s4  }
0xd: {  	[smem:$0x3FAF] =	sst s5  }
0xe: {  	[smem:$0x3FB0] =	sst s6  }
0xf: {  	[smem:$0x3FB1] =	sst s7  }
0x10: {  	[smem:$0x3FB2] =	sst s8  }
0x11: {  	[smem:$0x3FB3] =	sst s9;
	s0 =	simm.s32 @!p0 $0x0  }
0x12: {  	s1 =	sld [smem:$0x3F99];
	s0 =	simm.s32 @p0 $0x1  }
0x13: {  	[smem:$0x3FB4] =	sst s0;
	s0 =	simm.s32 @!p1 $0x0  }
0x14: {  	s2 =	sld [smem:$0x3F98];
	s0 =	simm.s32 @p1 $0x1  }
0x15: {  	[smem:$0x3FB5] =	sst s0;
	s0 =	simm.s32 @!p2 $0x0  }
0x16: {  	s3 =	sld [smem:$0x3FDB];
	s0 =	simm.s32 @p2 $0x1  }
0x17: {  	s4 =	simm.s32 $0x1BF5;
	[smem:$0x3FB7] =	sst s0  }
0x18: {  	s0 =	sld [smem:$0x3F9A];
	_ =	swait.ge [sflag:s4], $0x0  }
0x19: {  	s7 =	sld [smem:$0x3F9B]  }
0x1a: {  	s8 =	sadd.s32 $0xFFFFE003, lr  }
0x1b: {  	s9 =	sadd.s32 $0xFFFFFEF7, lr;
	s5 =	simm.s32 $0xFFFFFFFF;
	p2 =	slt.u32 s8, $0xFFFFF086  }
0x1c: {  	p1 =	slt.u32 s9, $0xF7A;
	s5 =	simm.s32 @!p2 $0x0  }
0x1d: {  	s5 =	simm.s32 @p1 $0x1;
	p0 =	seq.s32 s7, s2  }
0x1e: {  	s7 =	smul.u32 @!p0 $0xF7A, s2;
	p2 =	seq.s32 @!p0 s5, $0x0  }
0x1f: {  	s9 =	smul.u32 $0xF7A, s1;
	s8 =	simm.s32 @!p0 $0x1BF5;
	p2 =	por !p2, p0  }
0x20: {  	[sflag:s8] =	ssyncset.s32 @!p0 $0xFFFFF086;
	s6 =	sadd.s32 @!p0 s3, s7;
	s7 =	simm.s32 @!p0 $0x108  }
0x21: {  	s3 =	sadd.s32 s3, s9;
	s6 =	sadd.s32 @!p0 $0x88, s6;
	s7 =	simm.s32 @p2 $0x1082  }
0x22: {  	[simem:s7], [sflag:s8] =	dma.local @!p0 [hbm:s6], $0xF7A  }
0x23: {  	s9 =	sor.u32 $0xD0000000, s2;
	s6 =	simm.s32 $0x108;
	_ =	swait.ge @!p0 [sflag:s8], $0x0  }
0x24: {  	s3 =	sadd.s32 $0x88, s3;
	s6 =	simm.s32 @!p1 $0x1082;
	[sflag:s4] =	ssyncset.s32 $0xFFFFF086  }
0x25: {  	[simem:s6], [sflag:s4] =	dma.local [hbm:s3], $0xF7A  }
0x26: {  	[smem:$0x3F9B] =	sst s1;
	(tag) =	ssettag s2;
	_ =	strace s9  }
0x27: {  	s1 =	sld [smem:$0x3FAB]  }
0x28: {  	s2 =	sld [smem:$0x3FAC]  }
0x29: {  	s4 =	sld [smem:$0x3FAE]  }
0x2a: {  	p0 =	seq.s32 s5, $0x0;
	s5 =	sld [smem:$0x3FAF]  }
0x2b: {  	s6 =	sld [smem:$0x3FB0]  }
0x2c: {  	s7 =	sld [smem:$0x3FB1]  }
0x2d: {  	s3 =	simm.s32 $0x108;
	s8 =	sld [smem:$0x3FB2]  }
0x2e: {  	s3 =	simm.s32 @!p0 $0x1082;
	s9 =	sld [smem:$0x3FB3]  }
0x2f: {  	lr =	sadd.s32 s0, s3;
	s0 =	sld [smem:$0x3FAA]  }
0x30: {  	s3 =	sld [smem:$0x3FAD]  }
0x31: {  	[smem:$0x3FB6] =	sst s10  }
0x32: {  	s10 =	sld [smem:$0x3FB4];
	_ =	sdelay $0x3  }
0x33: {  	p0 =	seq.s32 s10, $0x1;
	s10 =	sld [smem:$0x3FB6];
	_ =	sdelay $0x3  }
0x34: {  	[smem:$0x3FB6] =	sst s10  }
0x35: {  	s10 =	sld [smem:$0x3FB5];
	_ =	sdelay $0x3  }
0x36: {  	p1 =	seq.s32 s10, $0x1;
	s10 =	sld [smem:$0x3FB6];
	_ =	sdelay $0x3  }
0x37: {  	[smem:$0x3FB6] =	sst s10  }
0x38: {  	s10 =	sld [smem:$0x3FB7]  }
0x39: {  	_ = 	snop;
	(pc) =	sbr.ind lr, $3  }
0x3a: {  	_ = 	snop  }
0x3b: {  	_ = 	snop  }
0x3c: {  	p2 =	seq.s32 s10, $0x1;
	s10 =	sld [smem:$0x3FB6]  }
0x3d: {  	_ =	shalt  }
0x3e: {  	_ =	shalt  }
0x3f: {  	_ =	shalt  }
0x40: {  	_ =	shalt  }
0x41: {  	_ =	shalt  }
0x42: {  	_ =	shalt  }
0x43: {  	_ =	shalt  }
0x44: {  	_ =	shalt  }
0x45: {  	_ =	shalt  }
0x46: {  	_ =	shalt  }
0x47: {  	_ =	shalt  }
0x48: {  	_ =	shalt  }
0x49: {  	_ =	shalt  }
0x4a: {  	_ =	shalt  }
0x4b: {  	_ =	shalt  }
0x4c: {  	_ =	shalt  }
0x4d: {  	_ =	shalt  }
0x4e: {  	_ =	shalt  }
0x4f: {  	_ =	shalt  }
0x50: {  	_ =	shalt  }
0x51: {  	_ =	shalt  }
0x52: {  	_ =	shalt  }
0x53: {  	_ =	shalt  }
0x54: {  	_ =	shalt  }
0x55: {  	_ =	shalt  }
0x56: {  	_ =	shalt  }
0x57: {  	_ =	shalt  }
0x58: {  	_ =	shalt  }
0x59: {  	_ =	shalt  }
0x5a: {  	_ =	shalt  }
0x5b: {  	_ =	shalt  }
0x5c: {  	_ =	shalt  }
0x5d: {  	_ =	shalt  }
0x5e: {  	_ =	shalt  }
0x5f: {  	_ =	shalt  }
0x60: {  	_ =	shalt  }
0x61: {  	_ =	shalt  }
0x62: {  	_ =	shalt  }
0x63: {  	_ =	shalt  }
0x64: {  	_ =	shalt  }
0x65: {  	_ =	shalt  }
0x66: {  	_ =	shalt  }
0x67: {  	_ =	shalt  }
0x68: {  	_ =	shalt  }
0x69: {  	_ =	shalt  }
0x6a: {  	_ =	shalt  }
0x6b: {  	_ =	shalt  }
0x6c: {  	_ =	shalt  }
0x6d: {  	_ =	shalt  }
0x6e: {  	_ =	shalt  }
0x6f: {  	_ =	shalt  }
0x70: {  	_ =	shalt  }
0x71: {  	_ =	shalt  }
0x72: {  	_ =	shalt  }
0x73: {  	_ =	shalt  }
0x74: {  	_ =	shalt  }
0x75: {  	_ =	shalt  }
0x76: {  	_ =	shalt  }
0x77: {  	_ =	shalt  }
0x78: {  	_ =	shalt  }
0x79: {  	_ =	shalt  }
0x7a: {  	_ =	shalt  }
0x7b: {  	_ =	shalt  }
0x7c: {  	_ =	shalt  }
0x7d: {  	_ =	shalt  }
0x7e: {  	_ =	shalt  }
0x7f: {  	_ =	shalt  }
0x80: {  	_ =	shalt  }
0x81: {  	_ =	shalt  }
0x82: {  	_ =	shalt  }
0x83: {  	_ =	shalt  }
0x84: {  	_ =	shalt  }
0x85: {  	_ =	shalt  }
0x86: {  	_ =	shalt  }
0x87: {  	_ =	shalt  }
.Lfunc_end0:
.L_simem_size_0:
called_computation_lowered:
.L_overlay_start_0:
0x88: {  	s2 =	sld [smem:$0x3FD9]  }
0x89: {  	s3 =	sld [smem:$0x3FFE];
	_ =	sdelay $0x1  }
0x8a: {  	s1 =	srdreg.scid  }
0x8b: {  	s0 =	sand.u32 $0x1, s1  }
0x8c: {  	s17 =	sshll.u32 s0, $0xA;
	s2 =	sadd.s32 s3, s2  }
0x8d: {  	s2 =	sadd.s32 s2, s17  }
0x8e: {  	[smem:$0x3FC2] =	sst s2  }
0x8f: {  	_ = 	snop  }
0x90: {  	s2 =	sld [smem:$0x3FD0];
	(tm) =	ssettm $0x1  }
0x91: {  	s18 =	sld [smem:$0x3FFB];
	_ =	sdelay $0x3  }
0x92: {  	_ =	strace s18  }
0x93: {  	s3 =	sld [smem:$0x3FFC];
	_ =	sdelay $0x3  }
0x94: {  	_ =	strace s3  }
0x95: {  	s3 =	sld [smem:$0x3FFD];
	_ =	sdelay $0x3  }
0x96: {  	_ =	strace s3  }
0x97: {  	_ =	strace $0x8FFFFFFF  }
0x98: {  	s19 =	sld [smem:$0x3FDB];
	_ =	sdelay $0x1  }
0x99: {  	s4 =	simm.s32 $_scs_section_size  }
0x9a: {  	s5 =	simm.s32 $_size__tile_overlayer_lowered;
	s6 =	simm.s32 $_tile_overlayer_lowered  }
0x9b: {  	s22 =	simm.s32 $0x1BFF;
	s21 =	sshll.u32 s6, $0x1;
	s3 =	sadd.s32 s4, s19  }
0x9c: {  	s7 =	simm.s32 $0x0;
	s20 =	sshll.u32 s5, $0x1;
	s5 =	sadd.s32 s21, s3  }
0x9d: {  	[timem:s7], [sflag:s22] =	dma.local [hbm:s5], s20  }
0x9e: {  	_ =	swait.ge [sflag:s22], s20  }
0x9f: {  	s4 =	ssub.s32 $0x0, s20;
	[sflag:s22] =	ssyncset.done $0x0  }
0xa0: {  	[sflag:s22] =	ssyncadd.s32 s4;
	_ =	sdelay $0x1  }
0xa1: {  	s23 =	simm.s32 $0x1B8B  }
0xa2: {  	_ =	swait.ge [sflag:s23], $0x1  }
0xa3: {  	[sflag:s23] =	ssyncset.done $0x0  }
0xa4: {  	s25 =	simm.s32 $0x1B8E;
	s24 =	sld [smem:$0x3FFE];
	[sflag:s23] =	ssyncadd.s32 $0xFFFFFFFF  }
0xa5: {  	s26 =	simm.s32 $execute0_lowered;
	[smem:$0x3FD2] =	sst s25  }
0xa6: {  	s5 =	sshll.u32 s26, $0x1;
	_ =	strace $0x80000046;
	[dreg:$0x1] =	wrdreg $0xFFFFFFFF  }
0xa7: {  	s28 =	simm.s32 $_size_execute0_lowered;
	s3 =	sadd.s32 s3, s5;
	[dreg:$0x0] =	wrdreg $0x0  }
0xa8: {  	s5 =	sshll.u32 s28, $0x1;
	[dreg:$0x2] =	wrdreg s3  }
0xa9: {  	[dreg:$0x3] =	wrdreg s5  }
0xaa: {  	[dreg:$0x4] =	wrdreg $0xC0  }
0xab: {  	_ =	task [dreg:s7], $0x5FFFF  }
0xac: {  	[dreg:$0x1] =	wrdreg $0xFFFFFFFF  }
0xad: {  	[dreg:$0x0] =	wrdreg $0x60  }
0xae: {  	[dreg:$0x2] =	wrdreg s24  }
0xaf: {  	[dreg:$0x3] =	wrdreg s2  }
0xb0: {  	[dreg:$0x4] =	wrdreg $0x9  }
0xb1: {  	_ =	task.clear_ibuf [dreg:s7], $0x5FFFF;
	_ =	strace $0x90000046  }
0xb2: {  	s29 =	simm.s32 $0x9;
	_ =	strace $0x80000048  }
0xb3: {  	_ =	swait.ge [sflag:s29], $0x1  }
0xb4: {  	[sflag:s29] =	ssyncadd.s32 $0xFFFFFFFF  }
0xb5: {  	_ =	strace $0x90000048  }
0xb6: {  	_ =	sfence  }
0xb7: {  	s30 =	sld [smem:$0x0];
	_ =	sdelay $0x2  }
0xb8: {  	s31 =	sshll.u32 s1, $0xD;
	s1 =	sshrl.u32 s1, $0x2  }
0xb9: {  	s3 =	sand.u32 $0x4000, s31;
	s1 =	sadd.s32 s1, s30  }
0xba: {  	s0 =	sor.u32 s3, s0;
	s1 =	sshll.u32 s1, $0x11  }
0xbb: {  	s0 =	sor.u32 s1, s0  }
0xbc: {  	s0 =	sadd.s32 $0x8F2B, s0  }
0xbd: {  	[sflag:s0] =	ssyncadd.remote.s32 $0x1  }
0xbe: {  	_ =	sfence.sel $0xFFFF  }
0xbf: {  	[dreg:$0x0] =	wrdreg $0xFFFFFFFF;
	(pc) =	sbr.abs _section_cstart, $3  }
0xc0: {  	[dreg:$0x1] =	wrdreg $0xFFFFFFFF  }
0xc1: {  	_ =	task.clear_ibuf [dreg:s7], $0x2FFFF;
	_ =	strace $0x9FFFFFFF  }
0xc2: {  	(tm) =	ssettm $0x7FFFFFFF  }
0xc3: {  	_ =	shalt  }
tec
execute0_lowered:
.L_overlay_start_1:
0x0: {  	(tag) =	ssettag $0x1  }
0x1: {  	v0 =	vimm.s32 $0xEDCBA987  }
0x2: {  	v1 =	vimm.s32 $0x65432100;
	v3 =	vimm.s32 $0x54321000;
	v4 =	vimm.s32 $0xDCBA9876  }
0x3: {  	v5 =	vimm.s32 $0xBA987654;
	v6 =	vimm.s32 $0xE40000;
	v7 =	vimm.s32 $0x32100000  }
0x4: {  	v8 =	vimm.s32 $0x7060504;
	vm0 =	vcmask $0x3F30;
	v0 =	vunpack.c.l.s4.s8 v0  }
0x5: {  	s4 =	rddreg [dreg:$0x0];
	s1 =	srdreg.scid;
	vm1 =	vcmask $0x3F08;
	v1 =	vunpack.c.l.s4.s8 v1;
	v4 =	vunpack.c.l.s4.s8 v4  }
0x6: {  	s0 =	stileid.u32;
	s6 =	rddreg [dreg:$0x1];
	v5 =	vunpack.c.l.s4.s8 v5;
	v3 =	vunpack.c.l.s4.s8 v3;
	v2 =	vunpack.c.0.s8.s32 v0  }
0x7: {  	s11 =	simm.s32 $0x4F00;
	s12 =	simm.s32 $0x7680;
	s13 =	simm.s32 $0x9E00;
	v6 =	vunpack.c.l.s2.s4 v6;
	v7 =	vunpack.c.l.s4.s8 v7;
	v1 =	vunpack.c.0.s8.s32 v1  }
0x8: {  	s14 =	simm.s32 $0x80;
	s15 =	simm.s32 $0x400;
	s16 =	simm.s32 $0x0;
	v4 =	vunpack.c.0.s8.s32 v4;
	v3 =	vunpack.c.0.s8.s32 v3;
	v2 =	vand.u32 $0xF, v2  }
0x9: {  	s3 =	sand.u32 $0x1, s1;
	s2 =	sshll.u32 s0, $0x1;
	s1 =	rddreg [dreg:$0x2];
	v1 =	vcombine.low v1, v2;
	v2 =	vunpack.c.0.s8.s32 v5;
	v5 =	vunpack.c.l.s4.s8 v6  }
0xa: {  	vm2 =	vcmask $0x3F10;
	s8 =	sshrl.u32 s0, $0x2;
	s5 =	sor.u32 s3, s2;
	s2 =	simm.s32 $0x0;
	v4 =	vand.u32 $0xF, v4;
	v6 =	vunpack.c.0.s8.s32 v7  }
0xb: {  	s8 =	smul.u32 $0x13C00, s8;
	s30 =	ssub.s32 $0x2, s3;
	s3 =	sadd.s32 $0xC21E00, s4;
	v7 =	vand.u32 $0xF, v2;
	v5 =	vunpack.c.0.s8.s32 v5;
	v2 =	vcombine.low v3, v4  }
0xc: {  	s7 =	smul.u32 $0x4E2, s5;
	[smem:$0x7FF] =	sst s2;
	s5 =	sshll.u32 s5, $0x7;
	v4 =	vimm.s32 $0xFFEDCBA9;
	v3 =	vcombine.low v6, v7;
	v7 =	vimm.s32 $0x87654321  }
0xd: {  	s31 =	sshrl.u32 s30, $0x1;
	_ =	strace $0x80000047;
	s5 =	sand.u32 $0x380, s5;
	v6 =	vunpack.c.0.s8.s32 v8;
	v8 =	vunpack.c.l.s4.s8 v4;
	v7 =	vunpack.c.l.s4.s8 v7  }
0xe: {  	vm3 =	vcmask $0x3F20;
	vm4 =	vcmask $0x3F3C;
	v0 =	vimm.f32 $-9.999999680e+37;
	s7 =	sadd.s32 s7, s4;
	s5 =	sor.u32 s8, s5;
	s8 =	ssub.s32 s30, s31  }
0xf: {  	s9 =	sshrl.u32 s5, $0x3;
	s5 =	sadd.s32 $0x200, s7;
	s8 =	smax.u32 s8, $0x1;
	v5 =	vand.u32 $0x3, v5;
	v8 =	vunpack.c.0.s8.s32 v8;
	v7 =	vunpack.c.0.s8.s32 v7  }
0x10: {  	s10 =	sadd.s32 s9, s4;
	s4 =	sadd.s32 $0xA000, s7;
	s6 =	sadd.s32 s6, s9;
	v4 =	vimm.f32 $0.0e+00;
	v5 =	vsel vm0, v6, v5;
	v6 =	vimm.f32 $1.000000000e+00  }
0x11: {  	s9 =	simm.s32 $0x1;
	s7 =	sadd.s32 $0xC22400, s10;
	s10 =	simm.s32 $0x2780;
	vm0 =	vcmask $0x3F04;
	v6 =	vperm.xlane v6, v1;
	v7 =	vcombine.low v7, v8  }
.LBB2_1:
0x12: {  	[tilespmem:s2], [sflag:$0x1] =	stream.linear.gather [hbm4b:s4+s2], $0x2710, $0x38;
	[tilespmem:$0xC580] =	vst v63  }
0x13: {  	_ =	swait.ge [sflag:s9], $0x2710  }
0x14: {  	[sflag:s9] =	ssyncset.done $0x0  }
0x15: {  	[sflag:s9] =	ssyncadd.s32 $0xFFFFD8F0  }
0x16: {  	[tilespmem:s10], [sflag:$0x1] =	stream.linear.gather [hbm4b:s5+s2], $0x2710, $0x38;
	[tilespmem:$0xC580] =	vst v63  }
0x17: {  	_ =	swait.ge [sflag:s9], $0x2710  }
0x18: {  	[sflag:s9] =	ssyncset.done $0x0  }
0x19: {  	[sflag:s9] =	ssyncadd.s32 $0xFFFFD8F0  }
0x1a: {  	[tilespmem:s11], [sflag:$0x1] =	stream.linear.gather [hbm4b:s3+s2], $0x2780, $0x38;
	[tilespmem:$0xC580] =	vst v63  }
0x1b: {  	_ =	swait.ge [sflag:s9], $0x2780  }
0x1c: {  	[sflag:s9] =	ssyncset.done $0x0  }
0x1d: {  	s17 =	simm.s32 $0x0;
	[sflag:s9] =	ssyncadd.s32 $0xFFFFD880  }
.LBB2_2:
0x1e: {  	p0 =	sne.s32 s17, $0x9C00  }
.Ltmp0:
0x1f: {  	_ = 	snop;
	(pc) =	sbr.rel @p0 .LBB2_2-.Ltmp0, $4  }
0x20: {  	_ = 	snop  }
0x21: {  	s18 =	sshra.s32 s17, $0x2  }
0x22: {  	[tilespmem:s18+$0x7680] =	vst v0  }
0x23: {  	s17 =	sadd.s32 $0x40, s17;
	[tilespmem:s18+$0x9E00] =	vst v4  }
0x24: {  	s18 =	simm.s32 $0x0;
	s17 =	simm.s32 $0x40  }
.LBB2_4:
0x25: {  	p0 =	sne.s32 s17, $0x9C00;
	v8 =	vld [tilespmem:s18+$0x2780];
	_ =	sdelay $0x6  }
0x26: {  	v9 =	vld [tilespmem:s18+$0x0]  }
0x27: {  	v8 =	vld.idx.msk [tilespmem:v8+s11+$0x0], $0xffff;
	_ =	sdelay $0x4  }
0x28: {  	v9 =	vxor.u32 $0x80000000, v9  }
0x29: {  	(xrf1) =	vsort.ascd.msk.u32 $0xffff, v9, v8;
	_ =	sdelay $0xd  }
0x2a: {  	v8, v9, _ =	vpop (xrf1)  }
0x2b: {  	v8 =	vxor.u32 $0x80000000, v8;
	v10 =	vperm.xlane v9, v1  }
0x2c: {  	v11 =	vperm.xlane v8, v1  }
0x2d: {  	v12 =	vmax.f32 v9, v10  }
0x2e: {  	vm5 =	veq.s32 v11, v8;
	v10 =	vsub.f32 v10, v12  }
0x2f: {  	vm7 =	vmand vm5, vm0  }
0x30: {  	v11 =	vsub.f32 v9, v12;
	v10 =	vmul.f32 $1.442695020e+00, v10;
	v9 =	vsel vm7, v12, v9  }
0x31: {  	v12 =	vperm.xlane v9, v2  }
0x32: {  	v11 =	vmul.f32 $1.442695020e+00, v11;
	(erf) = vpow2.f32 v10  }
0x33: {  	v10 =	vperm.xlane v8, v2;
	v13 =	vmax.f32 v9, v12  }
0x34: {  	v14 =	vsub.f32 v9, v13;
	(erf) = vpow2.f32 v11  }
0x35: {  	vm5 =	veq.s32 v10, v8;
	v10 =	vsub.f32 v12, v13  }
0x36: {  	vm5 =	vmand vm5, vm1;
	v11 =	vmul.f32 $1.442695020e+00, v14  }
0x37: {  	v10 =	vmul.f32 $1.442695020e+00, v10;
	v9 =	vsel vm5, v13, v9  }
0x38: {  	v12 =	vperm.xlane v9, v3;
	(erf) = vpow2.f32 v11  }
0x39: {  	(erf) = vpow2.f32 v10  }
0x3a: {  	v10 =	vperm.xlane v8, v3;
	v11 =	vmax.f32 v9, v12  }
0x3b: {  	v13 =	vsub.f32 v9, v11;
	v14 =	vpop (erf)  }
0x3c: {  	vm6 =	veq.s32 v10, v8;
	v10 =	vsub.f32 v12, v11;
	v14 =	vmul.f32 v14, v6  }
0x3d: {  	vm6 =	vmand vm6, vm2;
	v12 =	vmul.f32 $1.442695020e+00, v13;
	v13 =	vperm.xlane v8, v5;
	v15 =	vpop (erf)  }
0x3e: {  	v10 =	vmul.f32 $1.442695020e+00, v10;
	v9 =	vsel vm6, v11, v9;
	v16 =	vadd.f32 v14, v15  }
0x3f: {  	v11 =	vperm.xlane v9, v5;
	v15 =	vld.idx.msk [tilespmem:v8+s12+$0x0], $0xffff;
	(erf) = vpow2.f32 v12  }
0x40: {  	v12 =	vnsel vm7, $0x3F800000, v16;
	(erf) = vpow2.f32 v10  }
0x41: {  	vm7 =	veq.s32 v13, v8;
	v13 =	vmax.f32 v9, v11;
	v10 =	vperm.xlane v12, v2;
	v14 =	vpop (erf)  }
0x42: {  	vm7 =	vmand vm7, vm3;
	v16 =	vsub.f32 v9, v13;
	v17 =	vpop (erf)  }
0x43: {  	v11 =	vsub.f32 v11, v13;
	v14 =	vmul.f32 v14, v12;
	v10 =	vmul.f32 v17, v10  }
0x44: {  	v9 =	vsel vm7, v13, v9;
	v16 =	vmul.f32 $1.442695020e+00, v16  }
0x45: {  	v11 =	vmul.f32 $1.442695020e+00, v11;
	v13 =	vmax.f32 v15, v9;
	v10 =	vadd.f32 v10, v14  }
0x46: {  	v14 =	vsub.f32 v15, v13;
	(erf) = vpow2.f32 v16  }
0x47: {  	v9 =	vsub.f32 v9, v13;
	v10 =	vsel vm5, v10, v12;
	(erf) = vpow2.f32 v11  }
0x48: {  	v11 =	vperm.xlane v10, v3;
	v12 =	vpop (erf)  }
0x49: {  	v14 =	vmul.f32 $1.442695020e+00, v14;
	v9 =	vmul.f32 $1.442695020e+00, v9;
	v15 =	vpop (erf)  }
0x4a: {  	v12 =	vmul.f32 v10, v12;
	v11 =	vmul.f32 v15, v11  }
0x4b: {  	(erf) = vpow2.f32 v14  }
0x4c: {  	v12 =	vadd.f32 v12, v11;
	(erf) = vpow2.f32 v9;
	_ =	sdelay $0x1  }
0x4d: {  	v9 =	vsel vm6, v12, v10  }
0x4e: {  	v10 =	vperm.xlane v9, v5;
	v11 =	vpop (erf)  }
0x4f: {  	v12 =	vperm.xlane v8, v7;
	v14 =	vld.idx.msk [tilespmem:v8+s13+$0x0], $0xffff;
	v15 =	vpop (erf)  }
0x50: {  	v16 =	vmul.f32 v9, v11;
	v10 =	vmul.f32 v15, v10  }
0x51: {  	vm5 =	vne.s32 v12, v8  }
0x52: {  	vm5 =	vmor vm5, vm4;
	v12 =	vadd.f32 v16, v10  }
0x53: {  	v11 =	vpop (erf)  }
0x54: {  	v9 =	vsel vm7, v12, v9;
	v10 =	vpop (erf)  }
.Ltmp1:
0x55: {  	v11 =	vmul.f32 v11, v14;
	v9 =	vmul.f32 v9, v10;
	(pc) =	sbr.rel @p0 .LBB2_4-.Ltmp1, $4  }
0x56: {  	_ = 	snop  }
0x57: {  	v9 =	vadd.f32 v9, v11  }
0x58: {  	[tilespmem:v8+s12+$0x0] =	vst.idx.msk vm5, v13  }
0x59: {  	s18 =	sshra.s32 s17, $0x2;
	s17 =	sadd.s32 $0x40, s17;
	[tilespmem:v8+s13+$0x0] =	vst.idx.msk vm5, v9  }
0x5a: {  	v8 =	vld [tilespmem:s18+$0x2780];
	_ =	sdelay $0x6  }
0x5b: {  	v9 =	vld [tilespmem:s18+$0x0]  }
0x5c: {  	v8 =	vld.idx.msk [tilespmem:v8+s11+$0x0], $0xffff;
	_ =	sdelay $0x3  }
0x5d: {  	v9 =	vxor.u32 $0x80000000, v9  }
0x5e: {  	(xrf1) =	vsort.ascd.msk.u32 $0xffff, v9, v8;
	_ =	sdelay $0xd  }
0x5f: {  	v8, v9, _ =	vpop (xrf1)  }
0x60: {  	v8 =	vxor.u32 $0x80000000, v8;
	v10 =	vperm.xlane v9, v1  }
0x61: {  	v11 =	vperm.xlane v8, v1  }
0x62: {  	v12 =	vmax.f32 v9, v10  }
0x63: {  	vm5 =	veq.s32 v11, v8;
	v10 =	vsub.f32 v10, v12  }
0x64: {  	vm7 =	vmand vm5, vm0  }
0x65: {  	v39 =	vsub.f32 v9, v12;
	v10 =	vmul.f32 $1.442695020e+00, v10;
	v9 =	vsel vm7, v12, v9  }
0x66: {  	v12 =	vperm.xlane v9, v2  }
0x67: {  	v11 =	vmul.f32 $1.442695020e+00, v39;
	(erf) = vpow2.f32 v10  }
0x68: {  	v40 =	vperm.xlane v8, v2;
	v13 =	vmax.f32 v9, v12  }
0x69: {  	(erf) = vpow2.f32 v11;
	v14 =	vsub.f32 v9, v13  }
0x6a: {  	vm5 =	veq.s32 v40, v8;
	v41 =	vsub.f32 v12, v13  }
0x6b: {  	vm5 =	vmand vm5, vm1;
	v42 =	vmul.f32 $1.442695020e+00, v14  }
0x6c: {  	v44 =	vperm.xlane v8, v3;
	v9 =	vsel vm5, v13, v9;
	v10 =	vmul.f32 $1.442695020e+00, v41  }
0x6d: {  	v43 =	vperm.xlane v9, v3;
	(erf) = vpow2.f32 v42  }
0x6e: {  	(erf) = vpow2.f32 v10  }
0x6f: {  	vm6 =	veq.s32 v44, v8;
	v45 =	vmax.f32 v9, v43  }
0x70: {  	vm6 =	vmand vm6, vm2;
	v13 =	vsub.f32 v9, v45;
	v46 =	vpop (erf)  }
0x71: {  	v47 =	vsub.f32 v43, v45;
	v9 =	vsel vm6, v45, v9;
	v14 =	vmul.f32 v46, v6  }
0x72: {  	v11 =	vperm.xlane v9, v5;
	v48 =	vmul.f32 $1.442695020e+00, v13;
	v15 =	vpop (erf)  }
0x73: {  	v10 =	vmul.f32 $1.442695020e+00, v47;
	v14 =	vadd.f32 v14, v15  }
0x74: {  	v52 =	vmax.f32 v9, v11;
	(erf) = vpow2.f32 v48  }
0x75: {  	v16 =	vsub.f32 v9, v52;
	(erf) = vpow2.f32 v10;
	v14 =	vnsel vm7, $0x3F800000, v14  }
0x76: {  	v49 =	vperm.xlane v8, v5;
	v50 =	vld.idx.msk [tilespmem:v8+s12+$0x0], $0xffff;
	v51 =	vperm.xlane v14, v2;
	v53 =	vpop (erf)  }
0x77: {  	v11 =	vsub.f32 v11, v52;
	v16 =	vmul.f32 $1.442695020e+00, v16;
	v17 =	vpop (erf)  }
0x78: {  	vm7 =	veq.s32 v49, v8;
	v15 =	vmul.f32 v53, v14;
	v10 =	vmul.f32 v17, v51  }
0x79: {  	v11 =	vmul.f32 $1.442695020e+00, v11;
	vm7 =	vmand vm7, vm3  }
0x7a: {  	(erf) = vpow2.f32 v16;
	v9 =	vsel vm7, v52, v9;
	v10 =	vadd.f32 v10, v15  }
0x7b: {  	(erf) = vpow2.f32 v11;
	v13 =	vmax.f32 v50, v9  }
0x7c: {  	v12 =	vsub.f32 v50, v13;
	v9 =	vsub.f32 v9, v13;
	v10 =	vsel vm5, v10, v14  }
0x7d: {  	v55 =	vpop (erf);
	v54 =	vperm.xlane v10, v3  }
0x7e: {  	v12 =	vmul.f32 $1.442695020e+00, v12;
	v9 =	vmul.f32 $1.442695020e+00, v9;
	v56 =	vpop (erf)  }
0x7f: {  	v14 =	vmul.f32 v10, v55;
	v11 =	vmul.f32 v56, v54  }
0x80: {  	(erf) = vpow2.f32 v12  }
0x81: {  	(erf) = vpow2.f32 v9;
	v11 =	vadd.f32 v14, v11;
	_ =	sdelay $0x1  }
0x82: {  	v57 =	vsel vm6, v11, v10  }
0x83: {  	v58 =	vpop (erf);
	v10 =	vperm.xlane v57, v5  }
0x84: {  	v59 =	vperm.xlane v8, v7;
	v60 =	vpop (erf)  }
0x85: {  	v61 =	vld.idx.msk [tilespmem:v8+s13+$0x0], $0xffff;
	v11 =	vmul.f32 v57, v58;
	v10 =	vmul.f32 v60, v10  }
0x86: {  	vm5 =	vne.s32 v59, v8  }
0x87: {  	vm5 =	vmor vm5, vm4;
	v10 =	vadd.f32 v11, v10  }
0x88: {  	v62 =	vpop (erf)  }
0x89: {  	v63 =	vpop (erf);
	v9 =	vsel vm7, v10, v57  }
0x8a: {  	v11 =	vmul.f32 v62, v61;
	v9 =	vmul.f32 v9, v63;
	_ =	sdelay $0x1  }
0x8b: {  	v9 =	vadd.f32 v9, v11  }
0x8c: {  	[tilespmem:v8+s12+$0x0] =	vst.idx.msk vm5, v13  }
0x8d: {  	[tilespmem:v8+s13+$0x0] =	vst.idx.msk vm5, v9  }
0x8e: {  	[hbm4b:s6+s14] =	stream.strided.scatter [tilespmem:s12], [sflag:$0x1], $0x2780, s15, s14, $0x38;
	[tilespmem:$0xC580] =	vst v63  }
0x8f: {  	s16 =	sadd.s32 $0x1, s16;
	_ =	swait.ge [sflag:s9], $0x2780  }
0x90: {  	p0 =	sne.s32 s16, s8;
	[sflag:s9] =	ssyncset.done $0x0  }
.Ltmp2:
0x91: {  	[sflag:s9] =	ssyncadd.s32 $0xFFFFD880;
	(pc) =	sbr.rel @p0 .LBB2_1-.Ltmp2, $4  }
0x92: {  	[hbm4b:s7+s14] =	stream.strided.scatter [tilespmem:s13], [sflag:$0x1], $0x2780, s15, s14, $0x38;
	[tilespmem:$0xC580] =	vst v63  }
0x93: {  	_ =	swait.ge [sflag:s9], $0x2780  }
0x94: {  	[sflag:s9] =	ssyncset.done $0x0  }
0x95: {  	[sflag:s9] =	ssyncadd.s32 $0xFFFFD880  }
0x96: {  	_ =	sfence.sel $0x180000  }
0x97: {  	[bflag:$0x0] =	sbarrier.arrive $0xFFFF  }
0x98: {  	p0 =	sne.s32 s0, $0x0;
	_ =	strace $0x90000047  }
0x99: {  	s0 =	sadd.s32 @!p0 $0x100000, s1;
	[bflag:$0x2] =	sbarrier.arrive $0xFFFF  }
0x9a: {  	[sflag:s0] =	ssyncadd.tile.s32 @!p0 $0x1;
	_ =	shalt  }
.Lfunc_end2:
_tile_overlayer_lowered:
.L_overlay_start_2:
0x9b: {  	(tag) =	ssettag $0x2  }
0x9c: {  	s0 =	rddreg [dreg:$0x0];
	s2 =	stileid.u32  }
0x9d: {  	s1 =	rddreg [dreg:$0x1];
	p0 =	sne.s32 s2, $0x0  }
0x9e: {  	s3 =	rddreg [dreg:$0x2];
	[bflag:$0x3] =	sbarrier.arrive $0xFFFF;
	s2 =	simm.s32 @!p0 $0x1C01  }
0x9f: {  	[timem:s3], [sflag:s2] =	dma.local @!p0 [hbm:s0], s1  }
0xa0: {  	s0 =	simm.s32 @!p0 $0x1  }
0xa1: {  	_ =	swait.ge @!p0 [sflag:s0], s1  }
0xa2: {  	s1 =	ssub.s32 @!p0 $0x0, s1;
	[sflag:s0] =	ssyncset.done @!p0 $0x0  }
0xa3: {  	[sflag:s0] =	ssyncadd.s32 @!p0 s1  }
0xa4: {  	[bflag:$0x3] =	sbarrier.arrive $0xFFFF  }
0xa5: {  	_ =	shalt  }

// kernel: sc_rmw.3.cloned.1.call-start
scs
__scs_entry_jumppad:
0x0: {  	(pc) =	sbr.rel $0x88, $3  }
0x1: {  	(tag) =	ssettag $0x0;
	lr =	simm.s32 $0x1  }
0x2: {  	[smem:$0x3F9B] =	sst lr;
	_ =	strace $0xD0000000  }
0x3: {  	_ = 	snop  }
0x4: {  	_ = 	snop  }
0x5: {  	_ = 	snop  }
0x6: {  	_ = 	snop  }
0x7: {  	_ = 	snop  }
__scs_overlays_trampoline_lowered:
0x8: {  	[smem:$0x3FAA] =	sst s0  }
0x9: {  	[smem:$0x3FAB] =	sst s1  }
0xa: {  	[smem:$0x3FAC] =	sst s2  }
0xb: {  	[smem:$0x3FAD] =	sst s3  }
0xc: {  	[smem:$0x3FAE] =	sst s4  }
0xd: {  	[smem:$0x3FAF] =	sst s5  }
0xe: {  	[smem:$0x3FB0] =	sst s6  }
0xf: {  	[smem:$0x3FB1] =	sst s7  }
0x10: {  	[smem:$0x3FB2] =	sst s8  }
0x11: {  	[smem:$0x3FB3] =	sst s9;
	s0 =	simm.s32 @!p0 $0x0  }
0x12: {  	s1 =	sld [smem:$0x3F99];
	s0 =	simm.s32 @p0 $0x1  }
0x13: {  	[smem:$0x3FB4] =	sst s0;
	s0 =	simm.s32 @!p1 $0x0  }
0x14: {  	s2 =	sld [smem:$0x3F98];
	s0 =	simm.s32 @p1 $0x1  }
0x15: {  	[smem:$0x3FB5] =	sst s0;
	s0 =	simm.s32 @!p2 $0x0  }
0x16: {  	s3 =	sld [smem:$0x3FDB];
	s0 =	simm.s32 @p2 $0x1  }
0x17: {  	s4 =	simm.s32 $0x1BF5;
	[smem:$0x3FB7] =	sst s0  }
0x18: {  	s0 =	sld [smem:$0x3F9A];
	_ =	swait.ge [sflag:s4], $0x0  }
0x19: {  	s7 =	sld [smem:$0x3F9B]  }
0x1a: {  	s8 =	sadd.s32 $0xFFFFE003, lr  }
0x1b: {  	s9 =	sadd.s32 $0xFFFFFEF7, lr;
	s5 =	simm.s32 $0xFFFFFFFF;
	p2 =	slt.u32 s8, $0xFFFFF086  }
0x1c: {  	p1 =	slt.u32 s9, $0xF7A;
	s5 =	simm.s32 @!p2 $0x0  }
0x1d: {  	s5 =	simm.s32 @p1 $0x1;
	p0 =	seq.s32 s7, s2  }
0x1e: {  	s7 =	smul.u32 @!p0 $0xF7A, s2;
	p2 =	seq.s32 @!p0 s5, $0x0  }
0x1f: {  	s9 =	smul.u32 $0xF7A, s1;
	s8 =	simm.s32 @!p0 $0x1BF5;
	p2 =	por !p2, p0  }
0x20: {  	[sflag:s8] =	ssyncset.s32 @!p0 $0xFFFFF086;
	s6 =	sadd.s32 @!p0 s3, s7;
	s7 =	simm.s32 @!p0 $0x108  }
0x21: {  	s3 =	sadd.s32 s3, s9;
	s6 =	sadd.s32 @!p0 $0x88, s6;
	s7 =	simm.s32 @p2 $0x1082  }
0x22: {  	[simem:s7], [sflag:s8] =	dma.local @!p0 [hbm:s6], $0xF7A  }
0x23: {  	s9 =	sor.u32 $0xD0000000, s2;
	s6 =	simm.s32 $0x108;
	_ =	swait.ge @!p0 [sflag:s8], $0x0  }
0x24: {  	s3 =	sadd.s32 $0x88, s3;
	s6 =	simm.s32 @!p1 $0x1082;
	[sflag:s4] =	ssyncset.s32 $0xFFFFF086  }
0x25: {  	[simem:s6], [sflag:s4] =	dma.local [hbm:s3], $0xF7A  }
0x26: {  	[smem:$0x3F9B] =	sst s1;
	(tag) =	ssettag s2;
	_ =	strace s9  }
0x27: {  	s1 =	sld [smem:$0x3FAB]  }
0x28: {  	s2 =	sld [smem:$0x3FAC]  }
0x29: {  	s4 =	sld [smem:$0x3FAE]  }
0x2a: {  	p0 =	seq.s32 s5, $0x0;
	s5 =	sld [smem:$0x3FAF]  }
0x2b: {  	s6 =	sld [smem:$0x3FB0]  }
0x2c: {  	s7 =	sld [smem:$0x3FB1]  }
0x2d: {  	s3 =	simm.s32 $0x108;
	s8 =	sld [smem:$0x3FB2]  }
0x2e: {  	s3 =	simm.s32 @!p0 $0x1082;
	s9 =	sld [smem:$0x3FB3]  }
0x2f: {  	lr =	sadd.s32 s0, s3;
	s0 =	sld [smem:$0x3FAA]  }
0x30: {  	s3 =	sld [smem:$0x3FAD]  }
0x31: {  	[smem:$0x3FB6] =	sst s10  }
0x32: {  	s10 =	sld [smem:$0x3FB4];
	_ =	sdelay $0x3  }
0x33: {  	p0 =	seq.s32 s10, $0x1;
	s10 =	sld [smem:$0x3FB6];
	_ =	sdelay $0x3  }
0x34: {  	[smem:$0x3FB6] =	sst s10  }
0x35: {  	s10 =	sld [smem:$0x3FB5];
	_ =	sdelay $0x3  }
0x36: {  	p1 =	seq.s32 s10, $0x1;
	s10 =	sld [smem:$0x3FB6];
	_ =	sdelay $0x3  }
0x37: {  	[smem:$0x3FB6] =	sst s10  }
0x38: {  	s10 =	sld [smem:$0x3FB7]  }
0x39: {  	_ = 	snop;
	(pc) =	sbr.ind lr, $3  }
0x3a: {  	_ = 	snop  }
0x3b: {  	_ = 	snop  }
0x3c: {  	p2 =	seq.s32 s10, $0x1;
	s10 =	sld [smem:$0x3FB6]  }
0x3d: {  	_ =	shalt  }
0x3e: {  	_ =	shalt  }
0x3f: {  	_ =	shalt  }
0x40: {  	_ =	shalt  }
0x41: {  	_ =	shalt  }
0x42: {  	_ =	shalt  }
0x43: {  	_ =	shalt  }
0x44: {  	_ =	shalt  }
0x45: {  	_ =	shalt  }
0x46: {  	_ =	shalt  }
0x47: {  	_ =	shalt  }
0x48: {  	_ =	shalt  }
0x49: {  	_ =	shalt  }
0x4a: {  	_ =	shalt  }
0x4b: {  	_ =	shalt  }
0x4c: {  	_ =	shalt  }
0x4d: {  	_ =	shalt  }
0x4e: {  	_ =	shalt  }
0x4f: {  	_ =	shalt  }
0x50: {  	_ =	shalt  }
0x51: {  	_ =	shalt  }
0x52: {  	_ =	shalt  }
0x53: {  	_ =	shalt  }
0x54: {  	_ =	shalt  }
0x55: {  	_ =	shalt  }
0x56: {  	_ =	shalt  }
0x57: {  	_ =	shalt  }
0x58: {  	_ =	shalt  }
0x59: {  	_ =	shalt  }
0x5a: {  	_ =	shalt  }
0x5b: {  	_ =	shalt  }
0x5c: {  	_ =	shalt  }
0x5d: {  	_ =	shalt  }
0x5e: {  	_ =	shalt  }
0x5f: {  	_ =	shalt  }
0x60: {  	_ =	shalt  }
0x61: {  	_ =	shalt  }
0x62: {  	_ =	shalt  }
0x63: {  	_ =	shalt  }
0x64: {  	_ =	shalt  }
0x65: {  	_ =	shalt  }
0x66: {  	_ =	shalt  }
0x67: {  	_ =	shalt  }
0x68: {  	_ =	shalt  }
0x69: {  	_ =	shalt  }
0x6a: {  	_ =	shalt  }
0x6b: {  	_ =	shalt  }
0x6c: {  	_ =	shalt  }
0x6d: {  	_ =	shalt  }
0x6e: {  	_ =	shalt  }
0x6f: {  	_ =	shalt  }
0x70: {  	_ =	shalt  }
0x71: {  	_ =	shalt  }
0x72: {  	_ =	shalt  }
0x73: {  	_ =	shalt  }
0x74: {  	_ =	shalt  }
0x75: {  	_ =	shalt  }
0x76: {  	_ =	shalt  }
0x77: {  	_ =	shalt  }
0x78: {  	_ =	shalt  }
0x79: {  	_ =	shalt  }
0x7a: {  	_ =	shalt  }
0x7b: {  	_ =	shalt  }
0x7c: {  	_ =	shalt  }
0x7d: {  	_ =	shalt  }
0x7e: {  	_ =	shalt  }
0x7f: {  	_ =	shalt  }
0x80: {  	_ =	shalt  }
0x81: {  	_ =	shalt  }
0x82: {  	_ =	shalt  }
0x83: {  	_ =	shalt  }
0x84: {  	_ =	shalt  }
0x85: {  	_ =	shalt  }
0x86: {  	_ =	shalt  }
0x87: {  	_ =	shalt  }
.Lfunc_end0:
.L_simem_size_0:
called_computation.1_lowered:
.L_overlay_start_0:
0x88: {  	s2 =	sld [smem:$0x3FD9]  }
0x89: {  	s3 =	sld [smem:$0x3FFE];
	_ =	sdelay $0x1  }
0x8a: {  	s1 =	srdreg.scid  }
0x8b: {  	s0 =	sand.u32 $0x1, s1  }
0x8c: {  	s17 =	sshll.u32 s0, $0xA;
	s2 =	sadd.s32 s3, s2  }
0x8d: {  	s2 =	sadd.s32 s2, s17  }
0x8e: {  	[smem:$0x3FC2] =	sst s2  }
0x8f: {  	_ = 	snop  }
0x90: {  	s2 =	sld [smem:$0x3FD0];
	(tm) =	ssettm $0x1  }
0x91: {  	s18 =	sld [smem:$0x3FFB];
	_ =	sdelay $0x3  }
0x92: {  	_ =	strace s18  }
0x93: {  	s3 =	sld [smem:$0x3FFC];
	_ =	sdelay $0x3  }
0x94: {  	_ =	strace s3  }
0x95: {  	s3 =	sld [smem:$0x3FFD];
	_ =	sdelay $0x3  }
0x96: {  	_ =	strace s3  }
0x97: {  	_ =	strace $0x8FFFFFFF  }
0x98: {  	s19 =	sld [smem:$0x3FDB];
	_ =	sdelay $0x1  }
0x99: {  	s4 =	simm.s32 $_scs_section_size  }
0x9a: {  	s5 =	simm.s32 $_size__tile_overlayer_lowered;
	s6 =	simm.s32 $_tile_overlayer_lowered  }
0x9b: {  	s22 =	simm.s32 $0x1BFF;
	s21 =	sshll.u32 s6, $0x1;
	s3 =	sadd.s32 s4, s19  }
0x9c: {  	s7 =	simm.s32 $0x0;
	s20 =	sshll.u32 s5, $0x1;
	s5 =	sadd.s32 s21, s3  }
0x9d: {  	[timem:s7], [sflag:s22] =	dma.local [hbm:s5], s20  }
0x9e: {  	_ =	swait.ge [sflag:s22], s20  }
0x9f: {  	s4 =	ssub.s32 $0x0, s20;
	[sflag:s22] =	ssyncset.done $0x0  }
0xa0: {  	[sflag:s22] =	ssyncadd.s32 s4;
	_ =	sdelay $0x1  }
0xa1: {  	s23 =	simm.s32 $0x1B8B  }
0xa2: {  	_ =	swait.ge [sflag:s23], $0x1  }
0xa3: {  	[sflag:s23] =	ssyncset.done $0x0  }
0xa4: {  	s25 =	simm.s32 $0x1B8E;
	s24 =	sld [smem:$0x3FFE];
	[sflag:s23] =	ssyncadd.s32 $0xFFFFFFFF  }
0xa5: {  	s26 =	simm.s32 $execute0_lowered;
	[smem:$0x3FD2] =	sst s25  }
0xa6: {  	s5 =	sshll.u32 s26, $0x1;
	_ =	strace $0x80000049;
	[dreg:$0x1] =	wrdreg $0xFFFFFFFF  }
0xa7: {  	s28 =	simm.s32 $_size_execute0_lowered;
	s3 =	sadd.s32 s3, s5;
	[dreg:$0x0] =	wrdreg $0x0  }
0xa8: {  	s5 =	sshll.u32 s28, $0x1;
	[dreg:$0x2] =	wrdreg s3  }
0xa9: {  	[dreg:$0x3] =	wrdreg s5  }
0xaa: {  	[dreg:$0x4] =	wrdreg $0xC0  }
0xab: {  	_ =	task [dreg:s7], $0x5FFFF  }
0xac: {  	[dreg:$0x1] =	wrdreg $0xFFFFFFFF  }
0xad: {  	[dreg:$0x0] =	wrdreg $0x60  }
0xae: {  	[dreg:$0x2] =	wrdreg s24  }
0xaf: {  	[dreg:$0x3] =	wrdreg s2  }
0xb0: {  	[dreg:$0x4] =	wrdreg $0x9  }
0xb1: {  	_ =	task.clear_ibuf [dreg:s7], $0x5FFFF;
	_ =	strace $0x90000049  }
0xb2: {  	s29 =	simm.s32 $0x9;
	_ =	strace $0x8000004B  }
0xb3: {  	_ =	swait.ge [sflag:s29], $0x1  }
0xb4: {  	[sflag:s29] =	ssyncadd.s32 $0xFFFFFFFF  }
0xb5: {  	_ =	strace $0x9000004B  }
0xb6: {  	_ =	sfence  }
0xb7: {  	s30 =	sld [smem:$0x0];
	_ =	sdelay $0x2  }
0xb8: {  	s31 =	sshll.u32 s1, $0xD;
	s1 =	sshrl.u32 s1, $0x2  }
0xb9: {  	s3 =	sand.u32 $0x4000, s31;
	s1 =	sadd.s32 s1, s30  }
0xba: {  	s0 =	sor.u32 s3, s0;
	s1 =	sshll.u32 s1, $0x11  }
0xbb: {  	s0 =	sor.u32 s1, s0  }
0xbc: {  	s0 =	sadd.s32 $0x8F2B, s0  }
0xbd: {  	[sflag:s0] =	ssyncadd.remote.s32 $0x1  }
0xbe: {  	_ =	sfence.sel $0xFFFF  }
0xbf: {  	[dreg:$0x0] =	wrdreg $0xFFFFFFFF;
	(pc) =	sbr.abs _section_cstart, $3  }
0xc0: {  	[dreg:$0x1] =	wrdreg $0xFFFFFFFF  }
0xc1: {  	_ =	task.clear_ibuf [dreg:s7], $0x2FFFF;
	_ =	strace $0x9FFFFFFF  }
0xc2: {  	(tm) =	ssettm $0x7FFFFFFF  }
0xc3: {  	_ =	shalt  }
tec
execute0_lowered:
.L_overlay_start_1:
0x0: {  	(tag) =	ssettag $0x1  }
0x1: {  	s0 =	srdreg.scid;
	s2 =	stileid.u32  }
0x2: {  	s1 =	rddreg [dreg:$0x0];
	s3 =	simm.s32 $0x0;
	s12 =	simm.s32 $0x4F00  }
0x3: {  	s13 =	simm.s32 $0x7680;
	s14 =	simm.s32 $0x9E00;
	s15 =	simm.s32 $0x80  }
0x4: {  	s29 =	simm.s32 $0x1;
	s31 =	simm.s32 $0x11D80;
	s11 =	simm.s32 $0x11E00  }
0x5: {  	s4 =	simm.s32 $0x3;
	s5 =	simm.s32 $0x9;
	s7 =	simm.s32 $0x11880  }
0x6: {  	s8 =	simm.s32 $0x11E80;
	s9 =	simm.s32 $0x4;
	s10 =	simm.s32 $0x11900  }
0x7: {  	s16 =	simm.s32 $0x11F00;
	s17 =	simm.s32 $0x5;
	s18 =	simm.s32 $0xB  }
0x8: {  	s19 =	simm.s32 $0x11980;
	s20 =	simm.s32 $0x11F80;
	s21 =	simm.s32 $0x6  }
0x9: {  	s22 =	simm.s32 $0xC;
	s23 =	simm.s32 $0x11A00;
	s0 =	sand.u32 $0x1, s0  }
0xa: {  	s2 =	sshll.u32 s2, $0x1;
	[smem:$0x7FF] =	sst s3;
	s24 =	sadd.s32 $0xC21E00, s1  }
0xb: {  	s25 =	sadd.s32 $0xC22400, s1;
	s6 =	sadd.s32 $0x13E00, s1;
	s3 =	simm.s32 $0xA  }
0xc: {  	s2 =	sor.u32 s0, s2;
	_ =	strace $0x8000004A;
	s0 =	ssub.s32 $0x2, s0  }
0xd: {  	[dreg:$0x3] =	wrdreg s24;
	s2 =	smul.u32 $0x4E2, s2;
	s26 =	sshrl.u32 s0, $0x1  }
.Ltmp0:
0xe: {  	[dreg:$0x4] =	wrdreg s25;
	s0 =	ssub.s32 s0, s26;
	(pc) =	sbr.rel .LBB2_1-.Ltmp0, $4  }
0xf: {  	s24 =	simm.s32 $0x12000;
	s2 =	sadd.s32 s2, s1;
	s0 =	smax.u32 s0, $0x1  }
0x10: {  	s26 =	simm.s32 $0x0;
	s28 =	sadd.s32 $0xA000, s2;
	[dreg:$0x7] =	wrdreg s0  }
0x11: {  	s1 =	simm.s32 $0x2;
	s30 =	sadd.s32 $0x200, s2;
	[dreg:$0x5] =	wrdreg s28  }
0x12: {  	s0 =	simm.s32 $0x8;
	s2 =	simm.s32 $0x11800;
	[dreg:$0x6] =	wrdreg s30  }
.LBB2_26:
0x13: {  	s25 =	simm.s32 $0x7  }
0x14: {  	_ =	swait.ge [sflag:s25], $0x80  }
0x15: {  	[sflag:s25] =	ssyncset.done $0x0  }
0x16: {  	[sflag:s25] =	ssyncadd.s32 $0xFFFFFF80  }
0x17: {  	_ =	swait.ge [sflag:s0], $0x80  }
0x18: {  	[sflag:s0] =	ssyncset.done $0x0  }
0x19: {  	[sflag:s0] =	ssyncadd.s32 $0xFFFFFF80  }
0x1a: {  	_ =	swait.ge [sflag:s5], $0x80  }
0x1b: {  	[sflag:s5] =	ssyncset.done $0x0  }
0x1c: {  	[sflag:s5] =	ssyncadd.s32 $0xFFFFFF80  }
0x1d: {  	_ =	swait.ge [sflag:s3], $0x80  }
0x1e: {  	[sflag:s3] =	ssyncset.done $0x0  }
0x1f: {  	[sflag:s3] =	ssyncadd.s32 $0xFFFFFF80  }
0x20: {  	_ =	swait.ge [sflag:s18], $0x80  }
0x21: {  	[sflag:s18] =	ssyncset.done $0x0  }
0x22: {  	[sflag:s18] =	ssyncadd.s32 $0xFFFFFF80  }
0x23: {  	_ =	swait.ge [sflag:s22], $0x80  }
0x24: {  	[sflag:s22] =	ssyncset.done $0x0  }
0x25: {  	[sflag:s22] =	ssyncadd.s32 $0xFFFFFF80  }
0x26: {  	v0 =	vld [tilespmem:$0xEC80];
	_ =	sdelay $0x4  }
0x27: {  	s30 =	simm.s32 $0x10;
	s26 =	simm.s32 $0x12080;
	s28 =	simm.s32 $0x12100;
	[tilespmem:$0x12080] =	vst v0  }
0x28: {  	[tilespmem:s28], [sflag:$0x1] =	stream.indirect.gather [hbm4b:s6+s30], $0x1, s26, s30, $0xb8;
	[tilespmem:$0x12180] =	vst v63  }
0x29: {  	_ =	swait.ge [sflag:s29], $0x10  }
0x2a: {  	[sflag:s29] =	ssyncset.done $0x0  }
0x2b: {  	[sflag:s29] =	ssyncadd.s32 $0xFFFFFFF0  }
0x2c: {  	v63 =	vld [tilespmem:$0x12100]  }
0x2d: {  	v1 =	vld [tilespmem:$0x11400];
	_ =	sdelay $0x4  }
0x2e: {  	v0 =	vadd.f32 v1, v63;
	_ =	sdelay $0x1  }
0x2f: {  	[tilespmem:$0x12100] =	vst v0  }
0x30: {  	[hbm4b:s6+s30] =	stream.indirect.scatter [tilespmem:s28], [sflag:$0x1], $0x1, s26, s30, $0xb8;
	[tilespmem:$0x12180] =	vst v63  }
0x31: {  	_ =	swait.ge [sflag:s29], $0x10  }
0x32: {  	s28 =	rddreg [dreg:$0x8]  }
0x33: {  	s30 =	rddreg [dreg:$0x7];
	s26 =	sadd.s32 $0x1, s28  }
0x34: {  	p0 =	sne.s32 s26, s30  }
.Ltmp1:
0x35: {  	_ = 	snop;
	(pc) =	sbr.rel @!p0 .LBB2_27-.Ltmp1, $3  }
0x36: {  	_ =	sdelay $0x1  }
0x37: {  	[sflag:s29] =	ssyncset.done $0x0  }
0x38: {  	[sflag:s29] =	ssyncadd.s32 $0xFFFFFFF0  }
.LBB2_1:
0x39: {  	[dreg:$0x8] =	wrdreg s26  }
0x3a: {  	s26 =	simm.s32 $0x0;
	s25 =	rddreg [dreg:$0x5];
	s28 =	simm.s32 $0xD  }
0x3b: {  	[tilespmem:s26], [sflag:$0xD] =	stream.linear.gather [hbm4b:s25+s26], $0x2710, $0x38;
	[tilespmem:$0x12180] =	vst v63  }
0x3c: {  	_ =	swait.ge [sflag:s28], $0x2710  }
0x3d: {  	[sflag:s28] =	ssyncset.done $0x0  }
0x3e: {  	s30 =	simm.s32 $0x2780;
	s25 =	rddreg [dreg:$0x6];
	[sflag:s28] =	ssyncadd.s32 $0xFFFFD8F0  }
0x3f: {  	[tilespmem:s30], [sflag:$0xD] =	stream.linear.gather [hbm4b:s25+s26], $0x2710, $0x38;
	[tilespmem:$0x12180] =	vst v63  }
0x40: {  	_ =	swait.ge [sflag:s28], $0x2710  }
0x41: {  	[sflag:s28] =	ssyncset.done $0x0  }
0x42: {  	s30 =	rddreg [dreg:$0x3];
	[sflag:s28] =	ssyncadd.s32 $0xFFFFD8F0  }
0x43: {  	[tilespmem:s12], [sflag:$0xD] =	stream.linear.gather [hbm4b:s30+s26], $0x2780, $0x38;
	[tilespmem:$0x12180] =	vst v63  }
0x44: {  	_ =	swait.ge [sflag:s28], $0x2780  }
0x45: {  	[sflag:s28] =	ssyncset.done $0x0  }
0x46: {  	s30 =	rddreg [dreg:$0x4];
	[sflag:s28] =	ssyncadd.s32 $0xFFFFD880  }
0x47: {  	[tilespmem:s13], [sflag:$0xD] =	stream.linear.gather [hbm4b:s30+s26], $0x2780, $0x38;
	[tilespmem:$0x12180] =	vst v63  }
0x48: {  	_ =	swait.ge [sflag:s28], $0x2780  }
0x49: {  	[sflag:s28] =	ssyncset.done $0x0  }
0x4a: {  	[sflag:s28] =	ssyncadd.s32 $0xFFFFD880  }
0x4b: {  	s30 =	rddreg [dreg:$0x1]  }
0x4c: {  	[tilespmem:s14], [sflag:$0xD] =	stream.linear.gather [hbm4b:s30+s26], $0x2780, $0x38;
	[tilespmem:$0x12180] =	vst v63  }
0x4d: {  	_ =	swait.ge [sflag:s28], $0x2780  }
0x4e: {  	[sflag:s28] =	ssyncset.done $0x0  }
0x4f: {  	s25 =	simm.s32 $0x0;
	[sflag:s28] =	ssyncadd.s32 $0xFFFFD880  }
0x50: {  	v1 =	vld [tilespmem:s25+$0x0]  }
0x51: {  	v2 =	vld [tilespmem:s25+$0x2780];
	_ =	sdelay $0x6  }
0x52: {  	v0 =	vld.idx.msk [tilespmem:v1+s13+$0x0], $0xffff  }
0x53: {  	v3 =	vld.idx.msk [tilespmem:v2+s12+$0x0], $0xffff;
	_ =	sdelay $0x4  }
0x54: {  	v0 =	vsub.f32 v3, v0;
	_ =	sdelay $0x1  }
0x55: {  	v0 =	vmul.f32 $1.442695020e+00, v0;
	_ =	sdelay $0x1  }
0x56: {  	(erf) = vpow2.f32 v0;
	_ =	sdelay $0x1  }
0x57: {  	v3 =	vshrl.u32 v1, $0x3  }
0x58: {  	v3 =	vmul.u32 $0x4F, v3  }
0x59: {  	s26 =	simm.s32 $0x10;
	v5 =	vshrl.u32 v2, $0x7;
	v4 =	vld.idx.msk [tilespmem:v1+s14+$0x0], $0xffff  }
0x5a: {  	v3 =	vadd.s32 v5, v3;
	v0 =	vld [tilespmem:s26+$0x0]  }
0x5b: {  	v6 =	vand.u32 $0x7F, v2;
	v2 =	vld [tilespmem:s26+$0x2780];
	v3 =	vshll.u32 v3, $0xA  }
0x5c: {  	v1 =	vshll.u32 v1, $0x7  }
0x5d: {  	v1 =	vand.u32 $0x380, v1  }
0x5e: {  	v5 =	vor.u32 v1, v3;
	v3 =	vpop (erf)  }
0x5f: {  	s28 =	simm.s32 $0x80;
	v1 =	vshrl.u32 v0, $0x3;
	v3 =	vmul.f32 v3, v4;
	v4 =	vor.u32 v6, v5  }
.LBB2_2:
0x60: {  	p0 =	sne.s32 s28, $0x9C00;
	v5 =	vshll.u32 v0, $0x7;
	[tilespmem:s25+$0xC580] =	vst v4;
	v4 =	vmov v2;
	s30 =	smov.u32 s28;
	s28 =	sadd.s32 $0x40, s28  }
0x61: {  	[tilespmem:s25+$0xED00] =	vst v3;
	s25 =	smov.u32 s26  }
0x62: {  	v3 =	vld.idx.msk [tilespmem:v0+s13+$0x0], $0xffff  }
0x63: {  	v2 =	vld.idx.msk [tilespmem:v2+s12+$0x0], $0xffff;
	_ =	sdelay $0x5  }
0x64: {  	v2 =	vsub.f32 v2, v3;
	_ =	sdelay $0x1  }
0x65: {  	v2 =	vmul.f32 $1.442695020e+00, v2;
	_ =	sdelay $0x1  }
0x66: {  	(erf) = vpow2.f32 v2;
	_ =	sdelay $0x2  }
0x67: {  	v3 =	vld.idx.msk [tilespmem:v0+s14+$0x0], $0xffff  }
0x68: {  	s26 =	sshra.s32 s30, $0x2  }
0x69: {  	v1 =	vmul.u32 $0x4F, v1;
	v0 =	vld [tilespmem:s26+$0x0]  }
.Ltmp2:
0x6a: {  	v6 =	vshrl.u32 v4, $0x7;
	v2 =	vld [tilespmem:s26+$0x2780];
	(pc) =	sbr.rel @p0 .LBB2_2-.Ltmp2, $4  }
0x6b: {  	v1 =	vadd.s32 v6, v1  }
0x6c: {  	v5 =	vand.u32 $0x380, v5;
	v1 =	vshll.u32 v1, $0xA  }
0x6d: {  	v4 =	vand.u32 $0x7F, v4;
	v5 =	vor.u32 v5, v1;
	v6 =	vpop (erf)  }
0x6e: {  	v4 =	vor.u32 v4, v5;
	v1 =	vshrl.u32 v0, $0x3;
	v3 =	vmul.f32 v6, v3  }
0x6f: {  	_ =	sdelay $0x1  }
0x70: {  	[tilespmem:s25+$0xC580] =	vst v4  }
0x71: {  	[tilespmem:s25+$0xED00] =	vst v3  }
0x72: {  	v3 =	vld.idx.msk [tilespmem:v0+s13+$0x0], $0xffff  }
0x73: {  	v4 =	vld.idx.msk [tilespmem:v2+s12+$0x0], $0xffff;
	_ =	sdelay $0x4  }
0x74: {  	v3 =	vsub.f32 v4, v3;
	_ =	sdelay $0x1  }
0x75: {  	v3 =	vmul.f32 $1.442695020e+00, v3;
	_ =	sdelay $0x1  }
0x76: {  	(erf) = vpow2.f32 v3;
	_ =	sdelay $0x4  }
0x77: {  	v1 =	vmul.u32 $0x4F, v1;
	v13 =	vld.idx.msk [tilespmem:v0+s14+$0x0], $0xffff  }
0x78: {  	v14 =	vshrl.u32 v2, $0x7  }
0x79: {  	v15 =	vshll.u32 v0, $0x7;
	v1 =	vadd.s32 v14, v1  }
0x7a: {  	v0 =	vand.u32 $0x380, v15;
	v1 =	vshll.u32 v1, $0xA  }
0x7b: {  	v16 =	vand.u32 $0x7F, v2;
	v0 =	vor.u32 v0, v1;
	v17 =	vpop (erf)  }
0x7c: {  	v0 =	vor.u32 v16, v0;
	v2 =	vmul.f32 v17, v13  }
0x7d: {  	[tilespmem:s26+$0xC580] =	vst v0  }
0x7e: {  	[tilespmem:s26+$0xED00] =	vst v2  }
0x7f: {  	v0 =	vld [tilespmem:$0xC580]  }
0x80: {  	v18 =	vld [tilespmem:$0xC590]  }
0x81: {  	v2 =	vld [tilespmem:$0xC5A0]  }
0x82: {  	v19 =	vld [tilespmem:$0xC5B0]  }
0x83: {  	v20 =	vld [tilespmem:$0xC5C0]  }
0x84: {  	v21 =	vld [tilespmem:$0xC5D0];
	[tilespmem:$0x11480] =	vst v0  }
0x85: {  	v22 =	vld [tilespmem:$0xC5E0];
	[tilespmem:$0x11490] =	vst v18  }
0x86: {  	v23 =	vld [tilespmem:$0xC5F0];
	[tilespmem:$0x114A0] =	vst v2  }
0x87: {  	[tilespmem:$0x114B0] =	vst v19  }
0x88: {  	[tilespmem:$0x114C0] =	vst v20  }
0x89: {  	[tilespmem:$0x114D0] =	vst v21  }
0x8a: {  	[tilespmem:$0x114E0] =	vst v22  }
0x8b: {  	s28 =	simm.s32 $0x11480;
	s30 =	simm.s32 $0x11A80;
	[tilespmem:$0x114F0] =	vst v23  }
0x8c: {  	[tilespmem:s30], [sflag:$0x1] =	stream.indirect.gather [hbm4b:s6+s15], $0x1, s28, s15, $0xb8;
	[tilespmem:$0x12180] =	vst v63  }
0x8d: {  	v24 =	vld [tilespmem:$0xC600]  }
0x8e: {  	v25 =	vld [tilespmem:$0xC610]  }
0x8f: {  	v26 =	vld [tilespmem:$0xC620]  }
0x90: {  	v27 =	vld [tilespmem:$0xC630]  }
0x91: {  	v28 =	vld [tilespmem:$0xC640]  }
0x92: {  	v29 =	vld [tilespmem:$0xC650];
	[tilespmem:$0x11500] =	vst v24  }
0x93: {  	v30 =	vld [tilespmem:$0xC660];
	[tilespmem:$0x11510] =	vst v25  }
0x94: {  	v31 =	vld [tilespmem:$0xC670];
	[tilespmem:$0x11520] =	vst v26  }
0x95: {  	[tilespmem:$0x11530] =	vst v27  }
0x96: {  	[tilespmem:$0x11540] =	vst v28  }
0x97: {  	[tilespmem:$0x11550] =	vst v29  }
0x98: {  	[tilespmem:$0x11560] =	vst v30  }
0x99: {  	s28 =	simm.s32 $0x11500;
	s30 =	simm.s32 $0x11B00;
	[tilespmem:$0x11570] =	vst v31  }
0x9a: {  	[tilespmem:s30], [sflag:$0x2] =	stream.indirect.gather [hbm4b:s6+s15], $0x1, s28, s15, $0xb8;
	[tilespmem:$0x12180] =	vst v63  }
0x9b: {  	v32 =	vld [tilespmem:$0xC680]  }
0x9c: {  	v33 =	vld [tilespmem:$0xC690]  }
0x9d: {  	v34 =	vld [tilespmem:$0xC6A0]  }
0x9e: {  	v35 =	vld [tilespmem:$0xC6B0]  }
0x9f: {  	v36 =	vld [tilespmem:$0xC6C0]  }
0xa0: {  	v37 =	vld [tilespmem:$0xC6D0];
	[tilespmem:$0x11580] =	vst v32  }
0xa1: {  	v38 =	vld [tilespmem:$0xC6E0];
	[tilespmem:$0x11590] =	vst v33  }
0xa2: {  	v39 =	vld [tilespmem:$0xC6F0];
	[tilespmem:$0x115A0] =	vst v34  }
0xa3: {  	[tilespmem:$0x115B0] =	vst v35  }
0xa4: {  	[tilespmem:$0x115C0] =	vst v36  }
0xa5: {  	[tilespmem:$0x115D0] =	vst v37  }
0xa6: {  	[tilespmem:$0x115E0] =	vst v38  }
0xa7: {  	s28 =	simm.s32 $0x11580;
	s30 =	simm.s32 $0x11B80;
	[tilespmem:$0x115F0] =	vst v39  }
0xa8: {  	[tilespmem:s30], [sflag:$0x3] =	stream.indirect.gather [hbm4b:s6+s15], $0x1, s28, s15, $0xb8;
	[tilespmem:$0x12180] =	vst v63  }
0xa9: {  	v40 =	vld [tilespmem:$0xC700]  }
0xaa: {  	v41 =	vld [tilespmem:$0xC710]  }
0xab: {  	v42 =	vld [tilespmem:$0xC720]  }
0xac: {  	v43 =	vld [tilespmem:$0xC730]  }
0xad: {  	v44 =	vld [tilespmem:$0xC740]  }
0xae: {  	v45 =	vld [tilespmem:$0xC750];
	[tilespmem:$0x11600] =	vst v40  }
0xaf: {  	v46 =	vld [tilespmem:$0xC760];
	[tilespmem:$0x11610] =	vst v41  }
0xb0: {  	v47 =	vld [tilespmem:$0xC770];
	[tilespmem:$0x11620] =	vst v42  }
0xb1: {  	[tilespmem:$0x11630] =	vst v43  }
0xb2: {  	[tilespmem:$0x11640] =	vst v44  }
0xb3: {  	[tilespmem:$0x11650] =	vst v45  }
0xb4: {  	[tilespmem:$0x11660] =	vst v46  }
0xb5: {  	s28 =	simm.s32 $0x11600;
	s30 =	simm.s32 $0x11C00;
	[tilespmem:$0x11670] =	vst v47  }
0xb6: {  	[tilespmem:s30], [sflag:$0x4] =	stream.indirect.gather [hbm4b:s6+s15], $0x1, s28, s15, $0xb8;
	[tilespmem:$0x12180] =	vst v63  }
0xb7: {  	v48 =	vld [tilespmem:$0xC780]  }
0xb8: {  	v49 =	vld [tilespmem:$0xC790]  }
0xb9: {  	v50 =	vld [tilespmem:$0xC7A0]  }
0xba: {  	v51 =	vld [tilespmem:$0xC7B0]  }
0xbb: {  	v52 =	vld [tilespmem:$0xC7C0]  }
0xbc: {  	v53 =	vld [tilespmem:$0xC7D0];
	[tilespmem:$0x11680] =	vst v48  }
0xbd: {  	v54 =	vld [tilespmem:$0xC7E0];
	[tilespmem:$0x11690] =	vst v49  }
0xbe: {  	v55 =	vld [tilespmem:$0xC7F0];
	[tilespmem:$0x116A0] =	vst v50  }
0xbf: {  	[tilespmem:$0x116B0] =	vst v51  }
0xc0: {  	[tilespmem:$0x116C0] =	vst v52  }
0xc1: {  	[tilespmem:$0x116D0] =	vst v53  }
0xc2: {  	[tilespmem:$0x116E0] =	vst v54  }
0xc3: {  	s28 =	simm.s32 $0x11680;
	s30 =	simm.s32 $0x11C80;
	[tilespmem:$0x116F0] =	vst v55  }
0xc4: {  	[tilespmem:s30], [sflag:$0x5] =	stream.indirect.gather [hbm4b:s6+s15], $0x1, s28, s15, $0xb8;
	[tilespmem:$0x12180] =	vst v63  }
0xc5: {  	v56 =	vld [tilespmem:$0xC800]  }
0xc6: {  	v57 =	vld [tilespmem:$0xC810]  }
0xc7: {  	v58 =	vld [tilespmem:$0xC820]  }
0xc8: {  	v59 =	vld [tilespmem:$0xC830]  }
0xc9: {  	v60 =	vld [tilespmem:$0xC840]  }
0xca: {  	v61 =	vld [tilespmem:$0xC850];
	[tilespmem:$0x11700] =	vst v56  }
0xcb: {  	v62 =	vld [tilespmem:$0xC860];
	[tilespmem:$0x11710] =	vst v57  }
0xcc: {  	v63 =	vld [tilespmem:$0xC870];
	[tilespmem:$0x11720] =	vst v58  }
0xcd: {  	[tilespmem:$0x11730] =	vst v59  }
0xce: {  	[tilespmem:$0x11740] =	vst v60  }
0xcf: {  	[tilespmem:$0x11750] =	vst v61  }
0xd0: {  	[tilespmem:$0x11760] =	vst v62  }
0xd1: {  	s25 =	simm.s32 $0x0;
	s28 =	simm.s32 $0x11700;
	s30 =	simm.s32 $0x11D00;
	[tilespmem:$0x11770] =	vst v63  }
0xd2: {  	[tilespmem:s30], [sflag:$0x6] =	stream.indirect.gather [hbm4b:s6+s15], $0x1, s28, s15, $0xb8;
	[tilespmem:$0x12180] =	vst v63  }
.LBB2_4:
0xd3: {  	_ =	swait.ge [sflag:s29], $0x80  }
0xd4: {  	p0 =	seq.s32 s25, $0x0;
	[sflag:s29] =	ssyncset.done $0x0  }
0xd5: {  	s26 =	simm.s32 @!p0 $0x7;
	[sflag:s29] =	ssyncadd.s32 $0xFFFFFF80  }
0xd6: {  	_ =	swait.ge @!p0 [sflag:s26], $0x80  }
0xd7: {  	[sflag:s26] =	ssyncset.done @!p0 $0x0  }
0xd8: {  	[sflag:s26] =	ssyncadd.s32 @!p0 $0xFFFFFF80  }
0xd9: {  	s26 =	sshra.s32 s25, $0x2;
	v0 =	vld [tilespmem:$0x11A80]  }
0xda: {  	v1 =	vld [tilespmem:s26+$0xED00]  }
0xdb: {  	v2 =	vld [tilespmem:$0x11480];
	_ =	sdelay $0x3  }
0xdc: {  	v0 =	vadd.f32 v1, v0  }
0xdd: {  	[tilespmem:$0x11780] =	vst v2  }
0xde: {  	v43 =	vld [tilespmem:$0x11A90];
	[tilespmem:$0x11D80] =	vst v0  }
0xdf: {  	v44 =	vld [tilespmem:s26+$0xED10]  }
0xe0: {  	v45 =	vld [tilespmem:$0x11490];
	_ =	sdelay $0x3  }
0xe1: {  	v0 =	vadd.f32 v44, v43  }
0xe2: {  	[tilespmem:$0x11790] =	vst v45  }
0xe3: {  	v46 =	vld [tilespmem:$0x11AA0];
	[tilespmem:$0x11D90] =	vst v0  }
0xe4: {  	v47 =	vld [tilespmem:s26+$0xED20]  }
0xe5: {  	v48 =	vld [tilespmem:$0x114A0];
	_ =	sdelay $0x3  }
0xe6: {  	v0 =	vadd.f32 v47, v46  }
0xe7: {  	[tilespmem:$0x117A0] =	vst v48  }
0xe8: {  	v49 =	vld [tilespmem:$0x11AB0];
	[tilespmem:$0x11DA0] =	vst v0  }
0xe9: {  	v50 =	vld [tilespmem:s26+$0xED30]  }
0xea: {  	v51 =	vld [tilespmem:$0x114B0];
	_ =	sdelay $0x3  }
0xeb: {  	v0 =	vadd.f32 v50, v49  }
0xec: {  	[tilespmem:$0x117B0] =	vst v51  }
0xed: {  	v52 =	vld [tilespmem:$0x11AC0];
	[tilespmem:$0x11DB0] =	vst v0  }
0xee: {  	v53 =	vld [tilespmem:s26+$0xED40]  }
0xef: {  	v54 =	vld [tilespmem:$0x114C0];
	_ =	sdelay $0x3  }
0xf0: {  	v0 =	vadd.f32 v53, v52  }
0xf1: {  	[tilespmem:$0x117C0] =	vst v54  }
0xf2: {  	v55 =	vld [tilespmem:$0x11AD0];
	[tilespmem:$0x11DC0] =	vst v0  }
0xf3: {  	v56 =	vld [tilespmem:s26+$0xED50]  }
0xf4: {  	v57 =	vld [tilespmem:$0x114D0];
	_ =	sdelay $0x3  }
0xf5: {  	v0 =	vadd.f32 v56, v55  }
0xf6: {  	[tilespmem:$0x117D0] =	vst v57  }
0xf7: {  	v58 =	vld [tilespmem:$0x11AE0];
	[tilespmem:$0x11DD0] =	vst v0  }
0xf8: {  	v59 =	vld [tilespmem:s26+$0xED60]  }
0xf9: {  	v60 =	vld [tilespmem:$0x114E0];
	_ =	sdelay $0x3  }
0xfa: {  	v0 =	vadd.f32 v59, v58  }
0xfb: {  	[tilespmem:$0x117E0] =	vst v60  }
0xfc: {  	v61 =	vld [tilespmem:$0x11AF0];
	[tilespmem:$0x11DE0] =	vst v0  }
0xfd: {  	v62 =	vld [tilespmem:s26+$0xED70]  }
0xfe: {  	v63 =	vld [tilespmem:$0x114F0];
	_ =	sdelay $0x1  }
0xff: {  	p1 =	sne.s32 s25, $0x9000  }
.Ltmp3:
0x100: {  	_ = 	snop;
	(pc) =	sbr.rel @p1 .LBB2_6-.Ltmp3, $4  }
0x101: {  	v0 =	vadd.f32 v62, v61  }
0x102: {  	[tilespmem:$0x117F0] =	vst v63  }
0x103: {  	s28 =	simm.s32 $0x11780;
	[tilespmem:$0x11DF0] =	vst v0  }
0x104: {  	[hbm4b:s6+s15] =	stream.indirect.scatter [tilespmem:s31], [sflag:$0x7], $0x1, s28, s15, $0xb8;
	[tilespmem:$0x12180] =	vst v63  }
.Ltmp4:
0x105: {  	(pc) =	sbr.rel .LBB2_7-.Ltmp4, $4  }
0x106: {  	_ = 	snop  }
0x107: {  	_ =	swait.ge [sflag:s1], $0x80  }
0x108: {  	[sflag:s1] =	ssyncset.done $0x0  }
0x109: {  	[sflag:s1] =	ssyncadd.s32 $0xFFFFFF80  }
.LBB2_6:
0x10a: {  	v0 =	vld [tilespmem:s26+$0xC880];
	_ =	sdelay $0x4  }
0x10b: {  	[tilespmem:$0x11480] =	vst v0  }
0x10c: {  	v0 =	vld [tilespmem:s26+$0xC890];
	_ =	sdelay $0x4  }
0x10d: {  	[tilespmem:$0x11490] =	vst v0  }
0x10e: {  	v0 =	vld [tilespmem:s26+$0xC8A0];
	_ =	sdelay $0x4  }
0x10f: {  	[tilespmem:$0x114A0] =	vst v0  }
0x110: {  	v0 =	vld [tilespmem:s26+$0xC8B0];
	_ =	sdelay $0x4  }
0x111: {  	[tilespmem:$0x114B0] =	vst v0  }
0x112: {  	v0 =	vld [tilespmem:s26+$0xC8C0];
	_ =	sdelay $0x4  }
0x113: {  	[tilespmem:$0x114C0] =	vst v0  }
0x114: {  	v0 =	vld [tilespmem:s26+$0xC8D0];
	_ =	sdelay $0x4  }
0x115: {  	[tilespmem:$0x114D0] =	vst v0  }
0x116: {  	v0 =	vld [tilespmem:s26+$0xC8E0];
	_ =	sdelay $0x4  }
0x117: {  	[tilespmem:$0x114E0] =	vst v0  }
0x118: {  	v0 =	vld [tilespmem:s26+$0xC8F0];
	_ =	sdelay $0x4  }
.Ltmp5:
0x119: {  	s28 =	simm.s32 $0x11480;
	s30 =	simm.s32 $0x11A80;
	[tilespmem:$0x114F0] =	vst v0;
	(pc) =	sbr.rel @p0 .LBB2_8-.Ltmp5, $4  }
0x11a: {  	[tilespmem:s30], [sflag:$0x1] =	stream.indirect.gather [hbm4b:s6+s15], $0x1, s28, s15, $0xb8;
	[tilespmem:$0x12180] =	vst v63  }
0x11b: {  	_ =	swait.ge [sflag:s1], $0x80  }
0x11c: {  	[sflag:s1] =	ssyncset.done $0x0  }
0x11d: {  	[sflag:s1] =	ssyncadd.s32 $0xFFFFFF80  }
.LBB2_7:
0x11e: {  	_ =	swait.ge [sflag:s0], $0x80  }
0x11f: {  	[sflag:s0] =	ssyncset.done $0x0  }
0x120: {  	[sflag:s0] =	ssyncadd.s32 $0xFFFFFF80  }
.LBB2_8:
0x121: {  	v0 =	vld [tilespmem:$0x11B00]  }
0x122: {  	v1 =	vld [tilespmem:s26+$0xED80]  }
0x123: {  	v2 =	vld [tilespmem:$0x11500];
	_ =	sdelay $0x3  }
0x124: {  	v0 =	vadd.f32 v1, v0  }
0x125: {  	[tilespmem:$0x11800] =	vst v2  }
0x126: {  	v43 =	vld [tilespmem:$0x11B10];
	[tilespmem:$0x11E00] =	vst v0  }
0x127: {  	v44 =	vld [tilespmem:s26+$0xED90]  }
0x128: {  	v45 =	vld [tilespmem:$0x11510];
	_ =	sdelay $0x3  }
0x129: {  	v0 =	vadd.f32 v44, v43  }
0x12a: {  	[tilespmem:$0x11810] =	vst v45  }
0x12b: {  	v46 =	vld [tilespmem:$0x11B20];
	[tilespmem:$0x11E10] =	vst v0  }
0x12c: {  	v47 =	vld [tilespmem:s26+$0xEDA0]  }
0x12d: {  	v48 =	vld [tilespmem:$0x11520];
	_ =	sdelay $0x3  }
0x12e: {  	v0 =	vadd.f32 v47, v46  }
0x12f: {  	[tilespmem:$0x11820] =	vst v48  }
0x130: {  	v49 =	vld [tilespmem:$0x11B30];
	[tilespmem:$0x11E20] =	vst v0  }
0x131: {  	v50 =	vld [tilespmem:s26+$0xEDB0]  }
0x132: {  	v51 =	vld [tilespmem:$0x11530];
	_ =	sdelay $0x3  }
0x133: {  	v0 =	vadd.f32 v50, v49  }
0x134: {  	[tilespmem:$0x11830] =	vst v51  }
0x135: {  	v52 =	vld [tilespmem:$0x11B40];
	[tilespmem:$0x11E30] =	vst v0  }
0x136: {  	v53 =	vld [tilespmem:s26+$0xEDC0]  }
0x137: {  	v54 =	vld [tilespmem:$0x11540];
	_ =	sdelay $0x3  }
0x138: {  	v0 =	vadd.f32 v53, v52  }
0x139: {  	[tilespmem:$0x11840] =	vst v54  }
0x13a: {  	v55 =	vld [tilespmem:$0x11B50];
	[tilespmem:$0x11E40] =	vst v0  }
0x13b: {  	v56 =	vld [tilespmem:s26+$0xEDD0]  }
0x13c: {  	v57 =	vld [tilespmem:$0x11550];
	_ =	sdelay $0x3  }
0x13d: {  	v0 =	vadd.f32 v56, v55  }
0x13e: {  	[tilespmem:$0x11850] =	vst v57  }
0x13f: {  	v58 =	vld [tilespmem:$0x11B60];
	[tilespmem:$0x11E50] =	vst v0  }
0x140: {  	v59 =	vld [tilespmem:s26+$0xEDE0]  }
0x141: {  	v60 =	vld [tilespmem:$0x11560];
	_ =	sdelay $0x3  }
0x142: {  	v0 =	vadd.f32 v59, v58  }
0x143: {  	[tilespmem:$0x11860] =	vst v60  }
0x144: {  	v61 =	vld [tilespmem:$0x11B70];
	[tilespmem:$0x11E60] =	vst v0  }
0x145: {  	v62 =	vld [tilespmem:s26+$0xEDF0]  }
0x146: {  	v63 =	vld [tilespmem:$0x11570];
	_ =	sdelay $0x2  }
.Ltmp6:
0x147: {  	_ = 	snop;
	(pc) =	sbr.rel @p1 .LBB2_10-.Ltmp6, $4  }
0x148: {  	v0 =	vadd.f32 v62, v61  }
0x149: {  	[tilespmem:$0x11870] =	vst v63  }
0x14a: {  	[tilespmem:$0x11E70] =	vst v0  }
0x14b: {  	[hbm4b:s6+s15] =	stream.indirect.scatter [tilespmem:s11], [sflag:$0x8], $0x1, s2, s15, $0xb8;
	[tilespmem:$0x12180] =	vst v63  }
.Ltmp7:
0x14c: {  	(pc) =	sbr.rel .LBB2_11-.Ltmp7, $4  }
0x14d: {  	_ = 	snop  }
0x14e: {  	_ =	swait.ge [sflag:s4], $0x80  }
0x14f: {  	[sflag:s4] =	ssyncset.done $0x0  }
0x150: {  	[sflag:s4] =	ssyncadd.s32 $0xFFFFFF80  }
.LBB2_10:
0x151: {  	v0 =	vld [tilespmem:s26+$0xC900];
	_ =	sdelay $0x4  }
0x152: {  	[tilespmem:$0x11500] =	vst v0  }
0x153: {  	v0 =	vld [tilespmem:s26+$0xC910];
	_ =	sdelay $0x4  }
0x154: {  	[tilespmem:$0x11510] =	vst v0  }
0x155: {  	v0 =	vld [tilespmem:s26+$0xC920];
	_ =	sdelay $0x4  }
0x156: {  	[tilespmem:$0x11520] =	vst v0  }
0x157: {  	v0 =	vld [tilespmem:s26+$0xC930];
	_ =	sdelay $0x4  }
0x158: {  	[tilespmem:$0x11530] =	vst v0  }
0x159: {  	v0 =	vld [tilespmem:s26+$0xC940];
	_ =	sdelay $0x4  }
0x15a: {  	[tilespmem:$0x11540] =	vst v0  }
0x15b: {  	v0 =	vld [tilespmem:s26+$0xC950];
	_ =	sdelay $0x4  }
0x15c: {  	[tilespmem:$0x11550] =	vst v0  }
0x15d: {  	v0 =	vld [tilespmem:s26+$0xC960];
	_ =	sdelay $0x4  }
0x15e: {  	[tilespmem:$0x11560] =	vst v0  }
0x15f: {  	v0 =	vld [tilespmem:s26+$0xC970];
	_ =	sdelay $0x4  }
.Ltmp8:
0x160: {  	s28 =	simm.s32 $0x11500;
	s30 =	simm.s32 $0x11B00;
	[tilespmem:$0x11570] =	vst v0;
	(pc) =	sbr.rel @p0 .LBB2_12-.Ltmp8, $4  }
0x161: {  	[tilespmem:s30], [sflag:$0x2] =	stream.indirect.gather [hbm4b:s6+s15], $0x1, s28, s15, $0xb8;
	[tilespmem:$0x12180] =	vst v63  }
0x162: {  	_ =	swait.ge [sflag:s4], $0x80  }
0x163: {  	[sflag:s4] =	ssyncset.done $0x0  }
0x164: {  	[sflag:s4] =	ssyncadd.s32 $0xFFFFFF80  }
.LBB2_11:
0x165: {  	_ =	swait.ge [sflag:s5], $0x80  }
0x166: {  	[sflag:s5] =	ssyncset.done $0x0  }
0x167: {  	[sflag:s5] =	ssyncadd.s32 $0xFFFFFF80  }
.LBB2_12:
0x168: {  	v0 =	vld [tilespmem:$0x11B80]  }
0x169: {  	v1 =	vld [tilespmem:s26+$0xEE00]  }
0x16a: {  	v2 =	vld [tilespmem:$0x11580];
	_ =	sdelay $0x3  }
0x16b: {  	v0 =	vadd.f32 v1, v0  }
0x16c: {  	[tilespmem:$0x11880] =	vst v2  }
0x16d: {  	v43 =	vld [tilespmem:$0x11B90];
	[tilespmem:$0x11E80] =	vst v0  }
0x16e: {  	v44 =	vld [tilespmem:s26+$0xEE10]  }
0x16f: {  	v45 =	vld [tilespmem:$0x11590];
	_ =	sdelay $0x3  }
0x170: {  	v0 =	vadd.f32 v44, v43  }
0x171: {  	[tilespmem:$0x11890] =	vst v45  }
0x172: {  	v46 =	vld [tilespmem:$0x11BA0];
	[tilespmem:$0x11E90] =	vst v0  }
0x173: {  	v47 =	vld [tilespmem:s26+$0xEE20]  }
0x174: {  	v48 =	vld [tilespmem:$0x115A0];
	_ =	sdelay $0x3  }
0x175: {  	v0 =	vadd.f32 v47, v46  }
0x176: {  	[tilespmem:$0x118A0] =	vst v48  }
0x177: {  	v49 =	vld [tilespmem:$0x11BB0];
	[tilespmem:$0x11EA0] =	vst v0  }
0x178: {  	v50 =	vld [tilespmem:s26+$0xEE30]  }
0x179: {  	v51 =	vld [tilespmem:$0x115B0];
	_ =	sdelay $0x3  }
0x17a: {  	v0 =	vadd.f32 v50, v49  }
0x17b: {  	[tilespmem:$0x118B0] =	vst v51  }
0x17c: {  	v52 =	vld [tilespmem:$0x11BC0];
	[tilespmem:$0x11EB0] =	vst v0  }
0x17d: {  	v53 =	vld [tilespmem:s26+$0xEE40]  }
0x17e: {  	v54 =	vld [tilespmem:$0x115C0];
	_ =	sdelay $0x3  }
0x17f: {  	v0 =	vadd.f32 v53, v52  }
0x180: {  	[tilespmem:$0x118C0] =	vst v54  }
0x181: {  	v55 =	vld [tilespmem:$0x11BD0];
	[tilespmem:$0x11EC0] =	vst v0  }
0x182: {  	v56 =	vld [tilespmem:s26+$0xEE50]  }
0x183: {  	v57 =	vld [tilespmem:$0x115D0];
	_ =	sdelay $0x3  }
0x184: {  	v0 =	vadd.f32 v56, v55  }
0x185: {  	[tilespmem:$0x118D0] =	vst v57  }
0x186: {  	v58 =	vld [tilespmem:$0x11BE0];
	[tilespmem:$0x11ED0] =	vst v0  }
0x187: {  	v59 =	vld [tilespmem:s26+$0xEE60]  }
0x188: {  	v60 =	vld [tilespmem:$0x115E0];
	_ =	sdelay $0x3  }
0x189: {  	v0 =	vadd.f32 v59, v58  }
0x18a: {  	[tilespmem:$0x118E0] =	vst v60  }
0x18b: {  	v61 =	vld [tilespmem:$0x11BF0];
	[tilespmem:$0x11EE0] =	vst v0  }
0x18c: {  	v62 =	vld [tilespmem:s26+$0xEE70]  }
0x18d: {  	v63 =	vld [tilespmem:$0x115F0];
	_ =	sdelay $0x2  }
.Ltmp9:
0x18e: {  	_ = 	snop;
	(pc) =	sbr.rel @p1 .LBB2_14-.Ltmp9, $4  }
0x18f: {  	v0 =	vadd.f32 v62, v61  }
0x190: {  	[tilespmem:$0x118F0] =	vst v63  }
0x191: {  	[tilespmem:$0x11EF0] =	vst v0  }
0x192: {  	[hbm4b:s6+s15] =	stream.indirect.scatter [tilespmem:s8], [sflag:$0x9], $0x1, s7, s15, $0xb8;
	[tilespmem:$0x12180] =	vst v63  }
.Ltmp10:
0x193: {  	(pc) =	sbr.rel .LBB2_15-.Ltmp10, $4  }
0x194: {  	_ = 	snop  }
0x195: {  	_ =	swait.ge [sflag:s9], $0x80  }
0x196: {  	[sflag:s9] =	ssyncset.done $0x0  }
0x197: {  	[sflag:s9] =	ssyncadd.s32 $0xFFFFFF80  }
.LBB2_14:
0x198: {  	v0 =	vld [tilespmem:s26+$0xC980];
	_ =	sdelay $0x4  }
0x199: {  	[tilespmem:$0x11580] =	vst v0  }
0x19a: {  	v0 =	vld [tilespmem:s26+$0xC990];
	_ =	sdelay $0x4  }
0x19b: {  	[tilespmem:$0x11590] =	vst v0  }
0x19c: {  	v0 =	vld [tilespmem:s26+$0xC9A0];
	_ =	sdelay $0x4  }
0x19d: {  	[tilespmem:$0x115A0] =	vst v0  }
0x19e: {  	v0 =	vld [tilespmem:s26+$0xC9B0];
	_ =	sdelay $0x4  }
0x19f: {  	[tilespmem:$0x115B0] =	vst v0  }
0x1a0: {  	v0 =	vld [tilespmem:s26+$0xC9C0];
	_ =	sdelay $0x4  }
0x1a1: {  	[tilespmem:$0x115C0] =	vst v0  }
0x1a2: {  	v0 =	vld [tilespmem:s26+$0xC9D0];
	_ =	sdelay $0x4  }
0x1a3: {  	[tilespmem:$0x115D0] =	vst v0  }
0x1a4: {  	v0 =	vld [tilespmem:s26+$0xC9E0];
	_ =	sdelay $0x4  }
0x1a5: {  	[tilespmem:$0x115E0] =	vst v0  }
0x1a6: {  	v0 =	vld [tilespmem:s26+$0xC9F0];
	_ =	sdelay $0x4  }
.Ltmp11:
0x1a7: {  	s28 =	simm.s32 $0x11580;
	s30 =	simm.s32 $0x11B80;
	[tilespmem:$0x115F0] =	vst v0;
	(pc) =	sbr.rel @p0 .LBB2_16-.Ltmp11, $4  }
0x1a8: {  	[tilespmem:s30], [sflag:$0x3] =	stream.indirect.gather [hbm4b:s6+s15], $0x1, s28, s15, $0xb8;
	[tilespmem:$0x12180] =	vst v63  }
0x1a9: {  	_ =	swait.ge [sflag:s9], $0x80  }
0x1aa: {  	[sflag:s9] =	ssyncset.done $0x0  }
0x1ab: {  	[sflag:s9] =	ssyncadd.s32 $0xFFFFFF80  }
.LBB2_15:
0x1ac: {  	_ =	swait.ge [sflag:s3], $0x80  }
0x1ad: {  	[sflag:s3] =	ssyncset.done $0x0  }
0x1ae: {  	[sflag:s3] =	ssyncadd.s32 $0xFFFFFF80  }
.LBB2_16:
0x1af: {  	v0 =	vld [tilespmem:$0x11C00]  }
0x1b0: {  	v1 =	vld [tilespmem:s26+$0xEE80]  }
0x1b1: {  	v2 =	vld [tilespmem:$0x11600];
	_ =	sdelay $0x3  }
0x1b2: {  	v0 =	vadd.f32 v1, v0  }
0x1b3: {  	[tilespmem:$0x11900] =	vst v2  }
0x1b4: {  	v43 =	vld [tilespmem:$0x11C10];
	[tilespmem:$0x11F00] =	vst v0  }
0x1b5: {  	v44 =	vld [tilespmem:s26+$0xEE90]  }
0x1b6: {  	v45 =	vld [tilespmem:$0x11610];
	_ =	sdelay $0x3  }
0x1b7: {  	v0 =	vadd.f32 v44, v43  }
0x1b8: {  	[tilespmem:$0x11910] =	vst v45  }
0x1b9: {  	v46 =	vld [tilespmem:$0x11C20];
	[tilespmem:$0x11F10] =	vst v0  }
0x1ba: {  	v47 =	vld [tilespmem:s26+$0xEEA0]  }
0x1bb: {  	v48 =	vld [tilespmem:$0x11620];
	_ =	sdelay $0x3  }
0x1bc: {  	v0 =	vadd.f32 v47, v46  }
0x1bd: {  	[tilespmem:$0x11920] =	vst v48  }
0x1be: {  	v49 =	vld [tilespmem:$0x11C30];
	[tilespmem:$0x11F20] =	vst v0  }
0x1bf: {  	v50 =	vld [tilespmem:s26+$0xEEB0]  }
0x1c0: {  	v51 =	vld [tilespmem:$0x11630];
	_ =	sdelay $0x3  }
0x1c1: {  	v0 =	vadd.f32 v50, v49  }
0x1c2: {  	[tilespmem:$0x11930] =	vst v51  }
0x1c3: {  	v52 =	vld [tilespmem:$0x11C40];
	[tilespmem:$0x11F30] =	vst v0  }
0x1c4: {  	v53 =	vld [tilespmem:s26+$0xEEC0]  }
0x1c5: {  	v54 =	vld [tilespmem:$0x11640];
	_ =	sdelay $0x3  }
0x1c6: {  	v0 =	vadd.f32 v53, v52  }
0x1c7: {  	[tilespmem:$0x11940] =	vst v54  }
0x1c8: {  	v55 =	vld [tilespmem:$0x11C50];
	[tilespmem:$0x11F40] =	vst v0  }
0x1c9: {  	v56 =	vld [tilespmem:s26+$0xEED0]  }
0x1ca: {  	v57 =	vld [tilespmem:$0x11650];
	_ =	sdelay $0x3  }
0x1cb: {  	v0 =	vadd.f32 v56, v55  }
0x1cc: {  	[tilespmem:$0x11950] =	vst v57  }
0x1cd: {  	v58 =	vld [tilespmem:$0x11C60];
	[tilespmem:$0x11F50] =	vst v0  }
0x1ce: {  	v59 =	vld [tilespmem:s26+$0xEEE0]  }
0x1cf: {  	v60 =	vld [tilespmem:$0x11660];
	_ =	sdelay $0x3  }
0x1d0: {  	v0 =	vadd.f32 v59, v58  }
0x1d1: {  	[tilespmem:$0x11960] =	vst v60  }
0x1d2: {  	v61 =	vld [tilespmem:$0x11C70];
	[tilespmem:$0x11F60] =	vst v0  }
0x1d3: {  	v62 =	vld [tilespmem:s26+$0xEEF0]  }
0x1d4: {  	v63 =	vld [tilespmem:$0x11670];
	_ =	sdelay $0x2  }
.Ltmp12:
0x1d5: {  	_ = 	snop;
	(pc) =	sbr.rel @p1 .LBB2_18-.Ltmp12, $4  }
0x1d6: {  	v0 =	vadd.f32 v62, v61  }
0x1d7: {  	[tilespmem:$0x11970] =	vst v63  }
0x1d8: {  	[tilespmem:$0x11F70] =	vst v0  }
0x1d9: {  	[hbm4b:s6+s15] =	stream.indirect.scatter [tilespmem:s16], [sflag:$0xA], $0x1, s10, s15, $0xb8;
	[tilespmem:$0x12180] =	vst v63  }
.Ltmp13:
0x1da: {  	(pc) =	sbr.rel .LBB2_19-.Ltmp13, $4  }
0x1db: {  	_ = 	snop  }
0x1dc: {  	_ =	swait.ge [sflag:s17], $0x80  }
0x1dd: {  	[sflag:s17] =	ssyncset.done $0x0  }
0x1de: {  	[sflag:s17] =	ssyncadd.s32 $0xFFFFFF80  }
.LBB2_18:
0x1df: {  	v0 =	vld [tilespmem:s26+$0xCA00];
	_ =	sdelay $0x4  }
0x1e0: {  	[tilespmem:$0x11600] =	vst v0  }
0x1e1: {  	v0 =	vld [tilespmem:s26+$0xCA10];
	_ =	sdelay $0x4  }
0x1e2: {  	[tilespmem:$0x11610] =	vst v0  }
0x1e3: {  	v0 =	vld [tilespmem:s26+$0xCA20];
	_ =	sdelay $0x4  }
0x1e4: {  	[tilespmem:$0x11620] =	vst v0  }
0x1e5: {  	v0 =	vld [tilespmem:s26+$0xCA30];
	_ =	sdelay $0x4  }
0x1e6: {  	[tilespmem:$0x11630] =	vst v0  }
0x1e7: {  	v0 =	vld [tilespmem:s26+$0xCA40];
	_ =	sdelay $0x4  }
0x1e8: {  	[tilespmem:$0x11640] =	vst v0  }
0x1e9: {  	v0 =	vld [tilespmem:s26+$0xCA50];
	_ =	sdelay $0x4  }
0x1ea: {  	[tilespmem:$0x11650] =	vst v0  }
0x1eb: {  	v0 =	vld [tilespmem:s26+$0xCA60];
	_ =	sdelay $0x4  }
0x1ec: {  	[tilespmem:$0x11660] =	vst v0  }
0x1ed: {  	v0 =	vld [tilespmem:s26+$0xCA70];
	_ =	sdelay $0x4  }
.Ltmp14:
0x1ee: {  	s28 =	simm.s32 $0x11600;
	s30 =	simm.s32 $0x11C00;
	[tilespmem:$0x11670] =	vst v0;
	(pc) =	sbr.rel @p0 .LBB2_20-.Ltmp14, $4  }
0x1ef: {  	[tilespmem:s30], [sflag:$0x4] =	stream.indirect.gather [hbm4b:s6+s15], $0x1, s28, s15, $0xb8;
	[tilespmem:$0x12180] =	vst v63  }
0x1f0: {  	_ =	swait.ge [sflag:s17], $0x80  }
0x1f1: {  	[sflag:s17] =	ssyncset.done $0x0  }
0x1f2: {  	[sflag:s17] =	ssyncadd.s32 $0xFFFFFF80  }
.LBB2_19:
0x1f3: {  	_ =	swait.ge [sflag:s18], $0x80  }
0x1f4: {  	[sflag:s18] =	ssyncset.done $0x0  }
0x1f5: {  	[sflag:s18] =	ssyncadd.s32 $0xFFFFFF80  }
.LBB2_20:
0x1f6: {  	v0 =	vld [tilespmem:$0x11C80]  }
0x1f7: {  	v1 =	vld [tilespmem:s26+$0xEF00]  }
0x1f8: {  	v2 =	vld [tilespmem:$0x11680];
	_ =	sdelay $0x3  }
0x1f9: {  	v0 =	vadd.f32 v1, v0  }
0x1fa: {  	[tilespmem:$0x11980] =	vst v2  }
0x1fb: {  	v43 =	vld [tilespmem:$0x11C90];
	[tilespmem:$0x11F80] =	vst v0  }
0x1fc: {  	v44 =	vld [tilespmem:s26+$0xEF10]  }
0x1fd: {  	v45 =	vld [tilespmem:$0x11690];
	_ =	sdelay $0x3  }
0x1fe: {  	v0 =	vadd.f32 v44, v43  }
0x1ff: {  	[tilespmem:$0x11990] =	vst v45  }
0x200: {  	v46 =	vld [tilespmem:$0x11CA0];
	[tilespmem:$0x11F90] =	vst v0  }
0x201: {  	v47 =	vld [tilespmem:s26+$0xEF20]  }
0x202: {  	v48 =	vld [tilespmem:$0x116A0];
	_ =	sdelay $0x3  }
0x203: {  	v0 =	vadd.f32 v47, v46  }
0x204: {  	[tilespmem:$0x119A0] =	vst v48  }
0x205: {  	v49 =	vld [tilespmem:$0x11CB0];
	[tilespmem:$0x11FA0] =	vst v0  }
0x206: {  	v50 =	vld [tilespmem:s26+$0xEF30]  }
0x207: {  	v51 =	vld [tilespmem:$0x116B0];
	_ =	sdelay $0x3  }
0x208: {  	v0 =	vadd.f32 v50, v49  }
0x209: {  	[tilespmem:$0x119B0] =	vst v51  }
0x20a: {  	v52 =	vld [tilespmem:$0x11CC0];
	[tilespmem:$0x11FB0] =	vst v0  }
0x20b: {  	v53 =	vld [tilespmem:s26+$0xEF40]  }
0x20c: {  	v54 =	vld [tilespmem:$0x116C0];
	_ =	sdelay $0x3  }
0x20d: {  	v0 =	vadd.f32 v53, v52  }
0x20e: {  	[tilespmem:$0x119C0] =	vst v54  }
0x20f: {  	v55 =	vld [tilespmem:$0x11CD0];
	[tilespmem:$0x11FC0] =	vst v0  }
0x210: {  	v56 =	vld [tilespmem:s26+$0xEF50]  }
0x211: {  	v57 =	vld [tilespmem:$0x116D0];
	_ =	sdelay $0x3  }
0x212: {  	v0 =	vadd.f32 v56, v55  }
0x213: {  	[tilespmem:$0x119D0] =	vst v57  }
0x214: {  	v58 =	vld [tilespmem:$0x11CE0];
	[tilespmem:$0x11FD0] =	vst v0  }
0x215: {  	v59 =	vld [tilespmem:s26+$0xEF60]  }
0x216: {  	v60 =	vld [tilespmem:$0x116E0];
	_ =	sdelay $0x3  }
0x217: {  	v0 =	vadd.f32 v59, v58  }
0x218: {  	[tilespmem:$0x119E0] =	vst v60  }
0x219: {  	v61 =	vld [tilespmem:$0x11CF0];
	[tilespmem:$0x11FE0] =	vst v0  }
0x21a: {  	v62 =	vld [tilespmem:s26+$0xEF70]  }
0x21b: {  	v63 =	vld [tilespmem:$0x116F0];
	_ =	sdelay $0x2  }
.Ltmp15:
0x21c: {  	_ = 	snop;
	(pc) =	sbr.rel @p1 .LBB2_22-.Ltmp15, $4  }
0x21d: {  	v0 =	vadd.f32 v62, v61  }
0x21e: {  	[tilespmem:$0x119F0] =	vst v63  }
0x21f: {  	[tilespmem:$0x11FF0] =	vst v0  }
0x220: {  	[hbm4b:s6+s15] =	stream.indirect.scatter [tilespmem:s20], [sflag:$0xB], $0x1, s19, s15, $0xb8;
	[tilespmem:$0x12180] =	vst v63  }
.Ltmp16:
0x221: {  	(pc) =	sbr.rel .LBB2_23-.Ltmp16, $4  }
0x222: {  	_ = 	snop  }
0x223: {  	_ =	swait.ge [sflag:s21], $0x80  }
0x224: {  	[sflag:s21] =	ssyncset.done $0x0  }
0x225: {  	[sflag:s21] =	ssyncadd.s32 $0xFFFFFF80  }
.LBB2_22:
0x226: {  	v0 =	vld [tilespmem:s26+$0xCA80];
	_ =	sdelay $0x4  }
0x227: {  	[tilespmem:$0x11680] =	vst v0  }
0x228: {  	v0 =	vld [tilespmem:s26+$0xCA90];
	_ =	sdelay $0x4  }
0x229: {  	[tilespmem:$0x11690] =	vst v0  }
0x22a: {  	v0 =	vld [tilespmem:s26+$0xCAA0];
	_ =	sdelay $0x4  }
0x22b: {  	[tilespmem:$0x116A0] =	vst v0  }
0x22c: {  	v0 =	vld [tilespmem:s26+$0xCAB0];
	_ =	sdelay $0x4  }
0x22d: {  	[tilespmem:$0x116B0] =	vst v0  }
0x22e: {  	v0 =	vld [tilespmem:s26+$0xCAC0];
	_ =	sdelay $0x4  }
0x22f: {  	[tilespmem:$0x116C0] =	vst v0  }
0x230: {  	v0 =	vld [tilespmem:s26+$0xCAD0];
	_ =	sdelay $0x4  }
0x231: {  	[tilespmem:$0x116D0] =	vst v0  }
0x232: {  	v0 =	vld [tilespmem:s26+$0xCAE0];
	_ =	sdelay $0x4  }
0x233: {  	[tilespmem:$0x116E0] =	vst v0  }
0x234: {  	v0 =	vld [tilespmem:s26+$0xCAF0];
	_ =	sdelay $0x4  }
.Ltmp17:
0x235: {  	s28 =	simm.s32 $0x11680;
	s30 =	simm.s32 $0x11C80;
	[tilespmem:$0x116F0] =	vst v0;
	(pc) =	sbr.rel @p0 .LBB2_24-.Ltmp17, $4  }
0x236: {  	[tilespmem:s30], [sflag:$0x5] =	stream.indirect.gather [hbm4b:s6+s15], $0x1, s28, s15, $0xb8;
	[tilespmem:$0x12180] =	vst v63  }
0x237: {  	_ =	swait.ge [sflag:s21], $0x80  }
0x238: {  	[sflag:s21] =	ssyncset.done $0x0  }
0x239: {  	[sflag:s21] =	ssyncadd.s32 $0xFFFFFF80  }
.LBB2_23:
0x23a: {  	_ =	swait.ge [sflag:s22], $0x80  }
0x23b: {  	[sflag:s22] =	ssyncset.done $0x0  }
0x23c: {  	[sflag:s22] =	ssyncadd.s32 $0xFFFFFF80  }
.LBB2_24:
0x23d: {  	v0 =	vld [tilespmem:$0x11D00]  }
0x23e: {  	v1 =	vld [tilespmem:s26+$0xEF80]  }
0x23f: {  	v2 =	vld [tilespmem:$0x11700];
	_ =	sdelay $0x3  }
0x240: {  	v0 =	vadd.f32 v1, v0  }
0x241: {  	[tilespmem:$0x11A00] =	vst v2  }
0x242: {  	v43 =	vld [tilespmem:$0x11D10];
	[tilespmem:$0x12000] =	vst v0  }
0x243: {  	v44 =	vld [tilespmem:s26+$0xEF90]  }
0x244: {  	v45 =	vld [tilespmem:$0x11710];
	_ =	sdelay $0x3  }
0x245: {  	v0 =	vadd.f32 v44, v43  }
0x246: {  	[tilespmem:$0x11A10] =	vst v45  }
0x247: {  	v46 =	vld [tilespmem:$0x11D20];
	[tilespmem:$0x12010] =	vst v0  }
0x248: {  	v47 =	vld [tilespmem:s26+$0xEFA0]  }
0x249: {  	v48 =	vld [tilespmem:$0x11720];
	_ =	sdelay $0x3  }
0x24a: {  	v0 =	vadd.f32 v47, v46  }
0x24b: {  	[tilespmem:$0x11A20] =	vst v48  }
0x24c: {  	v49 =	vld [tilespmem:$0x11D30];
	[tilespmem:$0x12020] =	vst v0  }
0x24d: {  	v50 =	vld [tilespmem:s26+$0xEFB0]  }
0x24e: {  	v51 =	vld [tilespmem:$0x11730];
	_ =	sdelay $0x3  }
0x24f: {  	v0 =	vadd.f32 v50, v49  }
0x250: {  	[tilespmem:$0x11A30] =	vst v51  }
0x251: {  	v52 =	vld [tilespmem:$0x11D40];
	[tilespmem:$0x12030] =	vst v0  }
0x252: {  	v53 =	vld [tilespmem:s26+$0xEFC0]  }
0x253: {  	v54 =	vld [tilespmem:$0x11740];
	_ =	sdelay $0x3  }
0x254: {  	v0 =	vadd.f32 v53, v52  }
0x255: {  	[tilespmem:$0x11A40] =	vst v54  }
0x256: {  	v55 =	vld [tilespmem:$0x11D50];
	[tilespmem:$0x12040] =	vst v0  }
0x257: {  	v56 =	vld [tilespmem:s26+$0xEFD0]  }
0x258: {  	v57 =	vld [tilespmem:$0x11750];
	_ =	sdelay $0x3  }
0x259: {  	v0 =	vadd.f32 v56, v55  }
0x25a: {  	[tilespmem:$0x11A50] =	vst v57  }
0x25b: {  	v58 =	vld [tilespmem:$0x11D60];
	[tilespmem:$0x12050] =	vst v0  }
0x25c: {  	v59 =	vld [tilespmem:s26+$0xEFE0]  }
0x25d: {  	v60 =	vld [tilespmem:$0x11760];
	_ =	sdelay $0x3  }
0x25e: {  	v0 =	vadd.f32 v59, v58  }
0x25f: {  	[tilespmem:$0x11A60] =	vst v60  }
0x260: {  	v61 =	vld [tilespmem:$0x11D70];
	[tilespmem:$0x12060] =	vst v0  }
0x261: {  	v62 =	vld [tilespmem:s26+$0xEFF0]  }
0x262: {  	v63 =	vld [tilespmem:$0x11770];
	_ =	sdelay $0x1  }
0x263: {  	p0 =	seq.s32 s25, $0x9000  }
.Ltmp18:
0x264: {  	_ = 	snop;
	(pc) =	sbr.rel @p0 .LBB2_26-.Ltmp18, $4  }
0x265: {  	v0 =	vadd.f32 v62, v61  }
0x266: {  	[tilespmem:$0x11A70] =	vst v63  }
0x267: {  	[tilespmem:$0x12070] =	vst v0  }
0x268: {  	[hbm4b:s6+s15] =	stream.indirect.scatter [tilespmem:s24], [sflag:$0xC], $0x1, s23, s15, $0xb8;
	[tilespmem:$0x12180] =	vst v63  }
0x269: {  	v0 =	vld [tilespmem:s26+$0xCB00];
	_ =	sdelay $0x4  }
0x26a: {  	[tilespmem:$0x11700] =	vst v0  }
0x26b: {  	v0 =	vld [tilespmem:s26+$0xCB10];
	_ =	sdelay $0x4  }
0x26c: {  	[tilespmem:$0x11710] =	vst v0  }
0x26d: {  	v0 =	vld [tilespmem:s26+$0xCB20];
	_ =	sdelay $0x4  }
0x26e: {  	[tilespmem:$0x11720] =	vst v0  }
0x26f: {  	v0 =	vld [tilespmem:s26+$0xCB30];
	_ =	sdelay $0x4  }
0x270: {  	[tilespmem:$0x11730] =	vst v0  }
0x271: {  	v0 =	vld [tilespmem:s26+$0xCB40];
	_ =	sdelay $0x4  }
0x272: {  	[tilespmem:$0x11740] =	vst v0  }
0x273: {  	v0 =	vld [tilespmem:s26+$0xCB50];
	_ =	sdelay $0x4  }
0x274: {  	[tilespmem:$0x11750] =	vst v0  }
0x275: {  	v0 =	vld [tilespmem:s26+$0xCB60];
	_ =	sdelay $0x4  }
0x276: {  	[tilespmem:$0x11760] =	vst v0  }
0x277: {  	v0 =	vld [tilespmem:s26+$0xCB70];
	_ =	sdelay $0x1  }
.Ltmp19:
0x278: {  	_ = 	snop;
	(pc) =	sbr.rel .LBB2_4-.Ltmp19, $3  }
0x279: {  	_ =	sdelay $0x1  }
0x27a: {  	s30 =	simm.s32 $0x11700;
	s28 =	simm.s32 $0x11D00;
	s25 =	sadd.s32 $0xC00, s25;
	[tilespmem:$0x11770] =	vst v0  }
0x27b: {  	[tilespmem:s28], [sflag:$0x6] =	stream.indirect.gather [hbm4b:s6+s15], $0x1, s30, s15, $0xb8;
	[tilespmem:$0x12180] =	vst v63  }
.LBB2_27:
0x27c: {  	_ =	sfence.sel $0x180000  }
0x27d: {  	[bflag:$0x0] =	sbarrier.arrive $0xFFFF  }
0x27e: {  	_ =	strace $0x9000004A  }
0x27f: {  	s0 =	stileid.u32;
	[bflag:$0x2] =	sbarrier.arrive $0xFFFF  }
0x280: {  	p0 =	sne.s32 s0, $0x0;
	s0 =	rddreg [dreg:$0x2]  }
0x281: {  	s0 =	sadd.s32 @!p0 $0x100000, s0  }
0x282: {  	[sflag:s0] =	ssyncadd.tile.s32 @!p0 $0x1;
	_ =	shalt  }
.Lfunc_end2:
_tile_overlayer_lowered:
.L_overlay_start_2:
0x283: {  	(tag) =	ssettag $0x2  }
0x284: {  	s0 =	rddreg [dreg:$0x0];
	s2 =	stileid.u32  }
0x285: {  	s1 =	rddreg [dreg:$0x1];
	p0 =	sne.s32 s2, $0x0  }
0x286: {  	s3 =	rddreg [dreg:$0x2];
	[bflag:$0x3] =	sbarrier.arrive $0xFFFF;
	s2 =	simm.s32 @!p0 $0x1C0D  }
0x287: {  	[timem:s3], [sflag:s2] =	dma.local @!p0 [hbm:s0], s1  }
0x288: {  	s0 =	simm.s32 @!p0 $0xD  }
0x289: {  	_ =	swait.ge @!p0 [sflag:s0], s1  }
0x28a: {  	s1 =	ssub.s32 @!p0 $0x0, s1;
	[sflag:s0] =	ssyncset.done @!p0 $0x0  }
0x28b: {  	[sflag:s0] =	ssyncadd.s32 @!p0 s1  }
0x28c: {  	[bflag:$0x3] =	sbarrier.arrive $0xFFFF  }
0x28d: {  	_ =	shalt  }

</sc_bundles>
